<compile_context>
chip_gen: v7x
topology: tpu7x:2x2x1
jax: 0.10.2.dev20260603
libtpu: 0.0.44.dev20260713+nightly
codegen_flags: <defaults>
</compile_context>

<pallas_src>
import functools

import jax
import jax.numpy as jnp
from jax import lax
from jax.experimental import pallas as pl
from jax.experimental.pallas import tpu as pltpu
from jax.experimental.pallas import tpu_sc as plsc

N = 10000
NP = 10240
E = 320000
D = 128
G = 64
C = 16

NC = 2
NS = 16
NW = NC * NS
CHUNK = 128
NCH = 80
EPW = NCH * CHUNK
E2 = EPW * NW
RPT = NP // NS

RT = 1024
T = NP // RT


def _sc_segsum_body(h_hbm, src_hbm, dst3_hbm, zero_hbm, out_hbm,
                    sidx0, sidx1, didx_all, rows0, rows1, acc,
                    sem_si0, sem_si1, sem_g0, sem_g1, sem_s0, sem_s1):
    c = lax.axis_index("c")
    s = lax.axis_index("s")
    wid = s * NC + c
    base0 = wid * EPW

    sidx = (sidx0, sidx1)
    rows = (rows0, rows1)
    sem_si = (sem_si0, sem_si1)
    sem_g = (sem_g0, sem_g1)
    sem_s = (sem_s0, sem_s1)

    def load_sidx(chunk_i, b):
        base = base0 + chunk_i * CHUNK
        pltpu.sync_copy(src_hbm.at[pl.ds(base, CHUNK)], sidx[b])

    def issue_gather(b):
        pltpu.async_copy(h_hbm.at[sidx[b]], rows[b], sem_g[b])

    def wait_gather(b):
        pltpu.make_async_copy(h_hbm.at[sidx[b]], rows[b], sem_g[b]).wait()

    def issue_scatter(b, cidx):
        pltpu.async_copy(rows[b], acc.at[didx_all.at[cidx, 0]], sem_s[b], add=True)

    def wait_scatter(b):
        pltpu.make_async_copy(rows[b], acc.at[didx_all.at[0, 0]], sem_s[b]).wait()

    pltpu.sync_copy(dst3_hbm.at[pl.ds(wid * NCH, NCH)], didx_all)
    pltpu.sync_copy(zero_hbm.at[pl.ds(s * RPT, RPT)], acc.at[pl.ds(s * RPT, RPT)])

    load_sidx(0, 0)
    issue_gather(0)
    plsc.subcore_barrier()

    load_sidx(1, 1)
    issue_gather(1)
    wait_gather(0)
    issue_scatter(0, 0)
    load_sidx(2, 0)
    wait_scatter(0)
    issue_gather(0)
    wait_gather(1)
    issue_scatter(1, 1)

    def pair(k, carry):
        for j in range(2):
            cidx = 2 * k + j
            b = j
            b2 = 1 - j
            load_sidx(cidx + 1, b2)
            wait_scatter(b2)
            issue_gather(b2)
            wait_gather(b)
            issue_scatter(b, cidx)
        return carry

    lax.fori_loop(1, (NCH - 2) // 2, pair, 0)

    load_sidx(NCH - 1, 1)
    wait_scatter(1)
    issue_gather(1)
    wait_gather(0)
    issue_scatter(0, NCH - 2)
    wait_gather(1)
    issue_scatter(1, NCH - 1)
    wait_scatter(0)
    wait_scatter(1)

    plsc.subcore_barrier()
    pltpu.sync_copy(acc.at[pl.ds(s * RPT, RPT)], out_hbm.at[c, pl.ds(s * RPT, RPT)])


_sc_segsum = pl.kernel(
    _sc_segsum_body,
    out_type=jax.ShapeDtypeStruct((NC, NP, D), jnp.float32),
    mesh=plsc.VectorSubcoreMesh(core_axis_name="c", subcore_axis_name="s"),
    scratch_types=[
        pltpu.VMEM((CHUNK,), jnp.int32),
        pltpu.VMEM((CHUNK,), jnp.int32),
        pltpu.VMEM((NCH, 1, CHUNK), jnp.int32),
        pltpu.VMEM((CHUNK, D), jnp.float32),
        pltpu.VMEM((CHUNK, D), jnp.float32),
        pltpu.VMEM_SHARED((NP, D), jnp.float32),
        pltpu.SemaphoreType.DMA,
        pltpu.SemaphoreType.DMA,
        pltpu.SemaphoreType.DMA,
        pltpu.SemaphoreType.DMA,
        pltpu.SemaphoreType.DMA,
        pltpu.SemaphoreType.DMA,
    ],
)


def _layer_body(h_ref, a0_ref, a1_ref, w1_ref, w2_ref, b2_ref, g_ref, be_ref,
                batch_ref, hout_ref, p_ref, y1_scr, s1_scr, s2_scr):
    ph = pl.program_id(0)
    t = pl.program_id(1)

    @pl.when(jnp.logical_and(ph == 0, t == 0))
    def _init():
        s1_scr[...] = jnp.zeros_like(s1_scr)
        s2_scr[...] = jnp.zeros_like(s2_scr)

    @pl.when(ph == 0)
    def _phase0():
        z = h_ref[...] + a0_ref[...] + a1_ref[...]
        y1 = jnp.dot(z, w1_ref[...], preferred_element_type=jnp.float32)
        row = lax.broadcasted_iota(jnp.int32, (RT, D), 0) + t * RT
        y1 = jnp.where(row < N, y1, 0.0)
        off = pl.multiple_of(t * RT, RT)
        y1_scr[pl.ds(off, RT), :] = y1
        s1_scr[...] += jnp.sum(y1, axis=0, keepdims=True)
        s2_scr[...] += jnp.sum(y1 * y1, axis=0, keepdims=True)

    @pl.when(ph == 1)
    def _phase1():
        nreal = jnp.float32(N)
        mean = s1_scr[...] / nreal
        var = s2_scr[...] / nreal - mean * mean
        inv = lax.rsqrt(var + 1e-5)
        off = pl.multiple_of(t * RT, RT)
        y1 = y1_scr[pl.ds(off, RT), :]
        yn = (y1 - mean) * (inv * g_ref[...]) + be_ref[...]
        yn = jnp.maximum(yn, 0.0)
        y2 = jnp.dot(yn, w2_ref[...], preferred_element_type=jnp.float32)
        y2 = jnp.maximum(y2 + b2_ref[...], 0.0)
        row = lax.broadcasted_iota(jnp.int32, (RT, D), 0) + t * RT
        y2 = jnp.where(row < N, y2, 0.0)
        hout_ref[...] = y2
        bt = batch_ref[0, 0, :]
        gi = lax.broadcasted_iota(jnp.int32, (G, RT), 0)
        oh = (gi == bt[None, :]).astype(jnp.float32)
        ptile = jnp.dot(oh, y2, preferred_element_type=jnp.float32)

        @pl.when(t == 0)
        def _():
            p_ref[...] = ptile

        @pl.when(t > 0)
        def _():
            p_ref[...] += ptile


def _tc_layer(h, a0, a1, w1, w2, b2, g, be, batch3d):
    return pl.pallas_call(
        _layer_body,
        grid=(2, T),
        in_specs=[
            pl.BlockSpec((RT, D), lambda p, t: ((1 - p) * t, 0)),
            pl.BlockSpec((RT, D), lambda p, t: ((1 - p) * t, 0)),
            pl.BlockSpec((RT, D), lambda p, t: ((1 - p) * t, 0)),
            pl.BlockSpec((D, D), lambda p, t: (0, 0)),
            pl.BlockSpec((D, D), lambda p, t: (0, 0)),
            pl.BlockSpec((1, D), lambda p, t: (0, 0)),
            pl.BlockSpec((1, D), lambda p, t: (0, 0)),
            pl.BlockSpec((1, D), lambda p, t: (0, 0)),
            pl.BlockSpec((1, 1, RT), lambda p, t: (t, 0, 0)),
        ],
        out_specs=[
            pl.BlockSpec((RT, D), lambda p, t: (p * t, 0)),
            pl.BlockSpec((G, D), lambda p, t: (0, 0)),
        ],
        out_shape=[
            jax.ShapeDtypeStruct((NP, D), jnp.float32),
            jax.ShapeDtypeStruct((G, D), jnp.float32),
        ],
        scratch_shapes=[
            pltpu.VMEM((NP, D), jnp.float32),
            pltpu.VMEM((1, D), jnp.float32),
            pltpu.VMEM((1, D), jnp.float32),
        ],
        compiler_params=pltpu.CompilerParams(
            dimension_semantics=("arbitrary", "arbitrary")),
    )(h, a0, a1, w1, w2, b2, g, be, batch3d)


def _cls_body(p1_ref, p2_ref, p3_ref, w1a_ref, w1b_ref, w1c_ref, b1_ref,
              w2_ref, b2_ref, w3_ref, b3_ref, out_ref):
    z1 = (jnp.dot(p1_ref[...], w1a_ref[...], preferred_element_type=jnp.float32)
          + jnp.dot(p2_ref[...], w1b_ref[...], preferred_element_type=jnp.float32)
          + jnp.dot(p3_ref[...], w1c_ref[...], preferred_element_type=jnp.float32)
          + b1_ref[...])
    z1 = jnp.maximum(z1, 0.0)
    z2 = jnp.maximum(jnp.dot(z1, w2_ref[...], preferred_element_type=jnp.float32)
                     + b2_ref[...], 0.0)
    out_ref[...] = (jnp.dot(z2, w3_ref[...], preferred_element_type=jnp.float32)
                    + b3_ref[...])


def _tc_cls(p1, p2, p3, w1a, w1b, w1c, b1, w2p, b2p, w3p, b3p):
    return pl.pallas_call(
        _cls_body,
        out_shape=jax.ShapeDtypeStruct((G, D), jnp.float32),
    )(p1, p2, p3, w1a, w1b, w1c, b1, w2p, b2p, w3p, b3p)


def kernel(x, edge_index, batch,
           c1_w1, c1_b1, c1_g, c1_be, c1_w2, c1_b2,
           l2_w1, l2_b1, l2_g, l2_be, l2_w2, l2_b2,
           l3_w1, l3_b1, l3_g, l3_be, l3_w2, l3_b2,
           cls_w1, cls_b1, cls_w2, cls_b2, cls_w3, cls_b3):
    epad = jnp.arange(E2 - E, dtype=jnp.int32)
    src = jnp.concatenate([edge_index[0], epad % N])
    dst = jnp.concatenate([edge_index[1], N + (epad % (NP - N))])
    dst3 = dst.reshape(E2 // CHUNK, 1, CHUNK)
    zero = jnp.zeros((NP, D), jnp.float32)
    xp = jnp.pad(x, ((0, NP - N), (0, 0)))
    batch3d = jnp.pad(batch, (0, NP - N), constant_values=G).reshape(T, 1, RT)

    pools = []
    h = xp
    for (w1, w2, b2, g, be) in (
        (c1_w1, c1_w2, c1_b2, c1_g, c1_be),
        (l2_w1, l2_w2, l2_b2, l2_g, l2_be),
        (l3_w1, l3_w2, l3_b2, l3_g, l3_be),
    ):
        agg = _sc_segsum(h, src, dst3, zero)
        h, p = _tc_layer(h, agg[0], agg[1], w1, w2,
                         b2.reshape(1, D), g.reshape(1, D), be.reshape(1, D),
                         batch3d)
        pools.append(p)

    w1a, w1b, w1c = cls_w1[:D], cls_w1[D:2 * D], cls_w1[2 * D:]
    b1 = cls_b1.reshape(1, D)
    w2p = jnp.pad(cls_w2, ((0, 0), (0, D - cls_w2.shape[1])))
    b2p = jnp.pad(cls_b2, (0, D - cls_b2.shape[0])).reshape(1, D)
    w3p = jnp.pad(cls_w3, ((0, D - cls_w3.shape[0]), (0, D - cls_w3.shape[1])))
    b3p = jnp.pad(cls_b3, (0, D - cls_b3.shape[0])).reshape(1, D)

    outp = _tc_cls(pools[0], pools[1], pools[2],
                   w1a, w1b, w1c, b1, w2p, b2p, w3p, b3p)
    return outp[:, :C]

# --- scband reference (transcript-rebuilt; emitter-appended) ---
"""Pipeline reference for scband-simple-gin-55207509623273 (READ-ONLY COPY).

The authoritative reference and input builder live on the scoring server;
editing this copy changes nothing except your own understanding.
"""

import jax, jax.numpy as jnp
import numpy as np

N = 10000
E = 320000
D = 128
H = 128
C = 16
G = 64

def _lin(key, fan_in, fan_out):
    return (jax.random.normal(key, (fan_in, fan_out), dtype=jnp.float32) / np.sqrt(fan_in)).astype(jnp.float32)

def setup_inputs(seed: int = 0):
    key = jax.random.key(seed)
    ks = jax.random.split(key, 40)
    inp = {}
    inp["x"] = jax.random.normal(ks[0], (N, D), dtype=jnp.float32)
    inp["edge_index"] = jax.random.randint(ks[1], (2, E), 0, N, dtype=jnp.int32)
    inp["batch"] = jnp.sort(jax.random.randint(ks[2], (N,), 0, G, dtype=jnp.int32))
    i = 3
    for name, fi in [("c1", D), ("l2", H), ("l3", H)]:
        inp[name + "_w1"] = _lin(ks[i], fi, H); i += 1
        inp[name + "_b1"] = jnp.zeros((H,), jnp.float32)
        inp[name + "_g"] = jnp.ones((H,), jnp.float32)
        inp[name + "_be"] = jnp.zeros((H,), jnp.float32)
        inp[name + "_w2"] = _lin(ks[i], H, H); i += 1
        inp[name + "_b2"] = jnp.zeros((H,), jnp.float32)
    inp["cls_w1"] = _lin(ks[i], 3 * H, H); i += 1
    inp["cls_b1"] = jnp.zeros((H,), jnp.float32)
    inp["cls_w2"] = _lin(ks[i], H, H // 2); i += 1
    inp["cls_b2"] = jnp.zeros((H // 2,), jnp.float32)
    inp["cls_w3"] = _lin(ks[i], H // 2, C); i += 1
    inp["cls_b3"] = jnp.zeros((C,), jnp.float32)
    return inp

def _bn(h, g, b):
    m = jnp.mean(h, axis=0)
    v = jnp.var(h, axis=0)
    return (h - m) / jnp.sqrt(v + 1e-5) * g + b

def _gin(h, src, dst, w1, b1, g, be, w2, b2):
    # GINConv with eps=0: MLP(x + sum_{j->i} x_j)
    agg = jax.ops.segment_sum(h[src], dst, num_segments=h.shape[0])
    z = h + agg
    z = jax.nn.relu(_bn(z @ w1 + b1, g, be))
    z = jax.nn.relu(z @ w2 + b2)
    return z

def reference(x, edge_index, batch,
              c1_w1, c1_b1, c1_g, c1_be, c1_w2, c1_b2,
              l2_w1, l2_b1, l2_g, l2_be, l2_w2, l2_b2,
              l3_w1, l3_b1, l3_g, l3_be, l3_w2, l3_b2,
              cls_w1, cls_b1, cls_w2, cls_b2, cls_w3, cls_b3):
    src, dst = edge_index[0], edge_index[1]
    h1 = _gin(x, src, dst, c1_w1, c1_b1, c1_g, c1_be, c1_w2, c1_b2)
    h2 = _gin(h1, src, dst, l2_w1, l2_b1, l2_g, l2_be, l2_w2, l2_b2)
    h3 = _gin(h2, src, dst, l3_w1, l3_b1, l3_g, l3_be, l3_w2, l3_b2)
    p1 = jax.ops.segment_sum(h1, batch, num_segments=G)
    p2 = jax.ops.segment_sum(h2, batch, num_segments=G)
    p3 = jax.ops.segment_sum(h3, batch, num_segments=G)
    rep = jnp.concatenate([p1, p2, p3], axis=1)
    z = jax.nn.relu(rep @ cls_w1 + cls_b1)
    z = jax.nn.relu(z @ cls_w2 + cls_b2)
    return z @ cls_w3 + cls_b3

if __name__ == "__main__":
    import jax
    _d = setup_inputs()
    print(jax.jit(kernel)(*tuple(_d.values())))

</pallas_src>

<mosaic_0001>
#map = affine_map<(d0, d1) -> (0, 0)>
#map1 = affine_map<(d0, d1) -> (0)>
#map2 = affine_map<(d0, d1) -> (0, 0, 0)>
module attributes {stable_mosaic.version = 14 : i64} {
  func.func @_sc_segsum_body(%arg0: i32, %arg1: i32, %arg2: memref<10240x128xf32, #tpu.memory_space<hbm>>, %arg3: memref<327680xi32, #tpu.memory_space<hbm>>, %arg4: memref<2560x1x128xi32, #tpu.memory_space<hbm>>, %arg5: memref<10240x128xf32, #tpu.memory_space<hbm>>, %arg6: memref<2x10240x128xf32, #tpu.memory_space<hbm>>, %arg7: memref<128xi32, #tpu.memory_space<vmem>>, %arg8: memref<128xi32, #tpu.memory_space<vmem>>, %arg9: memref<80x1x128xi32, #tpu.memory_space<vmem>>, %arg10: memref<128x128xf32, #tpu.memory_space<vmem>>, %arg11: memref<128x128xf32, #tpu.memory_space<vmem>>, %arg12: memref<10240x128xf32, #tpu.memory_space<vmem_shared>>, %arg13: memref<!tpu.dma_semaphore, #tpu.memory_space<semaphore_mem>>, %arg14: memref<!tpu.dma_semaphore, #tpu.memory_space<semaphore_mem>>, %arg15: memref<!tpu.dma_semaphore, #tpu.memory_space<semaphore_mem>>, %arg16: memref<!tpu.dma_semaphore, #tpu.memory_space<semaphore_mem>>, %arg17: memref<!tpu.dma_semaphore, #tpu.memory_space<semaphore_mem>>, %arg18: memref<!tpu.dma_semaphore, #tpu.memory_space<semaphore_mem>>) attributes {dimension_semantics = [#tpu.dimension_semantics<core_parallel>, #tpu.dimension_semantics<subcore_parallel>], iteration_bounds = array<i64: 2, 16>, scalar_prefetch = 0 : i64, scratch_operands = 12 : i64, tpu.core_type = #tpu.core_type<sc_vector_subcore>, window_params = [{transform_indices = #map}, {transform_indices = #map1}, {transform_indices = #map2}, {transform_indices = #map}, {transform_indices = #map2}]} {
    %mul3A = arith.constant 2 : i32
    %mul3A_0 = arith.muli %arg1, %mul3A : i32
    %add3A = arith.addi %mul3A_0, %arg0 : i32
    %mul3A_1 = arith.constant 10240 : i32
    %mul3A_2 = arith.muli %add3A, %mul3A_1 : i32
    %mul3A_3 = arith.constant 80 : i32
    %mul3A_4 = arith.muli %add3A, %mul3A_3 : i32
    "tpu.region"() ({
      %run_scoped3A = tpu.sem_alloc : memref<!tpu.dma_semaphore, #tpu.memory_space<semaphore_mem>>
      %dma_start3A_113 = arith.constant 0 : i32
      %dma_start3A_114 = arith.constant 0 : i32
      %dma_start3A_115 = tpu.memref_slice %arg4[%mul3A_4, %dma_start3A_113, %dma_start3A_114] : memref<2560x1x128xi32, #tpu.memory_space<hbm>> -> memref<80x1x128xi32, #tpu.memory_space<hbm>>
      %dma_start3A_116 = arith.constant 0 : i32
      %dma_start3A_117 = arith.constant 0 : i32
      %dma_start3A_118 = tpu.memref_slice %arg4[%mul3A_4, %dma_start3A_116, %dma_start3A_117] : memref<2560x1x128xi32, #tpu.memory_space<hbm>> -> memref<80x1x128xi32, #tpu.memory_space<hbm>>
      tpu.enqueue_dma source(%dma_start3A_118 : memref<80x1x128xi32, #tpu.memory_space<hbm>>) target(%arg9 : memref<80x1x128xi32, #tpu.memory_space<vmem>>) target_semaphore(%run_scoped3A : memref<!tpu.dma_semaphore, #tpu.memory_space<semaphore_mem>>)
      %dma_wait3A_119 = arith.constant 0 : i32
      %dma_wait3A_120 = arith.constant 0 : i32
      %dma_wait3A_121 = tpu.memref_slice %arg4[%mul3A_4, %dma_wait3A_119, %dma_wait3A_120] : memref<2560x1x128xi32, #tpu.memory_space<hbm>> -> memref<80x1x128xi32, #tpu.memory_space<hbm>>
      %dma_wait3A_122 = arith.constant 0 : i32
      %dma_wait3A_123 = arith.constant 0 : i32
      %dma_wait3A_124 = tpu.memref_slice %arg4[%mul3A_4, %dma_wait3A_122, %dma_wait3A_123] : memref<2560x1x128xi32, #tpu.memory_space<hbm>> -> memref<80x1x128xi32, #tpu.memory_space<hbm>>
      tpu.wait_dma2 semaphore(%run_scoped3A : memref<!tpu.dma_semaphore, #tpu.memory_space<semaphore_mem>>) src(%dma_wait3A_124 : memref<80x1x128xi32, #tpu.memory_space<hbm>>) dst(%arg9 : memref<80x1x128xi32, #tpu.memory_space<vmem>>)
      tpu.yield
    }) : () -> ()
    %mul3A_5 = arith.constant 640 : i32
    %mul3A_6 = arith.muli %arg1, %mul3A_5 : i32
    %mul3A_7 = arith.constant 640 : i32
    %mul3A_8 = arith.muli %arg1, %mul3A_7 : i32
    "tpu.region"() ({
      %run_scoped3A = tpu.sem_alloc : memref<!tpu.dma_semaphore, #tpu.memory_space<semaphore_mem>>
      %dma_start3A_113 = arith.constant 0 : i32
      %dma_start3A_114 = tpu.memref_slice %arg12[%mul3A_8, %dma_start3A_113] : memref<10240x128xf32, #tpu.memory_space<vmem_shared>> -> memref<640x128xf32, #tpu.memory_space<vmem_shared>>
      %dma_start3A_115 = arith.constant 0 : i32
      %dma_start3A_116 = tpu.memref_slice %arg5[%mul3A_6, %dma_start3A_115] : memref<10240x128xf32, #tpu.memory_space<hbm>> -> memref<640x128xf32, #tpu.memory_space<hbm>>
      tpu.enqueue_dma source(%dma_start3A_116 : memref<640x128xf32, #tpu.memory_space<hbm>>) target(%dma_start3A_114 : memref<640x128xf32, #tpu.memory_space<vmem_shared>>) target_semaphore(%run_scoped3A : memref<!tpu.dma_semaphore, #tpu.memory_space<semaphore_mem>>)
      %dma_wait3A_117 = arith.constant 0 : i32
      %dma_wait3A_118 = tpu.memref_slice %arg12[%mul3A_8, %dma_wait3A_117] : memref<10240x128xf32, #tpu.memory_space<vmem_shared>> -> memref<640x128xf32, #tpu.memory_space<vmem_shared>>
      %dma_wait3A_119 = arith.constant 0 : i32
      %dma_wait3A_120 = tpu.memref_slice %arg5[%mul3A_6, %dma_wait3A_119] : memref<10240x128xf32, #tpu.memory_space<hbm>> -> memref<640x128xf32, #tpu.memory_space<hbm>>
      tpu.wait_dma2 semaphore(%run_scoped3A : memref<!tpu.dma_semaphore, #tpu.memory_space<semaphore_mem>>) src(%dma_wait3A_120 : memref<640x128xf32, #tpu.memory_space<hbm>>) dst(%dma_wait3A_118 : memref<640x128xf32, #tpu.memory_space<vmem_shared>>)
      tpu.yield
    }) : () -> ()
    %add3A_9 = arith.constant 0 : i32
    %add3A_10 = arith.addi %mul3A_2, %add3A_9 : i32
    "tpu.region"() ({
      %run_scoped3A = tpu.sem_alloc : memref<!tpu.dma_semaphore, #tpu.memory_space<semaphore_mem>>
      %dma_start3A_113 = tpu.memref_slice %arg3[%add3A_10] : memref<327680xi32, #tpu.memory_space<hbm>> -> memref<128xi32, #tpu.memory_space<hbm>>
      %dma_start3A_114 = tpu.memref_slice %arg3[%add3A_10] : memref<327680xi32, #tpu.memory_space<hbm>> -> memref<128xi32, #tpu.memory_space<hbm>>
      tpu.enqueue_dma source(%dma_start3A_114 : memref<128xi32, #tpu.memory_space<hbm>>) target(%arg7 : memref<128xi32, #tpu.memory_space<vmem>>) target_semaphore(%run_scoped3A : memref<!tpu.dma_semaphore, #tpu.memory_space<semaphore_mem>>)
      %dma_wait3A_115 = tpu.memref_slice %arg3[%add3A_10] : memref<327680xi32, #tpu.memory_space<hbm>> -> memref<128xi32, #tpu.memory_space<hbm>>
      %dma_wait3A_116 = tpu.memref_slice %arg3[%add3A_10] : memref<327680xi32, #tpu.memory_space<hbm>> -> memref<128xi32, #tpu.memory_space<hbm>>
      tpu.wait_dma2 semaphore(%run_scoped3A : memref<!tpu.dma_semaphore, #tpu.memory_space<semaphore_mem>>) src(%dma_wait3A_116 : memref<128xi32, #tpu.memory_space<hbm>>) dst(%arg7 : memref<128xi32, #tpu.memory_space<vmem>>)
      tpu.yield
    }) : () -> ()
    %dma_start3A = arith.constant 0 : i32
    %dma_start3A_11 = arith.constant 0 : i32
    %dma_start3A_12 = tpu.memref_slice %arg2[%dma_start3A, %dma_start3A_11] : memref<10240x128xf32, #tpu.memory_space<hbm>> -> memref<10240x128xf32, #tpu.memory_space<hbm>>
    tpu.enqueue_indirect_dma source(%dma_start3A_12 : memref<10240x128xf32, #tpu.memory_space<hbm>>) target(%arg10 : memref<128x128xf32, #tpu.memory_space<vmem>>) offsets(%arg7 : memref<128xi32, #tpu.memory_space<vmem>>) semaphore(%arg15 : memref<!tpu.dma_semaphore, #tpu.memory_space<semaphore_mem>>)
    %barrier3A = arith.constant 0 : index
    tpu.barrier barrier_id(%barrier3A)
    %add3A_13 = arith.constant 128 : i32
    %add3A_14 = arith.addi %mul3A_2, %add3A_13 : i32
    "tpu.region"() ({
      %run_scoped3A = tpu.sem_alloc : memref<!tpu.dma_semaphore, #tpu.memory_space<semaphore_mem>>
      %dma_start3A_113 = tpu.memref_slice %arg3[%add3A_14] : memref<327680xi32, #tpu.memory_space<hbm>> -> memref<128xi32, #tpu.memory_space<hbm>>
      %dma_start3A_114 = tpu.memref_slice %arg3[%add3A_14] : memref<327680xi32, #tpu.memory_space<hbm>> -> memref<128xi32, #tpu.memory_space<hbm>>
      tpu.enqueue_dma source(%dma_start3A_114 : memref<128xi32, #tpu.memory_space<hbm>>) target(%arg8 : memref<128xi32, #tpu.memory_space<vmem>>) target_semaphore(%run_scoped3A : memref<!tpu.dma_semaphore, #tpu.memory_space<semaphore_mem>>)
      %dma_wait3A_115 = tpu.memref_slice %arg3[%add3A_14] : memref<327680xi32, #tpu.memory_space<hbm>> -> memref<128xi32, #tpu.memory_space<hbm>>
      %dma_wait3A_116 = tpu.memref_slice %arg3[%add3A_14] : memref<327680xi32, #tpu.memory_space<hbm>> -> memref<128xi32, #tpu.memory_space<hbm>>
      tpu.wait_dma2 semaphore(%run_scoped3A : memref<!tpu.dma_semaphore, #tpu.memory_space<semaphore_mem>>) src(%dma_wait3A_116 : memref<128xi32, #tpu.memory_space<hbm>>) dst(%arg8 : memref<128xi32, #tpu.memory_space<vmem>>)
      tpu.yield
    }) : () -> ()
    %dma_start3A_15 = arith.constant 0 : i32
    %dma_start3A_16 = arith.constant 0 : i32
    %dma_start3A_17 = tpu.memref_slice %arg2[%dma_start3A_15, %dma_start3A_16] : memref<10240x128xf32, #tpu.memory_space<hbm>> -> memref<10240x128xf32, #tpu.memory_space<hbm>>
    tpu.enqueue_indirect_dma source(%dma_start3A_17 : memref<10240x128xf32, #tpu.memory_space<hbm>>) target(%arg11 : memref<128x128xf32, #tpu.memory_space<vmem>>) offsets(%arg8 : memref<128xi32, #tpu.memory_space<vmem>>) semaphore(%arg16 : memref<!tpu.dma_semaphore, #tpu.memory_space<semaphore_mem>>)
    %dma_wait3A = arith.constant 0 : i32
    %dma_wait3A_18 = arith.constant 0 : i32
    %dma_wait3A_19 = tpu.memref_slice %arg2[%dma_wait3A, %dma_wait3A_18] : memref<10240x128xf32, #tpu.memory_space<hbm>> -> memref<10240x128xf32, #tpu.memory_space<hbm>>
    tpu.wait_indirect_dma semaphore(%arg15 : memref<!tpu.dma_semaphore, #tpu.memory_space<semaphore_mem>>) src(%dma_wait3A_19 : memref<10240x128xf32, #tpu.memory_space<hbm>>) dst(%arg10 : memref<128x128xf32, #tpu.memory_space<vmem>>)
    %dma_start3A_20 = arith.constant 0 : i32
    %dma_start3A_21 = arith.constant 0 : i32
    %dma_start3A_22 = arith.constant 0 : i32
    %dma_start3A_23 = tpu.memref_slice %arg9[%dma_start3A_20, %dma_start3A_21, %dma_start3A_22] : memref<80x1x128xi32, #tpu.memory_space<vmem>> -> memref<1x1x128xi32, #tpu.memory_space<vmem>>
    %dma_start3A_24 = tpu.memref_squeeze %dma_start3A_23 : memref<1x1x128xi32, #tpu.memory_space<vmem>> -> memref<128xi32, #tpu.memory_space<vmem>>
    %dma_start3A_25 = arith.constant 0 : i32
    %dma_start3A_26 = arith.constant 0 : i32
    %dma_start3A_27 = tpu.memref_slice %arg12[%dma_start3A_25, %dma_start3A_26] : memref<10240x128xf32, #tpu.memory_space<vmem_shared>> -> memref<10240x128xf32, #tpu.memory_space<vmem_shared>>
    tpu.enqueue_indirect_dma source(%arg10 : memref<128x128xf32, #tpu.memory_space<vmem>>) target(%dma_start3A_27 : memref<10240x128xf32, #tpu.memory_space<vmem_shared>>) offsets(%dma_start3A_24 : memref<128xi32, #tpu.memory_space<vmem>>) semaphore(%arg17 : memref<!tpu.dma_semaphore, #tpu.memory_space<semaphore_mem>>) {add = true}
    %add3A_28 = arith.constant 256 : i32
    %add3A_29 = arith.addi %mul3A_2, %add3A_28 : i32
    "tpu.region"() ({
      %run_scoped3A = tpu.sem_alloc : memref<!tpu.dma_semaphore, #tpu.memory_space<semaphore_mem>>
      %dma_start3A_113 = tpu.memref_slice %arg3[%add3A_29] : memref<327680xi32, #tpu.memory_space<hbm>> -> memref<128xi32, #tpu.memory_space<hbm>>
      %dma_start3A_114 = tpu.memref_slice %arg3[%add3A_29] : memref<327680xi32, #tpu.memory_space<hbm>> -> memref<128xi32, #tpu.memory_space<hbm>>
      tpu.enqueue_dma source(%dma_start3A_114 : memref<128xi32, #tpu.memory_space<hbm>>) target(%arg7 : memref<128xi32, #tpu.memory_space<vmem>>) target_semaphore(%run_scoped3A : memref<!tpu.dma_semaphore, #tpu.memory_space<semaphore_mem>>)
      %dma_wait3A_115 = tpu.memref_slice %arg3[%add3A_29] : memref<327680xi32, #tpu.memory_space<hbm>> -> memref<128xi32, #tpu.memory_space<hbm>>
      %dma_wait3A_116 = tpu.memref_slice %arg3[%add3A_29] : memref<327680xi32, #tpu.memory_space<hbm>> -> memref<128xi32, #tpu.memory_space<hbm>>
      tpu.wait_dma2 semaphore(%run_scoped3A : memref<!tpu.dma_semaphore, #tpu.memory_space<semaphore_mem>>) src(%dma_wait3A_116 : memref<128xi32, #tpu.memory_space<hbm>>) dst(%arg7 : memref<128xi32, #tpu.memory_space<vmem>>)
      tpu.yield
    }) : () -> ()
    %dma_wait3A_30 = arith.constant 0 : i32
    %dma_wait3A_31 = arith.constant 0 : i32
    %dma_wait3A_32 = arith.constant 0 : i32
    %dma_wait3A_33 = tpu.memref_slice %arg9[%dma_wait3A_30, %dma_wait3A_31, %dma_wait3A_32] : memref<80x1x128xi32, #tpu.memory_space<vmem>> -> memref<1x1x128xi32, #tpu.memory_space<vmem>>
    %dma_wait3A_34 = tpu.memref_squeeze %dma_wait3A_33 : memref<1x1x128xi32, #tpu.memory_space<vmem>> -> memref<128xi32, #tpu.memory_space<vmem>>
    %dma_wait3A_35 = arith.constant 0 : i32
    %dma_wait3A_36 = arith.constant 0 : i32
    %dma_wait3A_37 = tpu.memref_slice %arg12[%dma_wait3A_35, %dma_wait3A_36] : memref<10240x128xf32, #tpu.memory_space<vmem_shared>> -> memref<10240x128xf32, #tpu.memory_space<vmem_shared>>
    tpu.wait_indirect_dma semaphore(%arg17 : memref<!tpu.dma_semaphore, #tpu.memory_space<semaphore_mem>>) src(%arg10 : memref<128x128xf32, #tpu.memory_space<vmem>>) dst(%dma_wait3A_37 : memref<10240x128xf32, #tpu.memory_space<vmem_shared>>)
    %dma_start3A_38 = arith.constant 0 : i32
    %dma_start3A_39 = arith.constant 0 : i32
    %dma_start3A_40 = tpu.memref_slice %arg2[%dma_start3A_38, %dma_start3A_39] : memref<10240x128xf32, #tpu.memory_space<hbm>> -> memref<10240x128xf32, #tpu.memory_space<hbm>>
    tpu.enqueue_indirect_dma source(%dma_start3A_40 : memref<10240x128xf32, #tpu.memory_space<hbm>>) target(%arg10 : memref<128x128xf32, #tpu.memory_space<vmem>>) offsets(%arg7 : memref<128xi32, #tpu.memory_space<vmem>>) semaphore(%arg15 : memref<!tpu.dma_semaphore, #tpu.memory_space<semaphore_mem>>)
    %dma_wait3A_41 = arith.constant 0 : i32
    %dma_wait3A_42 = arith.constant 0 : i32
    %dma_wait3A_43 = tpu.memref_slice %arg2[%dma_wait3A_41, %dma_wait3A_42] : memref<10240x128xf32, #tpu.memory_space<hbm>> -> memref<10240x128xf32, #tpu.memory_space<hbm>>
    tpu.wait_indirect_dma semaphore(%arg16 : memref<!tpu.dma_semaphore, #tpu.memory_space<semaphore_mem>>) src(%dma_wait3A_43 : memref<10240x128xf32, #tpu.memory_space<hbm>>) dst(%arg11 : memref<128x128xf32, #tpu.memory_space<vmem>>)
    %dma_start3A_44 = arith.constant 1 : i32
    %dma_start3A_45 = arith.constant 0 : i32
    %dma_start3A_46 = arith.constant 0 : i32
    %dma_start3A_47 = tpu.memref_slice %arg9[%dma_start3A_44, %dma_start3A_45, %dma_start3A_46] : memref<80x1x128xi32, #tpu.memory_space<vmem>> -> memref<1x1x128xi32, #tpu.memory_space<vmem>>
    %dma_start3A_48 = tpu.memref_squeeze %dma_start3A_47 : memref<1x1x128xi32, #tpu.memory_space<vmem>> -> memref<128xi32, #tpu.memory_space<vmem>>
    %dma_start3A_49 = arith.constant 0 : i32
    %dma_start3A_50 = arith.constant 0 : i32
    %dma_start3A_51 = tpu.memref_slice %arg12[%dma_start3A_49, %dma_start3A_50] : memref<10240x128xf32, #tpu.memory_space<vmem_shared>> -> memref<10240x128xf32, #tpu.memory_space<vmem_shared>>
    tpu.enqueue_indirect_dma source(%arg11 : memref<128x128xf32, #tpu.memory_space<vmem>>) target(%dma_start3A_51 : memref<10240x128xf32, #tpu.memory_space<vmem_shared>>) offsets(%dma_start3A_48 : memref<128xi32, #tpu.memory_space<vmem>>) semaphore(%arg18 : memref<!tpu.dma_semaphore, #tpu.memory_space<semaphore_mem>>) {add = true}
    %scan3A = arith.constant 0 : i32
    %scan3A_52 = arith.constant 1 : i32
    %scan3A_53 = arith.constant 38 : i32
    %scan3A_54 = arith.addi %scan3A_52, %scan3A_53 : i32
    %scan3A_55 = arith.constant 1 : i32
    scf.for %scan3A_113 = %scan3A_52 to %scan3A_54 step %scan3A_55  : i32 {
      %mul3A_114 = arith.constant 2 : i32
      %mul3A_115 = arith.muli %mul3A_114, %scan3A_113 : i32
      %add3A_116 = arith.constant 0 : i32
      %add3A_117 = arith.addi %mul3A_115, %add3A_116 : i32
      %add3A_118 = arith.constant 1 : i32
      %add3A_119 = arith.addi %add3A_117, %add3A_118 : i32
      %mul3A_120 = arith.constant 128 : i32
      %mul3A_121 = arith.muli %add3A_119, %mul3A_120 : i32
      %add3A_122 = arith.addi %mul3A_2, %mul3A_121 : i32
      "tpu.region"() ({
        %run_scoped3A = tpu.sem_alloc : memref<!tpu.dma_semaphore, #tpu.memory_space<semaphore_mem>>
        %dma_start3A_174 = tpu.memref_slice %arg3[%add3A_122] : memref<327680xi32, #tpu.memory_space<hbm>> -> memref<128xi32, #tpu.memory_space<hbm>>
        %dma_start3A_175 = tpu.memref_slice %arg3[%add3A_122] : memref<327680xi32, #tpu.memory_space<hbm>> -> memref<128xi32, #tpu.memory_space<hbm>>
        tpu.enqueue_dma source(%dma_start3A_175 : memref<128xi32, #tpu.memory_space<hbm>>) target(%arg8 : memref<128xi32, #tpu.memory_space<vmem>>) target_semaphore(%run_scoped3A : memref<!tpu.dma_semaphore, #tpu.memory_space<semaphore_mem>>)
        %dma_wait3A_176 = tpu.memref_slice %arg3[%add3A_122] : memref<327680xi32, #tpu.memory_space<hbm>> -> memref<128xi32, #tpu.memory_space<hbm>>
        %dma_wait3A_177 = tpu.memref_slice %arg3[%add3A_122] : memref<327680xi32, #tpu.memory_space<hbm>> -> memref<128xi32, #tpu.memory_space<hbm>>
        tpu.wait_dma2 semaphore(%run_scoped3A : memref<!tpu.dma_semaphore, #tpu.memory_space<semaphore_mem>>) src(%dma_wait3A_177 : memref<128xi32, #tpu.memory_space<hbm>>) dst(%arg8 : memref<128xi32, #tpu.memory_space<vmem>>)
        tpu.yield
      }) : () -> ()
      %dma_wait3A_123 = arith.constant 0 : i32
      %dma_wait3A_124 = arith.constant 0 : i32
      %dma_wait3A_125 = arith.constant 0 : i32
      %dma_wait3A_126 = tpu.memref_slice %arg9[%dma_wait3A_123, %dma_wait3A_124, %dma_wait3A_125] : memref<80x1x128xi32, #tpu.memory_space<vmem>> -> memref<1x1x128xi32, #tpu.memory_space<vmem>>
      %dma_wait3A_127 = tpu.memref_squeeze %dma_wait3A_126 : memref<1x1x128xi32, #tpu.memory_space<vmem>> -> memref<128xi32, #tpu.memory_space<vmem>>
      %dma_wait3A_128 = arith.constant 0 : i32
      %dma_wait3A_129 = arith.constant 0 : i32
      %dma_wait3A_130 = tpu.memref_slice %arg12[%dma_wait3A_128, %dma_wait3A_129] : memref<10240x128xf32, #tpu.memory_space<vmem_shared>> -> memref<10240x128xf32, #tpu.memory_space<vmem_shared>>
      tpu.wait_indirect_dma semaphore(%arg18 : memref<!tpu.dma_semaphore, #tpu.memory_space<semaphore_mem>>) src(%arg11 : memref<128x128xf32, #tpu.memory_space<vmem>>) dst(%dma_wait3A_130 : memref<10240x128xf32, #tpu.memory_space<vmem_shared>>)
      %dma_start3A_131 = arith.constant 0 : i32
      %dma_start3A_132 = arith.constant 0 : i32
      %dma_start3A_133 = tpu.memref_slice %arg2[%dma_start3A_131, %dma_start3A_132] : memref<10240x128xf32, #tpu.memory_space<hbm>> -> memref<10240x128xf32, #tpu.memory_space<hbm>>
      tpu.enqueue_indirect_dma source(%dma_start3A_133 : memref<10240x128xf32, #tpu.memory_space<hbm>>) target(%arg11 : memref<128x128xf32, #tpu.memory_space<vmem>>) offsets(%arg8 : memref<128xi32, #tpu.memory_space<vmem>>) semaphore(%arg16 : memref<!tpu.dma_semaphore, #tpu.memory_space<semaphore_mem>>)
      %dma_wait3A_134 = arith.constant 0 : i32
      %dma_wait3A_135 = arith.constant 0 : i32
      %dma_wait3A_136 = tpu.memref_slice %arg2[%dma_wait3A_134, %dma_wait3A_135] : memref<10240x128xf32, #tpu.memory_space<hbm>> -> memref<10240x128xf32, #tpu.memory_space<hbm>>
      tpu.wait_indirect_dma semaphore(%arg15 : memref<!tpu.dma_semaphore, #tpu.memory_space<semaphore_mem>>) src(%dma_wait3A_136 : memref<10240x128xf32, #tpu.memory_space<hbm>>) dst(%arg10 : memref<128x128xf32, #tpu.memory_space<vmem>>)
      %dma_start3A_137 = arith.constant 0 : i32
      %dma_start3A_138 = arith.constant 0 : i32
      %dma_start3A_139 = tpu.memref_slice %arg9[%add3A_117, %dma_start3A_137, %dma_start3A_138] : memref<80x1x128xi32, #tpu.memory_space<vmem>> -> memref<1x1x128xi32, #tpu.memory_space<vmem>>
      %dma_start3A_140 = tpu.memref_squeeze %dma_start3A_139 : memref<1x1x128xi32, #tpu.memory_space<vmem>> -> memref<128xi32, #tpu.memory_space<vmem>>
      %dma_start3A_141 = arith.constant 0 : i32
      %dma_start3A_142 = arith.constant 0 : i32
      %dma_start3A_143 = tpu.memref_slice %arg12[%dma_start3A_141, %dma_start3A_142] : memref<10240x128xf32, #tpu.memory_space<vmem_shared>> -> memref<10240x128xf32, #tpu.memory_space<vmem_shared>>
      tpu.enqueue_indirect_dma source(%arg10 : memref<128x128xf32, #tpu.memory_space<vmem>>) target(%dma_start3A_143 : memref<10240x128xf32, #tpu.memory_space<vmem_shared>>) offsets(%dma_start3A_140 : memref<128xi32, #tpu.memory_space<vmem>>) semaphore(%arg17 : memref<!tpu.dma_semaphore, #tpu.memory_space<semaphore_mem>>) {add = true}
      %mul3A_144 = arith.constant 2 : i32
      %mul3A_145 = arith.muli %mul3A_144, %scan3A_113 : i32
      %add3A_146 = arith.constant 1 : i32
      %add3A_147 = arith.addi %mul3A_145, %add3A_146 : i32
      %add3A_148 = arith.constant 1 : i32
      %add3A_149 = arith.addi %add3A_147, %add3A_148 : i32
      %mul3A_150 = arith.constant 128 : i32
      %mul3A_151 = arith.muli %add3A_149, %mul3A_150 : i32
      %add3A_152 = arith.addi %mul3A_2, %mul3A_151 : i32
      "tpu.region"() ({
        %run_scoped3A = tpu.sem_alloc : memref<!tpu.dma_semaphore, #tpu.memory_space<semaphore_mem>>
        %dma_start3A_174 = tpu.memref_slice %arg3[%add3A_152] : memref<327680xi32, #tpu.memory_space<hbm>> -> memref<128xi32, #tpu.memory_space<hbm>>
        %dma_start3A_175 = tpu.memref_slice %arg3[%add3A_152] : memref<327680xi32, #tpu.memory_space<hbm>> -> memref<128xi32, #tpu.memory_space<hbm>>
        tpu.enqueue_dma source(%dma_start3A_175 : memref<128xi32, #tpu.memory_space<hbm>>) target(%arg7 : memref<128xi32, #tpu.memory_space<vmem>>) target_semaphore(%run_scoped3A : memref<!tpu.dma_semaphore, #tpu.memory_space<semaphore_mem>>)
        %dma_wait3A_176 = tpu.memref_slice %arg3[%add3A_152] : memref<327680xi32, #tpu.memory_space<hbm>> -> memref<128xi32, #tpu.memory_space<hbm>>
        %dma_wait3A_177 = tpu.memref_slice %arg3[%add3A_152] : memref<327680xi32, #tpu.memory_space<hbm>> -> memref<128xi32, #tpu.memory_space<hbm>>
        tpu.wait_dma2 semaphore(%run_scoped3A : memref<!tpu.dma_semaphore, #tpu.memory_space<semaphore_mem>>) src(%dma_wait3A_177 : memref<128xi32, #tpu.memory_space<hbm>>) dst(%arg7 : memref<128xi32, #tpu.memory_space<vmem>>)
        tpu.yield
      }) : () -> ()
      %dma_wait3A_153 = arith.constant 0 : i32
      %dma_wait3A_154 = arith.constant 0 : i32
      %dma_wait3A_155 = arith.constant 0 : i32
      %dma_wait3A_156 = tpu.memref_slice %arg9[%dma_wait3A_153, %dma_wait3A_154, %dma_wait3A_155] : memref<80x1x128xi32, #tpu.memory_space<vmem>> -> memref<1x1x128xi32, #tpu.memory_space<vmem>>
      %dma_wait3A_157 = tpu.memref_squeeze %dma_wait3A_156 : memref<1x1x128xi32, #tpu.memory_space<vmem>> -> memref<128xi32, #tpu.memory_space<vmem>>
      %dma_wait3A_158 = arith.constant 0 : i32
      %dma_wait3A_159 = arith.constant 0 : i32
      %dma_wait3A_160 = tpu.memref_slice %arg12[%dma_wait3A_158, %dma_wait3A_159] : memref<10240x128xf32, #tpu.memory_space<vmem_shared>> -> memref<10240x128xf32, #tpu.memory_space<vmem_shared>>
      tpu.wait_indirect_dma semaphore(%arg17 : memref<!tpu.dma_semaphore, #tpu.memory_space<semaphore_mem>>) src(%arg10 : memref<128x128xf32, #tpu.memory_space<vmem>>) dst(%dma_wait3A_160 : memref<10240x128xf32, #tpu.memory_space<vmem_shared>>)
      %dma_start3A_161 = arith.constant 0 : i32
      %dma_start3A_162 = arith.constant 0 : i32
      %dma_start3A_163 = tpu.memref_slice %arg2[%dma_start3A_161, %dma_start3A_162] : memref<10240x128xf32, #tpu.memory_space<hbm>> -> memref<10240x128xf32, #tpu.memory_space<hbm>>
      tpu.enqueue_indirect_dma source(%dma_start3A_163 : memref<10240x128xf32, #tpu.memory_space<hbm>>) target(%arg10 : memref<128x128xf32, #tpu.memory_space<vmem>>) offsets(%arg7 : memref<128xi32, #tpu.memory_space<vmem>>) semaphore(%arg15 : memref<!tpu.dma_semaphore, #tpu.memory_space<semaphore_mem>>)
      %dma_wait3A_164 = arith.constant 0 : i32
      %dma_wait3A_165 = arith.constant 0 : i32
      %dma_wait3A_166 = tpu.memref_slice %arg2[%dma_wait3A_164, %dma_wait3A_165] : memref<10240x128xf32, #tpu.memory_space<hbm>> -> memref<10240x128xf32, #tpu.memory_space<hbm>>
      tpu.wait_indirect_dma semaphore(%arg16 : memref<!tpu.dma_semaphore, #tpu.memory_space<semaphore_mem>>) src(%dma_wait3A_166 : memref<10240x128xf32, #tpu.memory_space<hbm>>) dst(%arg11 : memref<128x128xf32, #tpu.memory_space<vmem>>)
      %dma_start3A_167 = arith.constant 0 : i32
      %dma_start3A_168 = arith.constant 0 : i32
      %dma_start3A_169 = tpu.memref_slice %arg9[%add3A_147, %dma_start3A_167, %dma_start3A_168] : memref<80x1x128xi32, #tpu.memory_space<vmem>> -> memref<1x1x128xi32, #tpu.memory_space<vmem>>
      %dma_start3A_170 = tpu.memref_squeeze %dma_start3A_169 : memref<1x1x128xi32, #tpu.memory_space<vmem>> -> memref<128xi32, #tpu.memory_space<vmem>>
      %dma_start3A_171 = arith.constant 0 : i32
      %dma_start3A_172 = arith.constant 0 : i32
      %dma_start3A_173 = tpu.memref_slice %arg12[%dma_start3A_171, %dma_start3A_172] : memref<10240x128xf32, #tpu.memory_space<vmem_shared>> -> memref<10240x128xf32, #tpu.memory_space<vmem_shared>>
      tpu.enqueue_indirect_dma source(%arg11 : memref<128x128xf32, #tpu.memory_space<vmem>>) target(%dma_start3A_173 : memref<10240x128xf32, #tpu.memory_space<vmem_shared>>) offsets(%dma_start3A_170 : memref<128xi32, #tpu.memory_space<vmem>>) semaphore(%arg18 : memref<!tpu.dma_semaphore, #tpu.memory_space<semaphore_mem>>) {add = true}
    }
    %scan3A_56 = arith.constant 38 : i32
    %add3A_57 = arith.constant 10112 : i32
    %add3A_58 = arith.addi %mul3A_2, %add3A_57 : i32
    "tpu.region"() ({
      %run_scoped3A = tpu.sem_alloc : memref<!tpu.dma_semaphore, #tpu.memory_space<semaphore_mem>>
      %dma_start3A_113 = tpu.memref_slice %arg3[%add3A_58] : memref<327680xi32, #tpu.memory_space<hbm>> -> memref<128xi32, #tpu.memory_space<hbm>>
      %dma_start3A_114 = tpu.memref_slice %arg3[%add3A_58] : memref<327680xi32, #tpu.memory_space<hbm>> -> memref<128xi32, #tpu.memory_space<hbm>>
      tpu.enqueue_dma source(%dma_start3A_114 : memref<128xi32, #tpu.memory_space<hbm>>) target(%arg8 : memref<128xi32, #tpu.memory_space<vmem>>) target_semaphore(%run_scoped3A : memref<!tpu.dma_semaphore, #tpu.memory_space<semaphore_mem>>)
      %dma_wait3A_115 = tpu.memref_slice %arg3[%add3A_58] : memref<327680xi32, #tpu.memory_space<hbm>> -> memref<128xi32, #tpu.memory_space<hbm>>
      %dma_wait3A_116 = tpu.memref_slice %arg3[%add3A_58] : memref<327680xi32, #tpu.memory_space<hbm>> -> memref<128xi32, #tpu.memory_space<hbm>>
      tpu.wait_dma2 semaphore(%run_scoped3A : memref<!tpu.dma_semaphore, #tpu.memory_space<semaphore_mem>>) src(%dma_wait3A_116 : memref<128xi32, #tpu.memory_space<hbm>>) dst(%arg8 : memref<128xi32, #tpu.memory_space<vmem>>)
      tpu.yield
    }) : () -> ()
    %dma_wait3A_59 = arith.constant 0 : i32
    %dma_wait3A_60 = arith.constant 0 : i32
    %dma_wait3A_61 = arith.constant 0 : i32
    %dma_wait3A_62 = tpu.memref_slice %arg9[%dma_wait3A_59, %dma_wait3A_60, %dma_wait3A_61] : memref<80x1x128xi32, #tpu.memory_space<vmem>> -> memref<1x1x128xi32, #tpu.memory_space<vmem>>
    %dma_wait3A_63 = tpu.memref_squeeze %dma_wait3A_62 : memref<1x1x128xi32, #tpu.memory_space<vmem>> -> memref<128xi32, #tpu.memory_space<vmem>>
    %dma_wait3A_64 = arith.constant 0 : i32
    %dma_wait3A_65 = arith.constant 0 : i32
    %dma_wait3A_66 = tpu.memref_slice %arg12[%dma_wait3A_64, %dma_wait3A_65] : memref<10240x128xf32, #tpu.memory_space<vmem_shared>> -> memref<10240x128xf32, #tpu.memory_space<vmem_shared>>
    tpu.wait_indirect_dma semaphore(%arg18 : memref<!tpu.dma_semaphore, #tpu.memory_space<semaphore_mem>>) src(%arg11 : memref<128x128xf32, #tpu.memory_space<vmem>>) dst(%dma_wait3A_66 : memref<10240x128xf32, #tpu.memory_space<vmem_shared>>)
    %dma_start3A_67 = arith.constant 0 : i32
    %dma_start3A_68 = arith.constant 0 : i32
    %dma_start3A_69 = tpu.memref_slice %arg2[%dma_start3A_67, %dma_start3A_68] : memref<10240x128xf32, #tpu.memory_space<hbm>> -> memref<10240x128xf32, #tpu.memory_space<hbm>>
    tpu.enqueue_indirect_dma source(%dma_start3A_69 : memref<10240x128xf32, #tpu.memory_space<hbm>>) target(%arg11 : memref<128x128xf32, #tpu.memory_space<vmem>>) offsets(%arg8 : memref<128xi32, #tpu.memory_space<vmem>>) semaphore(%arg16 : memref<!tpu.dma_semaphore, #tpu.memory_space<semaphore_mem>>)
    %dma_wait3A_70 = arith.constant 0 : i32
    %dma_wait3A_71 = arith.constant 0 : i32
    %dma_wait3A_72 = tpu.memref_slice %arg2[%dma_wait3A_70, %dma_wait3A_71] : memref<10240x128xf32, #tpu.memory_space<hbm>> -> memref<10240x128xf32, #tpu.memory_space<hbm>>
    tpu.wait_indirect_dma semaphore(%arg15 : memref<!tpu.dma_semaphore, #tpu.memory_space<semaphore_mem>>) src(%dma_wait3A_72 : memref<10240x128xf32, #tpu.memory_space<hbm>>) dst(%arg10 : memref<128x128xf32, #tpu.memory_space<vmem>>)
    %dma_start3A_73 = arith.constant 78 : i32
    %dma_start3A_74 = arith.constant 0 : i32
    %dma_start3A_75 = arith.constant 0 : i32
    %dma_start3A_76 = tpu.memref_slice %arg9[%dma_start3A_73, %dma_start3A_74, %dma_start3A_75] : memref<80x1x128xi32, #tpu.memory_space<vmem>> -> memref<1x1x128xi32, #tpu.memory_space<vmem>>
    %dma_start3A_77 = tpu.memref_squeeze %dma_start3A_76 : memref<1x1x128xi32, #tpu.memory_space<vmem>> -> memref<128xi32, #tpu.memory_space<vmem>>
    %dma_start3A_78 = arith.constant 0 : i32
    %dma_start3A_79 = arith.constant 0 : i32
    %dma_start3A_80 = tpu.memref_slice %arg12[%dma_start3A_78, %dma_start3A_79] : memref<10240x128xf32, #tpu.memory_space<vmem_shared>> -> memref<10240x128xf32, #tpu.memory_space<vmem_shared>>
    tpu.enqueue_indirect_dma source(%arg10 : memref<128x128xf32, #tpu.memory_space<vmem>>) target(%dma_start3A_80 : memref<10240x128xf32, #tpu.memory_space<vmem_shared>>) offsets(%dma_start3A_77 : memref<128xi32, #tpu.memory_space<vmem>>) semaphore(%arg17 : memref<!tpu.dma_semaphore, #tpu.memory_space<semaphore_mem>>) {add = true}
    %dma_wait3A_81 = arith.constant 0 : i32
    %dma_wait3A_82 = arith.constant 0 : i32
    %dma_wait3A_83 = tpu.memref_slice %arg2[%dma_wait3A_81, %dma_wait3A_82] : memref<10240x128xf32, #tpu.memory_space<hbm>> -> memref<10240x128xf32, #tpu.memory_space<hbm>>
    tpu.wait_indirect_dma semaphore(%arg16 : memref<!tpu.dma_semaphore, #tpu.memory_space<semaphore_mem>>) src(%dma_wait3A_83 : memref<10240x128xf32, #tpu.memory_space<hbm>>) dst(%arg11 : memref<128x128xf32, #tpu.memory_space<vmem>>)
    %dma_start3A_84 = arith.constant 79 : i32
    %dma_start3A_85 = arith.constant 0 : i32
    %dma_start3A_86 = arith.constant 0 : i32
    %dma_start3A_87 = tpu.memref_slice %arg9[%dma_start3A_84, %dma_start3A_85, %dma_start3A_86] : memref<80x1x128xi32, #tpu.memory_space<vmem>> -> memref<1x1x128xi32, #tpu.memory_space<vmem>>
    %dma_start3A_88 = tpu.memref_squeeze %dma_start3A_87 : memref<1x1x128xi32, #tpu.memory_space<vmem>> -> memref<128xi32, #tpu.memory_space<vmem>>
    %dma_start3A_89 = arith.constant 0 : i32
    %dma_start3A_90 = arith.constant 0 : i32
    %dma_start3A_91 = tpu.memref_slice %arg12[%dma_start3A_89, %dma_start3A_90] : memref<10240x128xf32, #tpu.memory_space<vmem_shared>> -> memref<10240x128xf32, #tpu.memory_space<vmem_shared>>
    tpu.enqueue_indirect_dma source(%arg11 : memref<128x128xf32, #tpu.memory_space<vmem>>) target(%dma_start3A_91 : memref<10240x128xf32, #tpu.memory_space<vmem_shared>>) offsets(%dma_start3A_88 : memref<128xi32, #tpu.memory_space<vmem>>) semaphore(%arg18 : memref<!tpu.dma_semaphore, #tpu.memory_space<semaphore_mem>>) {add = true}
    %dma_wait3A_92 = arith.constant 0 : i32
    %dma_wait3A_93 = arith.constant 0 : i32
    %dma_wait3A_94 = arith.constant 0 : i32
    %dma_wait3A_95 = tpu.memref_slice %arg9[%dma_wait3A_92, %dma_wait3A_93, %dma_wait3A_94] : memref<80x1x128xi32, #tpu.memory_space<vmem>> -> memref<1x1x128xi32, #tpu.memory_space<vmem>>
    %dma_wait3A_96 = tpu.memref_squeeze %dma_wait3A_95 : memref<1x1x128xi32, #tpu.memory_space<vmem>> -> memref<128xi32, #tpu.memory_space<vmem>>
    %dma_wait3A_97 = arith.constant 0 : i32
    %dma_wait3A_98 = arith.constant 0 : i32
    %dma_wait3A_99 = tpu.memref_slice %arg12[%dma_wait3A_97, %dma_wait3A_98] : memref<10240x128xf32, #tpu.memory_space<vmem_shared>> -> memref<10240x128xf32, #tpu.memory_space<vmem_shared>>
    tpu.wait_indirect_dma semaphore(%arg17 : memref<!tpu.dma_semaphore, #tpu.memory_space<semaphore_mem>>) src(%arg10 : memref<128x128xf32, #tpu.memory_space<vmem>>) dst(%dma_wait3A_99 : memref<10240x128xf32, #tpu.memory_space<vmem_shared>>)
    %dma_wait3A_100 = arith.constant 0 : i32
    %dma_wait3A_101 = arith.constant 0 : i32
    %dma_wait3A_102 = arith.constant 0 : i32
    %dma_wait3A_103 = tpu.memref_slice %arg9[%dma_wait3A_100, %dma_wait3A_101, %dma_wait3A_102] : memref<80x1x128xi32, #tpu.memory_space<vmem>> -> memref<1x1x128xi32, #tpu.memory_space<vmem>>
    %dma_wait3A_104 = tpu.memref_squeeze %dma_wait3A_103 : memref<1x1x128xi32, #tpu.memory_space<vmem>> -> memref<128xi32, #tpu.memory_space<vmem>>
    %dma_wait3A_105 = arith.constant 0 : i32
    %dma_wait3A_106 = arith.constant 0 : i32
    %dma_wait3A_107 = tpu.memref_slice %arg12[%dma_wait3A_105, %dma_wait3A_106] : memref<10240x128xf32, #tpu.memory_space<vmem_shared>> -> memref<10240x128xf32, #tpu.memory_space<vmem_shared>>
    tpu.wait_indirect_dma semaphore(%arg18 : memref<!tpu.dma_semaphore, #tpu.memory_space<semaphore_mem>>) src(%arg11 : memref<128x128xf32, #tpu.memory_space<vmem>>) dst(%dma_wait3A_107 : memref<10240x128xf32, #tpu.memory_space<vmem_shared>>)
    %barrier3A_108 = arith.constant 0 : index
    tpu.barrier barrier_id(%barrier3A_108)
    %mul3A_109 = arith.constant 640 : i32
    %mul3A_110 = arith.muli %arg1, %mul3A_109 : i32
    %mul3A_111 = arith.constant 640 : i32
    %mul3A_112 = arith.muli %arg1, %mul3A_111 : i32
    "tpu.region"() ({
      %run_scoped3A = tpu.sem_alloc : memref<!tpu.dma_semaphore, #tpu.memory_space<semaphore_mem>>
      %dma_start3A_113 = arith.constant 0 : i32
      %dma_start3A_114 = tpu.memref_slice %arg6[%arg0, %mul3A_112, %dma_start3A_113] : memref<2x10240x128xf32, #tpu.memory_space<hbm>> -> memref<1x640x128xf32, #tpu.memory_space<hbm>>
      %dma_start3A_115 = tpu.memref_squeeze %dma_start3A_114 : memref<1x640x128xf32, #tpu.memory_space<hbm>> -> memref<640x128xf32, #tpu.memory_space<hbm>>
      %dma_start3A_116 = arith.constant 0 : i32
      %dma_start3A_117 = tpu.memref_slice %arg12[%mul3A_110, %dma_start3A_116] : memref<10240x128xf32, #tpu.memory_space<vmem_shared>> -> memref<640x128xf32, #tpu.memory_space<vmem_shared>>
      tpu.enqueue_dma source(%dma_start3A_117 : memref<640x128xf32, #tpu.memory_space<vmem_shared>>) target(%dma_start3A_115 : memref<640x128xf32, #tpu.memory_space<hbm>>) target_semaphore(%run_scoped3A : memref<!tpu.dma_semaphore, #tpu.memory_space<semaphore_mem>>)
      %dma_wait3A_118 = arith.constant 0 : i32
      %dma_wait3A_119 = tpu.memref_slice %arg6[%arg0, %mul3A_112, %dma_wait3A_118] : memref<2x10240x128xf32, #tpu.memory_space<hbm>> -> memref<1x640x128xf32, #tpu.memory_space<hbm>>
      %dma_wait3A_120 = tpu.memref_squeeze %dma_wait3A_119 : memref<1x640x128xf32, #tpu.memory_space<hbm>> -> memref<640x128xf32, #tpu.memory_space<hbm>>
      %dma_wait3A_121 = arith.constant 0 : i32
      %dma_wait3A_122 = tpu.memref_slice %arg12[%mul3A_110, %dma_wait3A_121] : memref<10240x128xf32, #tpu.memory_space<vmem_shared>> -> memref<640x128xf32, #tpu.memory_space<vmem_shared>>
      tpu.wait_dma2 semaphore(%run_scoped3A : memref<!tpu.dma_semaphore, #tpu.memory_space<semaphore_mem>>) src(%dma_wait3A_122 : memref<640x128xf32, #tpu.memory_space<vmem_shared>>) dst(%dma_wait3A_120 : memref<640x128xf32, #tpu.memory_space<hbm>>)
      tpu.yield
    }) : () -> ()
    return
  }
}

#map = affine_map<(d0, d1) -> (0, 0)>
#map1 = affine_map<(d0, d1) -> (0)>
#map2 = affine_map<(d0, d1) -> (0, 0, 0)>
module attributes {stable_mosaic.version = 14 : i64} {
  func.func @_sc_segsum_body(%arg0: i32, %arg1: i32, %arg2: memref<10240x128xf32, #tpu.memory_space<hbm>>, %arg3: memref<327680xi32, #tpu.memory_space<hbm>>, %arg4: memref<2560x1x128xi32, #tpu.memory_space<hbm>>, %arg5: memref<10240x128xf32, #tpu.memory_space<hbm>>, %arg6: memref<2x10240x128xf32, #tpu.memory_space<hbm>>, %arg7: memref<128xi32, #tpu.memory_space<vmem>>, %arg8: memref<128xi32, #tpu.memory_space<vmem>>, %arg9: memref<80x1x128xi32, #tpu.memory_space<vmem>>, %arg10: memref<128x128xf32, #tpu.memory_space<vmem>>, %arg11: memref<128x128xf32, #tpu.memory_space<vmem>>, %arg12: memref<10240x128xf32, #tpu.memory_space<vmem_shared>>, %arg13: memref<!tpu.dma_semaphore, #tpu.memory_space<semaphore_mem>>, %arg14: memref<!tpu.dma_semaphore, #tpu.memory_space<semaphore_mem>>, %arg15: memref<!tpu.dma_semaphore, #tpu.memory_space<semaphore_mem>>, %arg16: memref<!tpu.dma_semaphore, #tpu.memory_space<semaphore_mem>>, %arg17: memref<!tpu.dma_semaphore, #tpu.memory_space<semaphore_mem>>, %arg18: memref<!tpu.dma_semaphore, #tpu.memory_space<semaphore_mem>>) attributes {dimension_semantics = [#tpu.dimension_semantics<core_parallel>, #tpu.dimension_semantics<subcore_parallel>], iteration_bounds = array<i64: 2, 16>, scalar_prefetch = 0 : i64, scratch_operands = 12 : i64, tpu.core_type = #tpu.core_type<sc_vector_subcore>, window_params = [{transform_indices = #map}, {transform_indices = #map1}, {transform_indices = #map2}, {transform_indices = #map}, {transform_indices = #map2}]} {
    %mul3A = arith.constant 2 : i32
    %mul3A_0 = arith.muli %arg1, %mul3A : i32
    %add3A = arith.addi %mul3A_0, %arg0 : i32
    %mul3A_1 = arith.constant 10240 : i32
    %mul3A_2 = arith.muli %add3A, %mul3A_1 : i32
    %mul3A_3 = arith.constant 80 : i32
    %mul3A_4 = arith.muli %add3A, %mul3A_3 : i32
    "tpu.region"() ({
      %run_scoped3A = tpu.sem_alloc : memref<!tpu.dma_semaphore, #tpu.memory_space<semaphore_mem>>
      %dma_start3A_113 = arith.constant 0 : i32
      %dma_start3A_114 = arith.constant 0 : i32
      %dma_start3A_115 = tpu.memref_slice %arg4[%mul3A_4, %dma_start3A_113, %dma_start3A_114] : memref<2560x1x128xi32, #tpu.memory_space<hbm>> -> memref<80x1x128xi32, #tpu.memory_space<hbm>>
      %dma_start3A_116 = arith.constant 0 : i32
      %dma_start3A_117 = arith.constant 0 : i32
      %dma_start3A_118 = tpu.memref_slice %arg4[%mul3A_4, %dma_start3A_116, %dma_start3A_117] : memref<2560x1x128xi32, #tpu.memory_space<hbm>> -> memref<80x1x128xi32, #tpu.memory_space<hbm>>
      tpu.enqueue_dma source(%dma_start3A_118 : memref<80x1x128xi32, #tpu.memory_space<hbm>>) target(%arg9 : memref<80x1x128xi32, #tpu.memory_space<vmem>>) target_semaphore(%run_scoped3A : memref<!tpu.dma_semaphore, #tpu.memory_space<semaphore_mem>>)
      %dma_wait3A_119 = arith.constant 0 : i32
      %dma_wait3A_120 = arith.constant 0 : i32
      %dma_wait3A_121 = tpu.memref_slice %arg4[%mul3A_4, %dma_wait3A_119, %dma_wait3A_120] : memref<2560x1x128xi32, #tpu.memory_space<hbm>> -> memref<80x1x128xi32, #tpu.memory_space<hbm>>
      %dma_wait3A_122 = arith.constant 0 : i32
      %dma_wait3A_123 = arith.constant 0 : i32
      %dma_wait3A_124 = tpu.memref_slice %arg4[%mul3A_4, %dma_wait3A_122, %dma_wait3A_123] : memref<2560x1x128xi32, #tpu.memory_space<hbm>> -> memref<80x1x128xi32, #tpu.memory_space<hbm>>
      tpu.wait_dma2 semaphore(%run_scoped3A : memref<!tpu.dma_semaphore, #tpu.memory_space<semaphore_mem>>) src(%dma_wait3A_124 : memref<80x1x128xi32, #tpu.memory_space<hbm>>) dst(%arg9 : memref<80x1x128xi32, #tpu.memory_space<vmem>>)
      tpu.yield
    }) : () -> ()
    %mul3A_5 = arith.constant 640 : i32
    %mul3A_6 = arith.muli %arg1, %mul3A_5 : i32
    %mul3A_7 = arith.constant 640 : i32
    %mul3A_8 = arith.muli %arg1, %mul3A_7 : i32
    "tpu.region"() ({
      %run_scoped3A = tpu.sem_alloc : memref<!tpu.dma_semaphore, #tpu.memory_space<semaphore_mem>>
      %dma_start3A_113 = arith.constant 0 : i32
      %dma_start3A_114 = tpu.memref_slice %arg12[%mul3A_8, %dma_start3A_113] : memref<10240x128xf32, #tpu.memory_space<vmem_shared>> -> memref<640x128xf32, #tpu.memory_space<vmem_shared>>
      %dma_start3A_115 = arith.constant 0 : i32
      %dma_start3A_116 = tpu.memref_slice %arg5[%mul3A_6, %dma_start3A_115] : memref<10240x128xf32, #tpu.memory_space<hbm>> -> memref<640x128xf32, #tpu.memory_space<hbm>>
      tpu.enqueue_dma source(%dma_start3A_116 : memref<640x128xf32, #tpu.memory_space<hbm>>) target(%dma_start3A_114 : memref<640x128xf32, #tpu.memory_space<vmem_shared>>) target_semaphore(%run_scoped3A : memref<!tpu.dma_semaphore, #tpu.memory_space<semaphore_mem>>)
      %dma_wait3A_117 = arith.constant 0 : i32
      %dma_wait3A_118 = tpu.memref_slice %arg12[%mul3A_8, %dma_wait3A_117] : memref<10240x128xf32, #tpu.memory_space<vmem_shared>> -> memref<640x128xf32, #tpu.memory_space<vmem_shared>>
      %dma_wait3A_119 = arith.constant 0 : i32
      %dma_wait3A_120 = tpu.memref_slice %arg5[%mul3A_6, %dma_wait3A_119] : memref<10240x128xf32, #tpu.memory_space<hbm>> -> memref<640x128xf32, #tpu.memory_space<hbm>>
      tpu.wait_dma2 semaphore(%run_scoped3A : memref<!tpu.dma_semaphore, #tpu.memory_space<semaphore_mem>>) src(%dma_wait3A_120 : memref<640x128xf32, #tpu.memory_space<hbm>>) dst(%dma_wait3A_118 : memref<640x128xf32, #tpu.memory_space<vmem_shared>>)
      tpu.yield
    }) : () -> ()
    %add3A_9 = arith.constant 0 : i32
    %add3A_10 = arith.addi %mul3A_2, %add3A_9 : i32
    "tpu.region"() ({
      %run_scoped3A = tpu.sem_alloc : memref<!tpu.dma_semaphore, #tpu.memory_space<semaphore_mem>>
      %dma_start3A_113 = tpu.memref_slice %arg3[%add3A_10] : memref<327680xi32, #tpu.memory_space<hbm>> -> memref<128xi32, #tpu.memory_space<hbm>>
      %dma_start3A_114 = tpu.memref_slice %arg3[%add3A_10] : memref<327680xi32, #tpu.memory_space<hbm>> -> memref<128xi32, #tpu.memory_space<hbm>>
      tpu.enqueue_dma source(%dma_start3A_114 : memref<128xi32, #tpu.memory_space<hbm>>) target(%arg7 : memref<128xi32, #tpu.memory_space<vmem>>) target_semaphore(%run_scoped3A : memref<!tpu.dma_semaphore, #tpu.memory_space<semaphore_mem>>)
      %dma_wait3A_115 = tpu.memref_slice %arg3[%add3A_10] : memref<327680xi32, #tpu.memory_space<hbm>> -> memref<128xi32, #tpu.memory_space<hbm>>
      %dma_wait3A_116 = tpu.memref_slice %arg3[%add3A_10] : memref<327680xi32, #tpu.memory_space<hbm>> -> memref<128xi32, #tpu.memory_space<hbm>>
      tpu.wait_dma2 semaphore(%run_scoped3A : memref<!tpu.dma_semaphore, #tpu.memory_space<semaphore_mem>>) src(%dma_wait3A_116 : memref<128xi32, #tpu.memory_space<hbm>>) dst(%arg7 : memref<128xi32, #tpu.memory_space<vmem>>)
      tpu.yield
    }) : () -> ()
    %dma_start3A = arith.constant 0 : i32
    %dma_start3A_11 = arith.constant 0 : i32
    %dma_start3A_12 = tpu.memref_slice %arg2[%dma_start3A, %dma_start3A_11] : memref<10240x128xf32, #tpu.memory_space<hbm>> -> memref<10240x128xf32, #tpu.memory_space<hbm>>
    tpu.enqueue_indirect_dma source(%dma_start3A_12 : memref<10240x128xf32, #tpu.memory_space<hbm>>) target(%arg10 : memref<128x128xf32, #tpu.memory_space<vmem>>) offsets(%arg7 : memref<128xi32, #tpu.memory_space<vmem>>) semaphore(%arg15 : memref<!tpu.dma_semaphore, #tpu.memory_space<semaphore_mem>>)
    %barrier3A = arith.constant 0 : index
    tpu.barrier barrier_id(%barrier3A)
    %add3A_13 = arith.constant 128 : i32
    %add3A_14 = arith.addi %mul3A_2, %add3A_13 : i32
    "tpu.region"() ({
      %run_scoped3A = tpu.sem_alloc : memref<!tpu.dma_semaphore, #tpu.memory_space<semaphore_mem>>
      %dma_start3A_113 = tpu.memref_slice %arg3[%add3A_14] : memref<327680xi32, #tpu.memory_space<hbm>> -> memref<128xi32, #tpu.memory_space<hbm>>
      %dma_start3A_114 = tpu.memref_slice %arg3[%add3A_14] : memref<327680xi32, #tpu.memory_space<hbm>> -> memref<128xi32, #tpu.memory_space<hbm>>
      tpu.enqueue_dma source(%dma_start3A_114 : memref<128xi32, #tpu.memory_space<hbm>>) target(%arg8 : memref<128xi32, #tpu.memory_space<vmem>>) target_semaphore(%run_scoped3A : memref<!tpu.dma_semaphore, #tpu.memory_space<semaphore_mem>>)
      %dma_wait3A_115 = tpu.memref_slice %arg3[%add3A_14] : memref<327680xi32, #tpu.memory_space<hbm>> -> memref<128xi32, #tpu.memory_space<hbm>>
      %dma_wait3A_116 = tpu.memref_slice %arg3[%add3A_14] : memref<327680xi32, #tpu.memory_space<hbm>> -> memref<128xi32, #tpu.memory_space<hbm>>
      tpu.wait_dma2 semaphore(%run_scoped3A : memref<!tpu.dma_semaphore, #tpu.memory_space<semaphore_mem>>) src(%dma_wait3A_116 : memref<128xi32, #tpu.memory_space<hbm>>) dst(%arg8 : memref<128xi32, #tpu.memory_space<vmem>>)
      tpu.yield
    }) : () -> ()
    %dma_start3A_15 = arith.constant 0 : i32
    %dma_start3A_16 = arith.constant 0 : i32
    %dma_start3A_17 = tpu.memref_slice %arg2[%dma_start3A_15, %dma_start3A_16] : memref<10240x128xf32, #tpu.memory_space<hbm>> -> memref<10240x128xf32, #tpu.memory_space<hbm>>
    tpu.enqueue_indirect_dma source(%dma_start3A_17 : memref<10240x128xf32, #tpu.memory_space<hbm>>) target(%arg11 : memref<128x128xf32, #tpu.memory_space<vmem>>) offsets(%arg8 : memref<128xi32, #tpu.memory_space<vmem>>) semaphore(%arg16 : memref<!tpu.dma_semaphore, #tpu.memory_space<semaphore_mem>>)
    %dma_wait3A = arith.constant 0 : i32
    %dma_wait3A_18 = arith.constant 0 : i32
    %dma_wait3A_19 = tpu.memref_slice %arg2[%dma_wait3A, %dma_wait3A_18] : memref<10240x128xf32, #tpu.memory_space<hbm>> -> memref<10240x128xf32, #tpu.memory_space<hbm>>
    tpu.wait_indirect_dma semaphore(%arg15 : memref<!tpu.dma_semaphore, #tpu.memory_space<semaphore_mem>>) src(%dma_wait3A_19 : memref<10240x128xf32, #tpu.memory_space<hbm>>) dst(%arg10 : memref<128x128xf32, #tpu.memory_space<vmem>>)
    %dma_start3A_20 = arith.constant 0 : i32
    %dma_start3A_21 = arith.constant 0 : i32
    %dma_start3A_22 = arith.constant 0 : i32
    %dma_start3A_23 = tpu.memref_slice %arg9[%dma_start3A_20, %dma_start3A_21, %dma_start3A_22] : memref<80x1x128xi32, #tpu.memory_space<vmem>> -> memref<1x1x128xi32, #tpu.memory_space<vmem>>
    %dma_start3A_24 = tpu.memref_squeeze %dma_start3A_23 : memref<1x1x128xi32, #tpu.memory_space<vmem>> -> memref<128xi32, #tpu.memory_space<vmem>>
    %dma_start3A_25 = arith.constant 0 : i32
    %dma_start3A_26 = arith.constant 0 : i32
    %dma_start3A_27 = tpu.memref_slice %arg12[%dma_start3A_25, %dma_start3A_26] : memref<10240x128xf32, #tpu.memory_space<vmem_shared>> -> memref<10240x128xf32, #tpu.memory_space<vmem_shared>>
    tpu.enqueue_indirect_dma source(%arg10 : memref<128x128xf32, #tpu.memory_space<vmem>>) target(%dma_start3A_27 : memref<10240x128xf32, #tpu.memory_space<vmem_shared>>) offsets(%dma_start3A_24 : memref<128xi32, #tpu.memory_space<vmem>>) semaphore(%arg17 : memref<!tpu.dma_semaphore, #tpu.memory_space<semaphore_mem>>) {add = true}
    %add3A_28 = arith.constant 256 : i32
    %add3A_29 = arith.addi %mul3A_2, %add3A_28 : i32
    "tpu.region"() ({
      %run_scoped3A = tpu.sem_alloc : memref<!tpu.dma_semaphore, #tpu.memory_space<semaphore_mem>>
      %dma_start3A_113 = tpu.memref_slice %arg3[%add3A_29] : memref<327680xi32, #tpu.memory_space<hbm>> -> memref<128xi32, #tpu.memory_space<hbm>>
      %dma_start3A_114 = tpu.memref_slice %arg3[%add3A_29] : memref<327680xi32, #tpu.memory_space<hbm>> -> memref<128xi32, #tpu.memory_space<hbm>>
      tpu.enqueue_dma source(%dma_start3A_114 : memref<128xi32, #tpu.memory_space<hbm>>) target(%arg7 : memref<128xi32, #tpu.memory_space<vmem>>) target_semaphore(%run_scoped3A : memref<!tpu.dma_semaphore, #tpu.memory_space<semaphore_mem>>)
      %dma_wait3A_115 = tpu.memref_slice %arg3[%add3A_29] : memref<327680xi32, #tpu.memory_space<hbm>> -> memref<128xi32, #tpu.memory_space<hbm>>
      %dma_wait3A_116 = tpu.memref_slice %arg3[%add3A_29] : memref<327680xi32, #tpu.memory_space<hbm>> -> memref<128xi32, #tpu.memory_space<hbm>>
      tpu.wait_dma2 semaphore(%run_scoped3A : memref<!tpu.dma_semaphore, #tpu.memory_space<semaphore_mem>>) src(%dma_wait3A_116 : memref<128xi32, #tpu.memory_space<hbm>>) dst(%arg7 : memref<128xi32, #tpu.memory_space<vmem>>)
      tpu.yield
    }) : () -> ()
    %dma_wait3A_30 = arith.constant 0 : i32
    %dma_wait3A_31 = arith.constant 0 : i32
    %dma_wait3A_32 = arith.constant 0 : i32
    %dma_wait3A_33 = tpu.memref_slice %arg9[%dma_wait3A_30, %dma_wait3A_31, %dma_wait3A_32] : memref<80x1x128xi32, #tpu.memory_space<vmem>> -> memref<1x1x128xi32, #tpu.memory_space<vmem>>
    %dma_wait3A_34 = tpu.memref_squeeze %dma_wait3A_33 : memref<1x1x128xi32, #tpu.memory_space<vmem>> -> memref<128xi32, #tpu.memory_space<vmem>>
    %dma_wait3A_35 = arith.constant 0 : i32
    %dma_wait3A_36 = arith.constant 0 : i32
    %dma_wait3A_37 = tpu.memref_slice %arg12[%dma_wait3A_35, %dma_wait3A_36] : memref<10240x128xf32, #tpu.memory_space<vmem_shared>> -> memref<10240x128xf32, #tpu.memory_space<vmem_shared>>
    tpu.wait_indirect_dma semaphore(%arg17 : memref<!tpu.dma_semaphore, #tpu.memory_space<semaphore_mem>>) src(%arg10 : memref<128x128xf32, #tpu.memory_space<vmem>>) dst(%dma_wait3A_37 : memref<10240x128xf32, #tpu.memory_space<vmem_shared>>)
    %dma_start3A_38 = arith.constant 0 : i32
    %dma_start3A_39 = arith.constant 0 : i32
    %dma_start3A_40 = tpu.memref_slice %arg2[%dma_start3A_38, %dma_start3A_39] : memref<10240x128xf32, #tpu.memory_space<hbm>> -> memref<10240x128xf32, #tpu.memory_space<hbm>>
    tpu.enqueue_indirect_dma source(%dma_start3A_40 : memref<10240x128xf32, #tpu.memory_space<hbm>>) target(%arg10 : memref<128x128xf32, #tpu.memory_space<vmem>>) offsets(%arg7 : memref<128xi32, #tpu.memory_space<vmem>>) semaphore(%arg15 : memref<!tpu.dma_semaphore, #tpu.memory_space<semaphore_mem>>)
    %dma_wait3A_41 = arith.constant 0 : i32
    %dma_wait3A_42 = arith.constant 0 : i32
    %dma_wait3A_43 = tpu.memref_slice %arg2[%dma_wait3A_41, %dma_wait3A_42] : memref<10240x128xf32, #tpu.memory_space<hbm>> -> memref<10240x128xf32, #tpu.memory_space<hbm>>
    tpu.wait_indirect_dma semaphore(%arg16 : memref<!tpu.dma_semaphore, #tpu.memory_space<semaphore_mem>>) src(%dma_wait3A_43 : memref<10240x128xf32, #tpu.memory_space<hbm>>) dst(%arg11 : memref<128x128xf32, #tpu.memory_space<vmem>>)
    %dma_start3A_44 = arith.constant 1 : i32
    %dma_start3A_45 = arith.constant 0 : i32
    %dma_start3A_46 = arith.constant 0 : i32
    %dma_start3A_47 = tpu.memref_slice %arg9[%dma_start3A_44, %dma_start3A_45, %dma_start3A_46] : memref<80x1x128xi32, #tpu.memory_space<vmem>> -> memref<1x1x128xi32, #tpu.memory_space<vmem>>
    %dma_start3A_48 = tpu.memref_squeeze %dma_start3A_47 : memref<1x1x128xi32, #tpu.memory_space<vmem>> -> memref<128xi32, #tpu.memory_space<vmem>>
    %dma_start3A_49 = arith.constant 0 : i32
    %dma_start3A_50 = arith.constant 0 : i32
    %dma_start3A_51 = tpu.memref_slice %arg12[%dma_start3A_49, %dma_start3A_50] : memref<10240x128xf32, #tpu.memory_space<vmem_shared>> -> memref<10240x128xf32, #tpu.memory_space<vmem_shared>>
    tpu.enqueue_indirect_dma source(%arg11 : memref<128x128xf32, #tpu.memory_space<vmem>>) target(%dma_start3A_51 : memref<10240x128xf32, #tpu.memory_space<vmem_shared>>) offsets(%dma_start3A_48 : memref<128xi32, #tpu.memory_space<vmem>>) semaphore(%arg18 : memref<!tpu.dma_semaphore, #tpu.memory_space<semaphore_mem>>) {add = true}
    %scan3A = arith.constant 0 : i32
    %scan3A_52 = arith.constant 1 : i32
    %scan3A_53 = arith.constant 38 : i32
    %scan3A_54 = arith.addi %scan3A_52, %scan3A_53 : i32
    %scan3A_55 = arith.constant 1 : i32
    scf.for %scan3A_113 = %scan3A_52 to %scan3A_54 step %scan3A_55  : i32 {
      %mul3A_114 = arith.constant 2 : i32
      %mul3A_115 = arith.muli %mul3A_114, %scan3A_113 : i32
      %add3A_116 = arith.constant 0 : i32
      %add3A_117 = arith.addi %mul3A_115, %add3A_116 : i32
      %add3A_118 = arith.constant 1 : i32
      %add3A_119 = arith.addi %add3A_117, %add3A_118 : i32
      %mul3A_120 = arith.constant 128 : i32
      %mul3A_121 = arith.muli %add3A_119, %mul3A_120 : i32
      %add3A_122 = arith.addi %mul3A_2, %mul3A_121 : i32
      "tpu.region"() ({
        %run_scoped3A = tpu.sem_alloc : memref<!tpu.dma_semaphore, #tpu.memory_space<semaphore_mem>>
        %dma_start3A_174 = tpu.memref_slice %arg3[%add3A_122] : memref<327680xi32, #tpu.memory_space<hbm>> -> memref<128xi32, #tpu.memory_space<hbm>>
        %dma_start3A_175 = tpu.memref_slice %arg3[%add3A_122] : memref<327680xi32, #tpu.memory_space<hbm>> -> memref<128xi32, #tpu.memory_space<hbm>>
        tpu.enqueue_dma source(%dma_start3A_175 : memref<128xi32, #tpu.memory_space<hbm>>) target(%arg8 : memref<128xi32, #tpu.memory_space<vmem>>) target_semaphore(%run_scoped3A : memref<!tpu.dma_semaphore, #tpu.memory_space<semaphore_mem>>)
        %dma_wait3A_176 = tpu.memref_slice %arg3[%add3A_122] : memref<327680xi32, #tpu.memory_space<hbm>> -> memref<128xi32, #tpu.memory_space<hbm>>
        %dma_wait3A_177 = tpu.memref_slice %arg3[%add3A_122] : memref<327680xi32, #tpu.memory_space<hbm>> -> memref<128xi32, #tpu.memory_space<hbm>>
        tpu.wait_dma2 semaphore(%run_scoped3A : memref<!tpu.dma_semaphore, #tpu.memory_space<semaphore_mem>>) src(%dma_wait3A_177 : memref<128xi32, #tpu.memory_space<hbm>>) dst(%arg8 : memref<128xi32, #tpu.memory_space<vmem>>)
        tpu.yield
      }) : () -> ()
      %dma_wait3A_123 = arith.constant 0 : i32
      %dma_wait3A_124 = arith.constant 0 : i32
      %dma_wait3A_125 = arith.constant 0 : i32
      %dma_wait3A_126 = tpu.memref_slice %arg9[%dma_wait3A_123, %dma_wait3A_124, %dma_wait3A_125] : memref<80x1x128xi32, #tpu.memory_space<vmem>> -> memref<1x1x128xi32, #tpu.memory_space<vmem>>
      %dma_wait3A_127 = tpu.memref_squeeze %dma_wait3A_126 : memref<1x1x128xi32, #tpu.memory_space<vmem>> -> memref<128xi32, #tpu.memory_space<vmem>>
      %dma_wait3A_128 = arith.constant 0 : i32
      %dma_wait3A_129 = arith.constant 0 : i32
      %dma_wait3A_130 = tpu.memref_slice %arg12[%dma_wait3A_128, %dma_wait3A_129] : memref<10240x128xf32, #tpu.memory_space<vmem_shared>> -> memref<10240x128xf32, #tpu.memory_space<vmem_shared>>
      tpu.wait_indirect_dma semaphore(%arg18 : memref<!tpu.dma_semaphore, #tpu.memory_space<semaphore_mem>>) src(%arg11 : memref<128x128xf32, #tpu.memory_space<vmem>>) dst(%dma_wait3A_130 : memref<10240x128xf32, #tpu.memory_space<vmem_shared>>)
      %dma_start3A_131 = arith.constant 0 : i32
      %dma_start3A_132 = arith.constant 0 : i32
      %dma_start3A_133 = tpu.memref_slice %arg2[%dma_start3A_131, %dma_start3A_132] : memref<10240x128xf32, #tpu.memory_space<hbm>> -> memref<10240x128xf32, #tpu.memory_space<hbm>>
      tpu.enqueue_indirect_dma source(%dma_start3A_133 : memref<10240x128xf32, #tpu.memory_space<hbm>>) target(%arg11 : memref<128x128xf32, #tpu.memory_space<vmem>>) offsets(%arg8 : memref<128xi32, #tpu.memory_space<vmem>>) semaphore(%arg16 : memref<!tpu.dma_semaphore, #tpu.memory_space<semaphore_mem>>)
      %dma_wait3A_134 = arith.constant 0 : i32
      %dma_wait3A_135 = arith.constant 0 : i32
      %dma_wait3A_136 = tpu.memref_slice %arg2[%dma_wait3A_134, %dma_wait3A_135] : memref<10240x128xf32, #tpu.memory_space<hbm>> -> memref<10240x128xf32, #tpu.memory_space<hbm>>
      tpu.wait_indirect_dma semaphore(%arg15 : memref<!tpu.dma_semaphore, #tpu.memory_space<semaphore_mem>>) src(%dma_wait3A_136 : memref<10240x128xf32, #tpu.memory_space<hbm>>) dst(%arg10 : memref<128x128xf32, #tpu.memory_space<vmem>>)
      %dma_start3A_137 = arith.constant 0 : i32
      %dma_start3A_138 = arith.constant 0 : i32
      %dma_start3A_139 = tpu.memref_slice %arg9[%add3A_117, %dma_start3A_137, %dma_start3A_138] : memref<80x1x128xi32, #tpu.memory_space<vmem>> -> memref<1x1x128xi32, #tpu.memory_space<vmem>>
      %dma_start3A_140 = tpu.memref_squeeze %dma_start3A_139 : memref<1x1x128xi32, #tpu.memory_space<vmem>> -> memref<128xi32, #tpu.memory_space<vmem>>
      %dma_start3A_141 = arith.constant 0 : i32
      %dma_start3A_142 = arith.constant 0 : i32
      %dma_start3A_143 = tpu.memref_slice %arg12[%dma_start3A_141, %dma_start3A_142] : memref<10240x128xf32, #tpu.memory_space<vmem_shared>> -> memref<10240x128xf32, #tpu.memory_space<vmem_shared>>
      tpu.enqueue_indirect_dma source(%arg10 : memref<128x128xf32, #tpu.memory_space<vmem>>) target(%dma_start3A_143 : memref<10240x128xf32, #tpu.memory_space<vmem_shared>>) offsets(%dma_start3A_140 : memref<128xi32, #tpu.memory_space<vmem>>) semaphore(%arg17 : memref<!tpu.dma_semaphore, #tpu.memory_space<semaphore_mem>>) {add = true}
      %mul3A_144 = arith.constant 2 : i32
      %mul3A_145 = arith.muli %mul3A_144, %scan3A_113 : i32
      %add3A_146 = arith.constant 1 : i32
      %add3A_147 = arith.addi %mul3A_145, %add3A_146 : i32
      %add3A_148 = arith.constant 1 : i32
      %add3A_149 = arith.addi %add3A_147, %add3A_148 : i32
      %mul3A_150 = arith.constant 128 : i32
      %mul3A_151 = arith.muli %add3A_149, %mul3A_150 : i32
      %add3A_152 = arith.addi %mul3A_2, %mul3A_151 : i32
      "tpu.region"() ({
        %run_scoped3A = tpu.sem_alloc : memref<!tpu.dma_semaphore, #tpu.memory_space<semaphore_mem>>
        %dma_start3A_174 = tpu.memref_slice %arg3[%add3A_152] : memref<327680xi32, #tpu.memory_space<hbm>> -> memref<128xi32, #tpu.memory_space<hbm>>
        %dma_start3A_175 = tpu.memref_slice %arg3[%add3A_152] : memref<327680xi32, #tpu.memory_space<hbm>> -> memref<128xi32, #tpu.memory_space<hbm>>
        tpu.enqueue_dma source(%dma_start3A_175 : memref<128xi32, #tpu.memory_space<hbm>>) target(%arg7 : memref<128xi32, #tpu.memory_space<vmem>>) target_semaphore(%run_scoped3A : memref<!tpu.dma_semaphore, #tpu.memory_space<semaphore_mem>>)
        %dma_wait3A_176 = tpu.memref_slice %arg3[%add3A_152] : memref<327680xi32, #tpu.memory_space<hbm>> -> memref<128xi32, #tpu.memory_space<hbm>>
        %dma_wait3A_177 = tpu.memref_slice %arg3[%add3A_152] : memref<327680xi32, #tpu.memory_space<hbm>> -> memref<128xi32, #tpu.memory_space<hbm>>
        tpu.wait_dma2 semaphore(%run_scoped3A : memref<!tpu.dma_semaphore, #tpu.memory_space<semaphore_mem>>) src(%dma_wait3A_177 : memref<128xi32, #tpu.memory_space<hbm>>) dst(%arg7 : memref<128xi32, #tpu.memory_space<vmem>>)
        tpu.yield
      }) : () -> ()
      %dma_wait3A_153 = arith.constant 0 : i32
      %dma_wait3A_154 = arith.constant 0 : i32
      %dma_wait3A_155 = arith.constant 0 : i32
      %dma_wait3A_156 = tpu.memref_slice %arg9[%dma_wait3A_153, %dma_wait3A_154, %dma_wait3A_155] : memref<80x1x128xi32, #tpu.memory_space<vmem>> -> memref<1x1x128xi32, #tpu.memory_space<vmem>>
      %dma_wait3A_157 = tpu.memref_squeeze %dma_wait3A_156 : memref<1x1x128xi32, #tpu.memory_space<vmem>> -> memref<128xi32, #tpu.memory_space<vmem>>
      %dma_wait3A_158 = arith.constant 0 : i32
      %dma_wait3A_159 = arith.constant 0 : i32
      %dma_wait3A_160 = tpu.memref_slice %arg12[%dma_wait3A_158, %dma_wait3A_159] : memref<10240x128xf32, #tpu.memory_space<vmem_shared>> -> memref<10240x128xf32, #tpu.memory_space<vmem_shared>>
      tpu.wait_indirect_dma semaphore(%arg17 : memref<!tpu.dma_semaphore, #tpu.memory_space<semaphore_mem>>) src(%arg10 : memref<128x128xf32, #tpu.memory_space<vmem>>) dst(%dma_wait3A_160 : memref<10240x128xf32, #tpu.memory_space<vmem_shared>>)
      %dma_start3A_161 = arith.constant 0 : i32
      %dma_start3A_162 = arith.constant 0 : i32
      %dma_start3A_163 = tpu.memref_slice %arg2[%dma_start3A_161, %dma_start3A_162] : memref<10240x128xf32, #tpu.memory_space<hbm>> -> memref<10240x128xf32, #tpu.memory_space<hbm>>
      tpu.enqueue_indirect_dma source(%dma_start3A_163 : memref<10240x128xf32, #tpu.memory_space<hbm>>) target(%arg10 : memref<128x128xf32, #tpu.memory_space<vmem>>) offsets(%arg7 : memref<128xi32, #tpu.memory_space<vmem>>) semaphore(%arg15 : memref<!tpu.dma_semaphore, #tpu.memory_space<semaphore_mem>>)
      %dma_wait3A_164 = arith.constant 0 : i32
      %dma_wait3A_165 = arith.constant 0 : i32
      %dma_wait3A_166 = tpu.memref_slice %arg2[%dma_wait3A_164, %dma_wait3A_165] : memref<10240x128xf32, #tpu.memory_space<hbm>> -> memref<10240x128xf32, #tpu.memory_space<hbm>>
      tpu.wait_indirect_dma semaphore(%arg16 : memref<!tpu.dma_semaphore, #tpu.memory_space<semaphore_mem>>) src(%dma_wait3A_166 : memref<10240x128xf32, #tpu.memory_space<hbm>>) dst(%arg11 : memref<128x128xf32, #tpu.memory_space<vmem>>)
      %dma_start3A_167 = arith.constant 0 : i32
      %dma_start3A_168 = arith.constant 0 : i32
      %dma_start3A_169 = tpu.memref_slice %arg9[%add3A_147, %dma_start3A_167, %dma_start3A_168] : memref<80x1x128xi32, #tpu.memory_space<vmem>> -> memref<1x1x128xi32, #tpu.memory_space<vmem>>
      %dma_start3A_170 = tpu.memref_squeeze %dma_start3A_169 : memref<1x1x128xi32, #tpu.memory_space<vmem>> -> memref<128xi32, #tpu.memory_space<vmem>>
      %dma_start3A_171 = arith.constant 0 : i32
      %dma_start3A_172 = arith.constant 0 : i32
      %dma_start3A_173 = tpu.memref_slice %arg12[%dma_start3A_171, %dma_start3A_172] : memref<10240x128xf32, #tpu.memory_space<vmem_shared>> -> memref<10240x128xf32, #tpu.memory_space<vmem_shared>>
      tpu.enqueue_indirect_dma source(%arg11 : memref<128x128xf32, #tpu.memory_space<vmem>>) target(%dma_start3A_173 : memref<10240x128xf32, #tpu.memory_space<vmem_shared>>) offsets(%dma_start3A_170 : memref<128xi32, #tpu.memory_space<vmem>>) semaphore(%arg18 : memref<!tpu.dma_semaphore, #tpu.memory_space<semaphore_mem>>) {add = true}
    }
    %scan3A_56 = arith.constant 38 : i32
    %add3A_57 = arith.constant 10112 : i32
    %add3A_58 = arith.addi %mul3A_2, %add3A_57 : i32
    "tpu.region"() ({
      %run_scoped3A = tpu.sem_alloc : memref<!tpu.dma_semaphore, #tpu.memory_space<semaphore_mem>>
      %dma_start3A_113 = tpu.memref_slice %arg3[%add3A_58] : memref<327680xi32, #tpu.memory_space<hbm>> -> memref<128xi32, #tpu.memory_space<hbm>>
      %dma_start3A_114 = tpu.memref_slice %arg3[%add3A_58] : memref<327680xi32, #tpu.memory_space<hbm>> -> memref<128xi32, #tpu.memory_space<hbm>>
      tpu.enqueue_dma source(%dma_start3A_114 : memref<128xi32, #tpu.memory_space<hbm>>) target(%arg8 : memref<128xi32, #tpu.memory_space<vmem>>) target_semaphore(%run_scoped3A : memref<!tpu.dma_semaphore, #tpu.memory_space<semaphore_mem>>)
      %dma_wait3A_115 = tpu.memref_slice %arg3[%add3A_58] : memref<327680xi32, #tpu.memory_space<hbm>> -> memref<128xi32, #tpu.memory_space<hbm>>
      %dma_wait3A_116 = tpu.memref_slice %arg3[%add3A_58] : memref<327680xi32, #tpu.memory_space<hbm>> -> memref<128xi32, #tpu.memory_space<hbm>>
      tpu.wait_dma2 semaphore(%run_scoped3A : memref<!tpu.dma_semaphore, #tpu.memory_space<semaphore_mem>>) src(%dma_wait3A_116 : memref<128xi32, #tpu.memory_space<hbm>>) dst(%arg8 : memref<128xi32, #tpu.memory_space<vmem>>)
      tpu.yield
    }) : () -> ()
    %dma_wait3A_59 = arith.constant 0 : i32
    %dma_wait3A_60 = arith.constant 0 : i32
    %dma_wait3A_61 = arith.constant 0 : i32
    %dma_wait3A_62 = tpu.memref_slice %arg9[%dma_wait3A_59, %dma_wait3A_60, %dma_wait3A_61] : memref<80x1x128xi32, #tpu.memory_space<vmem>> -> memref<1x1x128xi32, #tpu.memory_space<vmem>>
    %dma_wait3A_63 = tpu.memref_squeeze %dma_wait3A_62 : memref<1x1x128xi32, #tpu.memory_space<vmem>> -> memref<128xi32, #tpu.memory_space<vmem>>
    %dma_wait3A_64 = arith.constant 0 : i32
    %dma_wait3A_65 = arith.constant 0 : i32
    %dma_wait3A_66 = tpu.memref_slice %arg12[%dma_wait3A_64, %dma_wait3A_65] : memref<10240x128xf32, #tpu.memory_space<vmem_shared>> -> memref<10240x128xf32, #tpu.memory_space<vmem_shared>>
    tpu.wait_indirect_dma semaphore(%arg18 : memref<!tpu.dma_semaphore, #tpu.memory_space<semaphore_mem>>) src(%arg11 : memref<128x128xf32, #tpu.memory_space<vmem>>) dst(%dma_wait3A_66 : memref<10240x128xf32, #tpu.memory_space<vmem_shared>>)
    %dma_start3A_67 = arith.constant 0 : i32
    %dma_start3A_68 = arith.constant 0 : i32
    %dma_start3A_69 = tpu.memref_slice %arg2[%dma_start3A_67, %dma_start3A_68] : memref<10240x128xf32, #tpu.memory_space<hbm>> -> memref<10240x128xf32, #tpu.memory_space<hbm>>
    tpu.enqueue_indirect_dma source(%dma_start3A_69 : memref<10240x128xf32, #tpu.memory_space<hbm>>) target(%arg11 : memref<128x128xf32, #tpu.memory_space<vmem>>) offsets(%arg8 : memref<128xi32, #tpu.memory_space<vmem>>) semaphore(%arg16 : memref<!tpu.dma_semaphore, #tpu.memory_space<semaphore_mem>>)
    %dma_wait3A_70 = arith.constant 0 : i32
    %dma_wait3A_71 = arith.constant 0 : i32
    %dma_wait3A_72 = tpu.memref_slice %arg2[%dma_wait3A_70, %dma_wait3A_71] : memref<10240x128xf32, #tpu.memory_space<hbm>> -> memref<10240x128xf32, #tpu.memory_space<hbm>>
    tpu.wait_indirect_dma semaphore(%arg15 : memref<!tpu.dma_semaphore, #tpu.memory_space<semaphore_mem>>) src(%dma_wait3A_72 : memref<10240x128xf32, #tpu.memory_space<hbm>>) dst(%arg10 : memref<128x128xf32, #tpu.memory_space<vmem>>)
    %dma_start3A_73 = arith.constant 78 : i32
    %dma_start3A_74 = arith.constant 0 : i32
    %dma_start3A_75 = arith.constant 0 : i32
    %dma_start3A_76 = tpu.memref_slice %arg9[%dma_start3A_73, %dma_start3A_74, %dma_start3A_75] : memref<80x1x128xi32, #tpu.memory_space<vmem>> -> memref<1x1x128xi32, #tpu.memory_space<vmem>>
    %dma_start3A_77 = tpu.memref_squeeze %dma_start3A_76 : memref<1x1x128xi32, #tpu.memory_space<vmem>> -> memref<128xi32, #tpu.memory_space<vmem>>
    %dma_start3A_78 = arith.constant 0 : i32
    %dma_start3A_79 = arith.constant 0 : i32
    %dma_start3A_80 = tpu.memref_slice %arg12[%dma_start3A_78, %dma_start3A_79] : memref<10240x128xf32, #tpu.memory_space<vmem_shared>> -> memref<10240x128xf32, #tpu.memory_space<vmem_shared>>
    tpu.enqueue_indirect_dma source(%arg10 : memref<128x128xf32, #tpu.memory_space<vmem>>) target(%dma_start3A_80 : memref<10240x128xf32, #tpu.memory_space<vmem_shared>>) offsets(%dma_start3A_77 : memref<128xi32, #tpu.memory_space<vmem>>) semaphore(%arg17 : memref<!tpu.dma_semaphore, #tpu.memory_space<semaphore_mem>>) {add = true}
    %dma_wait3A_81 = arith.constant 0 : i32
    %dma_wait3A_82 = arith.constant 0 : i32
    %dma_wait3A_83 = tpu.memref_slice %arg2[%dma_wait3A_81, %dma_wait3A_82] : memref<10240x128xf32, #tpu.memory_space<hbm>> -> memref<10240x128xf32, #tpu.memory_space<hbm>>
    tpu.wait_indirect_dma semaphore(%arg16 : memref<!tpu.dma_semaphore, #tpu.memory_space<semaphore_mem>>) src(%dma_wait3A_83 : memref<10240x128xf32, #tpu.memory_space<hbm>>) dst(%arg11 : memref<128x128xf32, #tpu.memory_space<vmem>>)
    %dma_start3A_84 = arith.constant 79 : i32
    %dma_start3A_85 = arith.constant 0 : i32
    %dma_start3A_86 = arith.constant 0 : i32
    %dma_start3A_87 = tpu.memref_slice %arg9[%dma_start3A_84, %dma_start3A_85, %dma_start3A_86] : memref<80x1x128xi32, #tpu.memory_space<vmem>> -> memref<1x1x128xi32, #tpu.memory_space<vmem>>
    %dma_start3A_88 = tpu.memref_squeeze %dma_start3A_87 : memref<1x1x128xi32, #tpu.memory_space<vmem>> -> memref<128xi32, #tpu.memory_space<vmem>>
    %dma_start3A_89 = arith.constant 0 : i32
    %dma_start3A_90 = arith.constant 0 : i32
    %dma_start3A_91 = tpu.memref_slice %arg12[%dma_start3A_89, %dma_start3A_90] : memref<10240x128xf32, #tpu.memory_space<vmem_shared>> -> memref<10240x128xf32, #tpu.memory_space<vmem_shared>>
    tpu.enqueue_indirect_dma source(%arg11 : memref<128x128xf32, #tpu.memory_space<vmem>>) target(%dma_start3A_91 : memref<10240x128xf32, #tpu.memory_space<vmem_shared>>) offsets(%dma_start3A_88 : memref<128xi32, #tpu.memory_space<vmem>>) semaphore(%arg18 : memref<!tpu.dma_semaphore, #tpu.memory_space<semaphore_mem>>) {add = true}
    %dma_wait3A_92 = arith.constant 0 : i32
    %dma_wait3A_93 = arith.constant 0 : i32
    %dma_wait3A_94 = arith.constant 0 : i32
    %dma_wait3A_95 = tpu.memref_slice %arg9[%dma_wait3A_92, %dma_wait3A_93, %dma_wait3A_94] : memref<80x1x128xi32, #tpu.memory_space<vmem>> -> memref<1x1x128xi32, #tpu.memory_space<vmem>>
    %dma_wait3A_96 = tpu.memref_squeeze %dma_wait3A_95 : memref<1x1x128xi32, #tpu.memory_space<vmem>> -> memref<128xi32, #tpu.memory_space<vmem>>
    %dma_wait3A_97 = arith.constant 0 : i32
    %dma_wait3A_98 = arith.constant 0 : i32
    %dma_wait3A_99 = tpu.memref_slice %arg12[%dma_wait3A_97, %dma_wait3A_98] : memref<10240x128xf32, #tpu.memory_space<vmem_shared>> -> memref<10240x128xf32, #tpu.memory_space<vmem_shared>>
    tpu.wait_indirect_dma semaphore(%arg17 : memref<!tpu.dma_semaphore, #tpu.memory_space<semaphore_mem>>) src(%arg10 : memref<128x128xf32, #tpu.memory_space<vmem>>) dst(%dma_wait3A_99 : memref<10240x128xf32, #tpu.memory_space<vmem_shared>>)
    %dma_wait3A_100 = arith.constant 0 : i32
    %dma_wait3A_101 = arith.constant 0 : i32
    %dma_wait3A_102 = arith.constant 0 : i32
    %dma_wait3A_103 = tpu.memref_slice %arg9[%dma_wait3A_100, %dma_wait3A_101, %dma_wait3A_102] : memref<80x1x128xi32, #tpu.memory_space<vmem>> -> memref<1x1x128xi32, #tpu.memory_space<vmem>>
    %dma_wait3A_104 = tpu.memref_squeeze %dma_wait3A_103 : memref<1x1x128xi32, #tpu.memory_space<vmem>> -> memref<128xi32, #tpu.memory_space<vmem>>
    %dma_wait3A_105 = arith.constant 0 : i32
    %dma_wait3A_106 = arith.constant 0 : i32
    %dma_wait3A_107 = tpu.memref_slice %arg12[%dma_wait3A_105, %dma_wait3A_106] : memref<10240x128xf32, #tpu.memory_space<vmem_shared>> -> memref<10240x128xf32, #tpu.memory_space<vmem_shared>>
    tpu.wait_indirect_dma semaphore(%arg18 : memref<!tpu.dma_semaphore, #tpu.memory_space<semaphore_mem>>) src(%arg11 : memref<128x128xf32, #tpu.memory_space<vmem>>) dst(%dma_wait3A_107 : memref<10240x128xf32, #tpu.memory_space<vmem_shared>>)
    %barrier3A_108 = arith.constant 0 : index
    tpu.barrier barrier_id(%barrier3A_108)
    %mul3A_109 = arith.constant 640 : i32
    %mul3A_110 = arith.muli %arg1, %mul3A_109 : i32
    %mul3A_111 = arith.constant 640 : i32
    %mul3A_112 = arith.muli %arg1, %mul3A_111 : i32
    "tpu.region"() ({
      %run_scoped3A = tpu.sem_alloc : memref<!tpu.dma_semaphore, #tpu.memory_space<semaphore_mem>>
      %dma_start3A_113 = arith.constant 0 : i32
      %dma_start3A_114 = tpu.memref_slice %arg6[%arg0, %mul3A_112, %dma_start3A_113] : memref<2x10240x128xf32, #tpu.memory_space<hbm>> -> memref<1x640x128xf32, #tpu.memory_space<hbm>>
      %dma_start3A_115 = tpu.memref_squeeze %dma_start3A_114 : memref<1x640x128xf32, #tpu.memory_space<hbm>> -> memref<640x128xf32, #tpu.memory_space<hbm>>
      %dma_start3A_116 = arith.constant 0 : i32
      %dma_start3A_117 = tpu.memref_slice %arg12[%mul3A_110, %dma_start3A_116] : memref<10240x128xf32, #tpu.memory_space<vmem_shared>> -> memref<640x128xf32, #tpu.memory_space<vmem_shared>>
      tpu.enqueue_dma source(%dma_start3A_117 : memref<640x128xf32, #tpu.memory_space<vmem_shared>>) target(%dma_start3A_115 : memref<640x128xf32, #tpu.memory_space<hbm>>) target_semaphore(%run_scoped3A : memref<!tpu.dma_semaphore, #tpu.memory_space<semaphore_mem>>)
      %dma_wait3A_118 = arith.constant 0 : i32
      %dma_wait3A_119 = tpu.memref_slice %arg6[%arg0, %mul3A_112, %dma_wait3A_118] : memref<2x10240x128xf32, #tpu.memory_space<hbm>> -> memref<1x640x128xf32, #tpu.memory_space<hbm>>
      %dma_wait3A_120 = tpu.memref_squeeze %dma_wait3A_119 : memref<1x640x128xf32, #tpu.memory_space<hbm>> -> memref<640x128xf32, #tpu.memory_space<hbm>>
      %dma_wait3A_121 = arith.constant 0 : i32
      %dma_wait3A_122 = tpu.memref_slice %arg12[%mul3A_110, %dma_wait3A_121] : memref<10240x128xf32, #tpu.memory_space<vmem_shared>> -> memref<640x128xf32, #tpu.memory_space<vmem_shared>>
      tpu.wait_dma2 semaphore(%run_scoped3A : memref<!tpu.dma_semaphore, #tpu.memory_space<semaphore_mem>>) src(%dma_wait3A_122 : memref<640x128xf32, #tpu.memory_space<vmem_shared>>) dst(%dma_wait3A_120 : memref<640x128xf32, #tpu.memory_space<hbm>>)
      tpu.yield
    }) : () -> ()
    return
  }
}

#map = affine_map<(d0, d1) -> (0, 0)>
#map1 = affine_map<(d0, d1) -> (0)>
#map2 = affine_map<(d0, d1) -> (0, 0, 0)>
module attributes {stable_mosaic.version = 14 : i64} {
  func.func @_sc_segsum_body(%arg0: i32, %arg1: i32, %arg2: memref<10240x128xf32, #tpu.memory_space<hbm>>, %arg3: memref<327680xi32, #tpu.memory_space<hbm>>, %arg4: memref<2560x1x128xi32, #tpu.memory_space<hbm>>, %arg5: memref<10240x128xf32, #tpu.memory_space<hbm>>, %arg6: memref<2x10240x128xf32, #tpu.memory_space<hbm>>, %arg7: memref<128xi32, #tpu.memory_space<vmem>>, %arg8: memref<128xi32, #tpu.memory_space<vmem>>, %arg9: memref<80x1x128xi32, #tpu.memory_space<vmem>>, %arg10: memref<128x128xf32, #tpu.memory_space<vmem>>, %arg11: memref<128x128xf32, #tpu.memory_space<vmem>>, %arg12: memref<10240x128xf32, #tpu.memory_space<vmem_shared>>, %arg13: memref<!tpu.dma_semaphore, #tpu.memory_space<semaphore_mem>>, %arg14: memref<!tpu.dma_semaphore, #tpu.memory_space<semaphore_mem>>, %arg15: memref<!tpu.dma_semaphore, #tpu.memory_space<semaphore_mem>>, %arg16: memref<!tpu.dma_semaphore, #tpu.memory_space<semaphore_mem>>, %arg17: memref<!tpu.dma_semaphore, #tpu.memory_space<semaphore_mem>>, %arg18: memref<!tpu.dma_semaphore, #tpu.memory_space<semaphore_mem>>) attributes {dimension_semantics = [#tpu.dimension_semantics<core_parallel>, #tpu.dimension_semantics<subcore_parallel>], iteration_bounds = array<i64: 2, 16>, scalar_prefetch = 0 : i64, scratch_operands = 12 : i64, tpu.core_type = #tpu.core_type<sc_vector_subcore>, window_params = [{transform_indices = #map}, {transform_indices = #map1}, {transform_indices = #map2}, {transform_indices = #map}, {transform_indices = #map2}]} {
    %mul3A = arith.constant 2 : i32
    %mul3A_0 = arith.muli %arg1, %mul3A : i32
    %add3A = arith.addi %mul3A_0, %arg0 : i32
    %mul3A_1 = arith.constant 10240 : i32
    %mul3A_2 = arith.muli %add3A, %mul3A_1 : i32
    %mul3A_3 = arith.constant 80 : i32
    %mul3A_4 = arith.muli %add3A, %mul3A_3 : i32
    "tpu.region"() ({
      %run_scoped3A = tpu.sem_alloc : memref<!tpu.dma_semaphore, #tpu.memory_space<semaphore_mem>>
      %dma_start3A_113 = arith.constant 0 : i32
      %dma_start3A_114 = arith.constant 0 : i32
      %dma_start3A_115 = tpu.memref_slice %arg4[%mul3A_4, %dma_start3A_113, %dma_start3A_114] : memref<2560x1x128xi32, #tpu.memory_space<hbm>> -> memref<80x1x128xi32, #tpu.memory_space<hbm>>
      %dma_start3A_116 = arith.constant 0 : i32
      %dma_start3A_117 = arith.constant 0 : i32
      %dma_start3A_118 = tpu.memref_slice %arg4[%mul3A_4, %dma_start3A_116, %dma_start3A_117] : memref<2560x1x128xi32, #tpu.memory_space<hbm>> -> memref<80x1x128xi32, #tpu.memory_space<hbm>>
      tpu.enqueue_dma source(%dma_start3A_118 : memref<80x1x128xi32, #tpu.memory_space<hbm>>) target(%arg9 : memref<80x1x128xi32, #tpu.memory_space<vmem>>) target_semaphore(%run_scoped3A : memref<!tpu.dma_semaphore, #tpu.memory_space<semaphore_mem>>)
      %dma_wait3A_119 = arith.constant 0 : i32
      %dma_wait3A_120 = arith.constant 0 : i32
      %dma_wait3A_121 = tpu.memref_slice %arg4[%mul3A_4, %dma_wait3A_119, %dma_wait3A_120] : memref<2560x1x128xi32, #tpu.memory_space<hbm>> -> memref<80x1x128xi32, #tpu.memory_space<hbm>>
      %dma_wait3A_122 = arith.constant 0 : i32
      %dma_wait3A_123 = arith.constant 0 : i32
      %dma_wait3A_124 = tpu.memref_slice %arg4[%mul3A_4, %dma_wait3A_122, %dma_wait3A_123] : memref<2560x1x128xi32, #tpu.memory_space<hbm>> -> memref<80x1x128xi32, #tpu.memory_space<hbm>>
      tpu.wait_dma2 semaphore(%run_scoped3A : memref<!tpu.dma_semaphore, #tpu.memory_space<semaphore_mem>>) src(%dma_wait3A_124 : memref<80x1x128xi32, #tpu.memory_space<hbm>>) dst(%arg9 : memref<80x1x128xi32, #tpu.memory_space<vmem>>)
      tpu.yield
    }) : () -> ()
    %mul3A_5 = arith.constant 640 : i32
    %mul3A_6 = arith.muli %arg1, %mul3A_5 : i32
    %mul3A_7 = arith.constant 640 : i32
    %mul3A_8 = arith.muli %arg1, %mul3A_7 : i32
    "tpu.region"() ({
      %run_scoped3A = tpu.sem_alloc : memref<!tpu.dma_semaphore, #tpu.memory_space<semaphore_mem>>
      %dma_start3A_113 = arith.constant 0 : i32
      %dma_start3A_114 = tpu.memref_slice %arg12[%mul3A_8, %dma_start3A_113] : memref<10240x128xf32, #tpu.memory_space<vmem_shared>> -> memref<640x128xf32, #tpu.memory_space<vmem_shared>>
      %dma_start3A_115 = arith.constant 0 : i32
      %dma_start3A_116 = tpu.memref_slice %arg5[%mul3A_6, %dma_start3A_115] : memref<10240x128xf32, #tpu.memory_space<hbm>> -> memref<640x128xf32, #tpu.memory_space<hbm>>
      tpu.enqueue_dma source(%dma_start3A_116 : memref<640x128xf32, #tpu.memory_space<hbm>>) target(%dma_start3A_114 : memref<640x128xf32, #tpu.memory_space<vmem_shared>>) target_semaphore(%run_scoped3A : memref<!tpu.dma_semaphore, #tpu.memory_space<semaphore_mem>>)
      %dma_wait3A_117 = arith.constant 0 : i32
      %dma_wait3A_118 = tpu.memref_slice %arg12[%mul3A_8, %dma_wait3A_117] : memref<10240x128xf32, #tpu.memory_space<vmem_shared>> -> memref<640x128xf32, #tpu.memory_space<vmem_shared>>
      %dma_wait3A_119 = arith.constant 0 : i32
      %dma_wait3A_120 = tpu.memref_slice %arg5[%mul3A_6, %dma_wait3A_119] : memref<10240x128xf32, #tpu.memory_space<hbm>> -> memref<640x128xf32, #tpu.memory_space<hbm>>
      tpu.wait_dma2 semaphore(%run_scoped3A : memref<!tpu.dma_semaphore, #tpu.memory_space<semaphore_mem>>) src(%dma_wait3A_120 : memref<640x128xf32, #tpu.memory_space<hbm>>) dst(%dma_wait3A_118 : memref<640x128xf32, #tpu.memory_space<vmem_shared>>)
      tpu.yield
    }) : () -> ()
    %add3A_9 = arith.constant 0 : i32
    %add3A_10 = arith.addi %mul3A_2, %add3A_9 : i32
    "tpu.region"() ({
      %run_scoped3A = tpu.sem_alloc : memref<!tpu.dma_semaphore, #tpu.memory_space<semaphore_mem>>
      %dma_start3A_113 = tpu.memref_slice %arg3[%add3A_10] : memref<327680xi32, #tpu.memory_space<hbm>> -> memref<128xi32, #tpu.memory_space<hbm>>
      %dma_start3A_114 = tpu.memref_slice %arg3[%add3A_10] : memref<327680xi32, #tpu.memory_space<hbm>> -> memref<128xi32, #tpu.memory_space<hbm>>
      tpu.enqueue_dma source(%dma_start3A_114 : memref<128xi32, #tpu.memory_space<hbm>>) target(%arg7 : memref<128xi32, #tpu.memory_space<vmem>>) target_semaphore(%run_scoped3A : memref<!tpu.dma_semaphore, #tpu.memory_space<semaphore_mem>>)
      %dma_wait3A_115 = tpu.memref_slice %arg3[%add3A_10] : memref<327680xi32, #tpu.memory_space<hbm>> -> memref<128xi32, #tpu.memory_space<hbm>>
      %dma_wait3A_116 = tpu.memref_slice %arg3[%add3A_10] : memref<327680xi32, #tpu.memory_space<hbm>> -> memref<128xi32, #tpu.memory_space<hbm>>
      tpu.wait_dma2 semaphore(%run_scoped3A : memref<!tpu.dma_semaphore, #tpu.memory_space<semaphore_mem>>) src(%dma_wait3A_116 : memref<128xi32, #tpu.memory_space<hbm>>) dst(%arg7 : memref<128xi32, #tpu.memory_space<vmem>>)
      tpu.yield
    }) : () -> ()
    %dma_start3A = arith.constant 0 : i32
    %dma_start3A_11 = arith.constant 0 : i32
    %dma_start3A_12 = tpu.memref_slice %arg2[%dma_start3A, %dma_start3A_11] : memref<10240x128xf32, #tpu.memory_space<hbm>> -> memref<10240x128xf32, #tpu.memory_space<hbm>>
    tpu.enqueue_indirect_dma source(%dma_start3A_12 : memref<10240x128xf32, #tpu.memory_space<hbm>>) target(%arg10 : memref<128x128xf32, #tpu.memory_space<vmem>>) offsets(%arg7 : memref<128xi32, #tpu.memory_space<vmem>>) semaphore(%arg15 : memref<!tpu.dma_semaphore, #tpu.memory_space<semaphore_mem>>)
    %barrier3A = arith.constant 0 : index
    tpu.barrier barrier_id(%barrier3A)
    %add3A_13 = arith.constant 128 : i32
    %add3A_14 = arith.addi %mul3A_2, %add3A_13 : i32
    "tpu.region"() ({
      %run_scoped3A = tpu.sem_alloc : memref<!tpu.dma_semaphore, #tpu.memory_space<semaphore_mem>>
      %dma_start3A_113 = tpu.memref_slice %arg3[%add3A_14] : memref<327680xi32, #tpu.memory_space<hbm>> -> memref<128xi32, #tpu.memory_space<hbm>>
      %dma_start3A_114 = tpu.memref_slice %arg3[%add3A_14] : memref<327680xi32, #tpu.memory_space<hbm>> -> memref<128xi32, #tpu.memory_space<hbm>>
      tpu.enqueue_dma source(%dma_start3A_114 : memref<128xi32, #tpu.memory_space<hbm>>) target(%arg8 : memref<128xi32, #tpu.memory_space<vmem>>) target_semaphore(%run_scoped3A : memref<!tpu.dma_semaphore, #tpu.memory_space<semaphore_mem>>)
      %dma_wait3A_115 = tpu.memref_slice %arg3[%add3A_14] : memref<327680xi32, #tpu.memory_space<hbm>> -> memref<128xi32, #tpu.memory_space<hbm>>
      %dma_wait3A_116 = tpu.memref_slice %arg3[%add3A_14] : memref<327680xi32, #tpu.memory_space<hbm>> -> memref<128xi32, #tpu.memory_space<hbm>>
      tpu.wait_dma2 semaphore(%run_scoped3A : memref<!tpu.dma_semaphore, #tpu.memory_space<semaphore_mem>>) src(%dma_wait3A_116 : memref<128xi32, #tpu.memory_space<hbm>>) dst(%arg8 : memref<128xi32, #tpu.memory_space<vmem>>)
      tpu.yield
    }) : () -> ()
    %dma_start3A_15 = arith.constant 0 : i32
    %dma_start3A_16 = arith.constant 0 : i32
    %dma_start3A_17 = tpu.memref_slice %arg2[%dma_start3A_15, %dma_start3A_16] : memref<10240x128xf32, #tpu.memory_space<hbm>> -> memref<10240x128xf32, #tpu.memory_space<hbm>>
    tpu.enqueue_indirect_dma source(%dma_start3A_17 : memref<10240x128xf32, #tpu.memory_space<hbm>>) target(%arg11 : memref<128x128xf32, #tpu.memory_space<vmem>>) offsets(%arg8 : memref<128xi32, #tpu.memory_space<vmem>>) semaphore(%arg16 : memref<!tpu.dma_semaphore, #tpu.memory_space<semaphore_mem>>)
    %dma_wait3A = arith.constant 0 : i32
    %dma_wait3A_18 = arith.constant 0 : i32
    %dma_wait3A_19 = tpu.memref_slice %arg2[%dma_wait3A, %dma_wait3A_18] : memref<10240x128xf32, #tpu.memory_space<hbm>> -> memref<10240x128xf32, #tpu.memory_space<hbm>>
    tpu.wait_indirect_dma semaphore(%arg15 : memref<!tpu.dma_semaphore, #tpu.memory_space<semaphore_mem>>) src(%dma_wait3A_19 : memref<10240x128xf32, #tpu.memory_space<hbm>>) dst(%arg10 : memref<128x128xf32, #tpu.memory_space<vmem>>)
    %dma_start3A_20 = arith.constant 0 : i32
    %dma_start3A_21 = arith.constant 0 : i32
    %dma_start3A_22 = arith.constant 0 : i32
    %dma_start3A_23 = tpu.memref_slice %arg9[%dma_start3A_20, %dma_start3A_21, %dma_start3A_22] : memref<80x1x128xi32, #tpu.memory_space<vmem>> -> memref<1x1x128xi32, #tpu.memory_space<vmem>>
    %dma_start3A_24 = tpu.memref_squeeze %dma_start3A_23 : memref<1x1x128xi32, #tpu.memory_space<vmem>> -> memref<128xi32, #tpu.memory_space<vmem>>
    %dma_start3A_25 = arith.constant 0 : i32
    %dma_start3A_26 = arith.constant 0 : i32
    %dma_start3A_27 = tpu.memref_slice %arg12[%dma_start3A_25, %dma_start3A_26] : memref<10240x128xf32, #tpu.memory_space<vmem_shared>> -> memref<10240x128xf32, #tpu.memory_space<vmem_shared>>
    tpu.enqueue_indirect_dma source(%arg10 : memref<128x128xf32, #tpu.memory_space<vmem>>) target(%dma_start3A_27 : memref<10240x128xf32, #tpu.memory_space<vmem_shared>>) offsets(%dma_start3A_24 : memref<128xi32, #tpu.memory_space<vmem>>) semaphore(%arg17 : memref<!tpu.dma_semaphore, #tpu.memory_space<semaphore_mem>>) {add = true}
    %add3A_28 = arith.constant 256 : i32
    %add3A_29 = arith.addi %mul3A_2, %add3A_28 : i32
    "tpu.region"() ({
      %run_scoped3A = tpu.sem_alloc : memref<!tpu.dma_semaphore, #tpu.memory_space<semaphore_mem>>
      %dma_start3A_113 = tpu.memref_slice %arg3[%add3A_29] : memref<327680xi32, #tpu.memory_space<hbm>> -> memref<128xi32, #tpu.memory_space<hbm>>
      %dma_start3A_114 = tpu.memref_slice %arg3[%add3A_29] : memref<327680xi32, #tpu.memory_space<hbm>> -> memref<128xi32, #tpu.memory_space<hbm>>
      tpu.enqueue_dma source(%dma_start3A_114 : memref<128xi32, #tpu.memory_space<hbm>>) target(%arg7 : memref<128xi32, #tpu.memory_space<vmem>>) target_semaphore(%run_scoped3A : memref<!tpu.dma_semaphore, #tpu.memory_space<semaphore_mem>>)
      %dma_wait3A_115 = tpu.memref_slice %arg3[%add3A_29] : memref<327680xi32, #tpu.memory_space<hbm>> -> memref<128xi32, #tpu.memory_space<hbm>>
      %dma_wait3A_116 = tpu.memref_slice %arg3[%add3A_29] : memref<327680xi32, #tpu.memory_space<hbm>> -> memref<128xi32, #tpu.memory_space<hbm>>
      tpu.wait_dma2 semaphore(%run_scoped3A : memref<!tpu.dma_semaphore, #tpu.memory_space<semaphore_mem>>) src(%dma_wait3A_116 : memref<128xi32, #tpu.memory_space<hbm>>) dst(%arg7 : memref<128xi32, #tpu.memory_space<vmem>>)
      tpu.yield
    }) : () -> ()
    %dma_wait3A_30 = arith.constant 0 : i32
    %dma_wait3A_31 = arith.constant 0 : i32
    %dma_wait3A_32 = arith.constant 0 : i32
    %dma_wait3A_33 = tpu.memref_slice %arg9[%dma_wait3A_30, %dma_wait3A_31, %dma_wait3A_32] : memref<80x1x128xi32, #tpu.memory_space<vmem>> -> memref<1x1x128xi32, #tpu.memory_space<vmem>>
    %dma_wait3A_34 = tpu.memref_squeeze %dma_wait3A_33 : memref<1x1x128xi32, #tpu.memory_space<vmem>> -> memref<128xi32, #tpu.memory_space<vmem>>
    %dma_wait3A_35 = arith.constant 0 : i32
    %dma_wait3A_36 = arith.constant 0 : i32
    %dma_wait3A_37 = tpu.memref_slice %arg12[%dma_wait3A_35, %dma_wait3A_36] : memref<10240x128xf32, #tpu.memory_space<vmem_shared>> -> memref<10240x128xf32, #tpu.memory_space<vmem_shared>>
    tpu.wait_indirect_dma semaphore(%arg17 : memref<!tpu.dma_semaphore, #tpu.memory_space<semaphore_mem>>) src(%arg10 : memref<128x128xf32, #tpu.memory_space<vmem>>) dst(%dma_wait3A_37 : memref<10240x128xf32, #tpu.memory_space<vmem_shared>>)
    %dma_start3A_38 = arith.constant 0 : i32
    %dma_start3A_39 = arith.constant 0 : i32
    %dma_start3A_40 = tpu.memref_slice %arg2[%dma_start3A_38, %dma_start3A_39] : memref<10240x128xf32, #tpu.memory_space<hbm>> -> memref<10240x128xf32, #tpu.memory_space<hbm>>
    tpu.enqueue_indirect_dma source(%dma_start3A_40 : memref<10240x128xf32, #tpu.memory_space<hbm>>) target(%arg10 : memref<128x128xf32, #tpu.memory_space<vmem>>) offsets(%arg7 : memref<128xi32, #tpu.memory_space<vmem>>) semaphore(%arg15 : memref<!tpu.dma_semaphore, #tpu.memory_space<semaphore_mem>>)
    %dma_wait3A_41 = arith.constant 0 : i32
    %dma_wait3A_42 = arith.constant 0 : i32
    %dma_wait3A_43 = tpu.memref_slice %arg2[%dma_wait3A_41, %dma_wait3A_42] : memref<10240x128xf32, #tpu.memory_space<hbm>> -> memref<10240x128xf32, #tpu.memory_space<hbm>>
    tpu.wait_indirect_dma semaphore(%arg16 : memref<!tpu.dma_semaphore, #tpu.memory_space<semaphore_mem>>) src(%dma_wait3A_43 : memref<10240x128xf32, #tpu.memory_space<hbm>>) dst(%arg11 : memref<128x128xf32, #tpu.memory_space<vmem>>)
    %dma_start3A_44 = arith.constant 1 : i32
    %dma_start3A_45 = arith.constant 0 : i32
    %dma_start3A_46 = arith.constant 0 : i32
    %dma_start3A_47 = tpu.memref_slice %arg9[%dma_start3A_44, %dma_start3A_45, %dma_start3A_46] : memref<80x1x128xi32, #tpu.memory_space<vmem>> -> memref<1x1x128xi32, #tpu.memory_space<vmem>>
    %dma_start3A_48 = tpu.memref_squeeze %dma_start3A_47 : memref<1x1x128xi32, #tpu.memory_space<vmem>> -> memref<128xi32, #tpu.memory_space<vmem>>
    %dma_start3A_49 = arith.constant 0 : i32
    %dma_start3A_50 = arith.constant 0 : i32
    %dma_start3A_51 = tpu.memref_slice %arg12[%dma_start3A_49, %dma_start3A_50] : memref<10240x128xf32, #tpu.memory_space<vmem_shared>> -> memref<10240x128xf32, #tpu.memory_space<vmem_shared>>
    tpu.enqueue_indirect_dma source(%arg11 : memref<128x128xf32, #tpu.memory_space<vmem>>) target(%dma_start3A_51 : memref<10240x128xf32, #tpu.memory_space<vmem_shared>>) offsets(%dma_start3A_48 : memref<128xi32, #tpu.memory_space<vmem>>) semaphore(%arg18 : memref<!tpu.dma_semaphore, #tpu.memory_space<semaphore_mem>>) {add = true}
    %scan3A = arith.constant 0 : i32
    %scan3A_52 = arith.constant 1 : i32
    %scan3A_53 = arith.constant 38 : i32
    %scan3A_54 = arith.addi %scan3A_52, %scan3A_53 : i32
    %scan3A_55 = arith.constant 1 : i32
    scf.for %scan3A_113 = %scan3A_52 to %scan3A_54 step %scan3A_55  : i32 {
      %mul3A_114 = arith.constant 2 : i32
      %mul3A_115 = arith.muli %mul3A_114, %scan3A_113 : i32
      %add3A_116 = arith.constant 0 : i32
      %add3A_117 = arith.addi %mul3A_115, %add3A_116 : i32
      %add3A_118 = arith.constant 1 : i32
      %add3A_119 = arith.addi %add3A_117, %add3A_118 : i32
      %mul3A_120 = arith.constant 128 : i32
      %mul3A_121 = arith.muli %add3A_119, %mul3A_120 : i32
      %add3A_122 = arith.addi %mul3A_2, %mul3A_121 : i32
      "tpu.region"() ({
        %run_scoped3A = tpu.sem_alloc : memref<!tpu.dma_semaphore, #tpu.memory_space<semaphore_mem>>
        %dma_start3A_174 = tpu.memref_slice %arg3[%add3A_122] : memref<327680xi32, #tpu.memory_space<hbm>> -> memref<128xi32, #tpu.memory_space<hbm>>
        %dma_start3A_175 = tpu.memref_slice %arg3[%add3A_122] : memref<327680xi32, #tpu.memory_space<hbm>> -> memref<128xi32, #tpu.memory_space<hbm>>
        tpu.enqueue_dma source(%dma_start3A_175 : memref<128xi32, #tpu.memory_space<hbm>>) target(%arg8 : memref<128xi32, #tpu.memory_space<vmem>>) target_semaphore(%run_scoped3A : memref<!tpu.dma_semaphore, #tpu.memory_space<semaphore_mem>>)
        %dma_wait3A_176 = tpu.memref_slice %arg3[%add3A_122] : memref<327680xi32, #tpu.memory_space<hbm>> -> memref<128xi32, #tpu.memory_space<hbm>>
        %dma_wait3A_177 = tpu.memref_slice %arg3[%add3A_122] : memref<327680xi32, #tpu.memory_space<hbm>> -> memref<128xi32, #tpu.memory_space<hbm>>
        tpu.wait_dma2 semaphore(%run_scoped3A : memref<!tpu.dma_semaphore, #tpu.memory_space<semaphore_mem>>) src(%dma_wait3A_177 : memref<128xi32, #tpu.memory_space<hbm>>) dst(%arg8 : memref<128xi32, #tpu.memory_space<vmem>>)
        tpu.yield
      }) : () -> ()
      %dma_wait3A_123 = arith.constant 0 : i32
      %dma_wait3A_124 = arith.constant 0 : i32
      %dma_wait3A_125 = arith.constant 0 : i32
      %dma_wait3A_126 = tpu.memref_slice %arg9[%dma_wait3A_123, %dma_wait3A_124, %dma_wait3A_125] : memref<80x1x128xi32, #tpu.memory_space<vmem>> -> memref<1x1x128xi32, #tpu.memory_space<vmem>>
      %dma_wait3A_127 = tpu.memref_squeeze %dma_wait3A_126 : memref<1x1x128xi32, #tpu.memory_space<vmem>> -> memref<128xi32, #tpu.memory_space<vmem>>
      %dma_wait3A_128 = arith.constant 0 : i32
      %dma_wait3A_129 = arith.constant 0 : i32
      %dma_wait3A_130 = tpu.memref_slice %arg12[%dma_wait3A_128, %dma_wait3A_129] : memref<10240x128xf32, #tpu.memory_space<vmem_shared>> -> memref<10240x128xf32, #tpu.memory_space<vmem_shared>>
      tpu.wait_indirect_dma semaphore(%arg18 : memref<!tpu.dma_semaphore, #tpu.memory_space<semaphore_mem>>) src(%arg11 : memref<128x128xf32, #tpu.memory_space<vmem>>) dst(%dma_wait3A_130 : memref<10240x128xf32, #tpu.memory_space<vmem_shared>>)
      %dma_start3A_131 = arith.constant 0 : i32
      %dma_start3A_132 = arith.constant 0 : i32
      %dma_start3A_133 = tpu.memref_slice %arg2[%dma_start3A_131, %dma_start3A_132] : memref<10240x128xf32, #tpu.memory_space<hbm>> -> memref<10240x128xf32, #tpu.memory_space<hbm>>
      tpu.enqueue_indirect_dma source(%dma_start3A_133 : memref<10240x128xf32, #tpu.memory_space<hbm>>) target(%arg11 : memref<128x128xf32, #tpu.memory_space<vmem>>) offsets(%arg8 : memref<128xi32, #tpu.memory_space<vmem>>) semaphore(%arg16 : memref<!tpu.dma_semaphore, #tpu.memory_space<semaphore_mem>>)
      %dma_wait3A_134 = arith.constant 0 : i32
      %dma_wait3A_135 = arith.constant 0 : i32
      %dma_wait3A_136 = tpu.memref_slice %arg2[%dma_wait3A_134, %dma_wait3A_135] : memref<10240x128xf32, #tpu.memory_space<hbm>> -> memref<10240x128xf32, #tpu.memory_space<hbm>>
      tpu.wait_indirect_dma semaphore(%arg15 : memref<!tpu.dma_semaphore, #tpu.memory_space<semaphore_mem>>) src(%dma_wait3A_136 : memref<10240x128xf32, #tpu.memory_space<hbm>>) dst(%arg10 : memref<128x128xf32, #tpu.memory_space<vmem>>)
      %dma_start3A_137 = arith.constant 0 : i32
      %dma_start3A_138 = arith.constant 0 : i32
      %dma_start3A_139 = tpu.memref_slice %arg9[%add3A_117, %dma_start3A_137, %dma_start3A_138] : memref<80x1x128xi32, #tpu.memory_space<vmem>> -> memref<1x1x128xi32, #tpu.memory_space<vmem>>
      %dma_start3A_140 = tpu.memref_squeeze %dma_start3A_139 : memref<1x1x128xi32, #tpu.memory_space<vmem>> -> memref<128xi32, #tpu.memory_space<vmem>>
      %dma_start3A_141 = arith.constant 0 : i32
      %dma_start3A_142 = arith.constant 0 : i32
      %dma_start3A_143 = tpu.memref_slice %arg12[%dma_start3A_141, %dma_start3A_142] : memref<10240x128xf32, #tpu.memory_space<vmem_shared>> -> memref<10240x128xf32, #tpu.memory_space<vmem_shared>>
      tpu.enqueue_indirect_dma source(%arg10 : memref<128x128xf32, #tpu.memory_space<vmem>>) target(%dma_start3A_143 : memref<10240x128xf32, #tpu.memory_space<vmem_shared>>) offsets(%dma_start3A_140 : memref<128xi32, #tpu.memory_space<vmem>>) semaphore(%arg17 : memref<!tpu.dma_semaphore, #tpu.memory_space<semaphore_mem>>) {add = true}
      %mul3A_144 = arith.constant 2 : i32
      %mul3A_145 = arith.muli %mul3A_144, %scan3A_113 : i32
      %add3A_146 = arith.constant 1 : i32
      %add3A_147 = arith.addi %mul3A_145, %add3A_146 : i32
      %add3A_148 = arith.constant 1 : i32
      %add3A_149 = arith.addi %add3A_147, %add3A_148 : i32
      %mul3A_150 = arith.constant 128 : i32
      %mul3A_151 = arith.muli %add3A_149, %mul3A_150 : i32
      %add3A_152 = arith.addi %mul3A_2, %mul3A_151 : i32
      "tpu.region"() ({
        %run_scoped3A = tpu.sem_alloc : memref<!tpu.dma_semaphore, #tpu.memory_space<semaphore_mem>>
        %dma_start3A_174 = tpu.memref_slice %arg3[%add3A_152] : memref<327680xi32, #tpu.memory_space<hbm>> -> memref<128xi32, #tpu.memory_space<hbm>>
        %dma_start3A_175 = tpu.memref_slice %arg3[%add3A_152] : memref<327680xi32, #tpu.memory_space<hbm>> -> memref<128xi32, #tpu.memory_space<hbm>>
        tpu.enqueue_dma source(%dma_start3A_175 : memref<128xi32, #tpu.memory_space<hbm>>) target(%arg7 : memref<128xi32, #tpu.memory_space<vmem>>) target_semaphore(%run_scoped3A : memref<!tpu.dma_semaphore, #tpu.memory_space<semaphore_mem>>)
        %dma_wait3A_176 = tpu.memref_slice %arg3[%add3A_152] : memref<327680xi32, #tpu.memory_space<hbm>> -> memref<128xi32, #tpu.memory_space<hbm>>
        %dma_wait3A_177 = tpu.memref_slice %arg3[%add3A_152] : memref<327680xi32, #tpu.memory_space<hbm>> -> memref<128xi32, #tpu.memory_space<hbm>>
        tpu.wait_dma2 semaphore(%run_scoped3A : memref<!tpu.dma_semaphore, #tpu.memory_space<semaphore_mem>>) src(%dma_wait3A_177 : memref<128xi32, #tpu.memory_space<hbm>>) dst(%arg7 : memref<128xi32, #tpu.memory_space<vmem>>)
        tpu.yield
      }) : () -> ()
      %dma_wait3A_153 = arith.constant 0 : i32
      %dma_wait3A_154 = arith.constant 0 : i32
      %dma_wait3A_155 = arith.constant 0 : i32
      %dma_wait3A_156 = tpu.memref_slice %arg9[%dma_wait3A_153, %dma_wait3A_154, %dma_wait3A_155] : memref<80x1x128xi32, #tpu.memory_space<vmem>> -> memref<1x1x128xi32, #tpu.memory_space<vmem>>
      %dma_wait3A_157 = tpu.memref_squeeze %dma_wait3A_156 : memref<1x1x128xi32, #tpu.memory_space<vmem>> -> memref<128xi32, #tpu.memory_space<vmem>>
      %dma_wait3A_158 = arith.constant 0 : i32
      %dma_wait3A_159 = arith.constant 0 : i32
      %dma_wait3A_160 = tpu.memref_slice %arg12[%dma_wait3A_158, %dma_wait3A_159] : memref<10240x128xf32, #tpu.memory_space<vmem_shared>> -> memref<10240x128xf32, #tpu.memory_space<vmem_shared>>
      tpu.wait_indirect_dma semaphore(%arg17 : memref<!tpu.dma_semaphore, #tpu.memory_space<semaphore_mem>>) src(%arg10 : memref<128x128xf32, #tpu.memory_space<vmem>>) dst(%dma_wait3A_160 : memref<10240x128xf32, #tpu.memory_space<vmem_shared>>)
      %dma_start3A_161 = arith.constant 0 : i32
      %dma_start3A_162 = arith.constant 0 : i32
      %dma_start3A_163 = tpu.memref_slice %arg2[%dma_start3A_161, %dma_start3A_162] : memref<10240x128xf32, #tpu.memory_space<hbm>> -> memref<10240x128xf32, #tpu.memory_space<hbm>>
      tpu.enqueue_indirect_dma source(%dma_start3A_163 : memref<10240x128xf32, #tpu.memory_space<hbm>>) target(%arg10 : memref<128x128xf32, #tpu.memory_space<vmem>>) offsets(%arg7 : memref<128xi32, #tpu.memory_space<vmem>>) semaphore(%arg15 : memref<!tpu.dma_semaphore, #tpu.memory_space<semaphore_mem>>)
      %dma_wait3A_164 = arith.constant 0 : i32
      %dma_wait3A_165 = arith.constant 0 : i32
      %dma_wait3A_166 = tpu.memref_slice %arg2[%dma_wait3A_164, %dma_wait3A_165] : memref<10240x128xf32, #tpu.memory_space<hbm>> -> memref<10240x128xf32, #tpu.memory_space<hbm>>
      tpu.wait_indirect_dma semaphore(%arg16 : memref<!tpu.dma_semaphore, #tpu.memory_space<semaphore_mem>>) src(%dma_wait3A_166 : memref<10240x128xf32, #tpu.memory_space<hbm>>) dst(%arg11 : memref<128x128xf32, #tpu.memory_space<vmem>>)
      %dma_start3A_167 = arith.constant 0 : i32
      %dma_start3A_168 = arith.constant 0 : i32
      %dma_start3A_169 = tpu.memref_slice %arg9[%add3A_147, %dma_start3A_167, %dma_start3A_168] : memref<80x1x128xi32, #tpu.memory_space<vmem>> -> memref<1x1x128xi32, #tpu.memory_space<vmem>>
      %dma_start3A_170 = tpu.memref_squeeze %dma_start3A_169 : memref<1x1x128xi32, #tpu.memory_space<vmem>> -> memref<128xi32, #tpu.memory_space<vmem>>
      %dma_start3A_171 = arith.constant 0 : i32
      %dma_start3A_172 = arith.constant 0 : i32
      %dma_start3A_173 = tpu.memref_slice %arg12[%dma_start3A_171, %dma_start3A_172] : memref<10240x128xf32, #tpu.memory_space<vmem_shared>> -> memref<10240x128xf32, #tpu.memory_space<vmem_shared>>
      tpu.enqueue_indirect_dma source(%arg11 : memref<128x128xf32, #tpu.memory_space<vmem>>) target(%dma_start3A_173 : memref<10240x128xf32, #tpu.memory_space<vmem_shared>>) offsets(%dma_start3A_170 : memref<128xi32, #tpu.memory_space<vmem>>) semaphore(%arg18 : memref<!tpu.dma_semaphore, #tpu.memory_space<semaphore_mem>>) {add = true}
    }
    %scan3A_56 = arith.constant 38 : i32
    %add3A_57 = arith.constant 10112 : i32
    %add3A_58 = arith.addi %mul3A_2, %add3A_57 : i32
    "tpu.region"() ({
      %run_scoped3A = tpu.sem_alloc : memref<!tpu.dma_semaphore, #tpu.memory_space<semaphore_mem>>
      %dma_start3A_113 = tpu.memref_slice %arg3[%add3A_58] : memref<327680xi32, #tpu.memory_space<hbm>> -> memref<128xi32, #tpu.memory_space<hbm>>
      %dma_start3A_114 = tpu.memref_slice %arg3[%add3A_58] : memref<327680xi32, #tpu.memory_space<hbm>> -> memref<128xi32, #tpu.memory_space<hbm>>
      tpu.enqueue_dma source(%dma_start3A_114 : memref<128xi32, #tpu.memory_space<hbm>>) target(%arg8 : memref<128xi32, #tpu.memory_space<vmem>>) target_semaphore(%run_scoped3A : memref<!tpu.dma_semaphore, #tpu.memory_space<semaphore_mem>>)
      %dma_wait3A_115 = tpu.memref_slice %arg3[%add3A_58] : memref<327680xi32, #tpu.memory_space<hbm>> -> memref<128xi32, #tpu.memory_space<hbm>>
      %dma_wait3A_116 = tpu.memref_slice %arg3[%add3A_58] : memref<327680xi32, #tpu.memory_space<hbm>> -> memref<128xi32, #tpu.memory_space<hbm>>
      tpu.wait_dma2 semaphore(%run_scoped3A : memref<!tpu.dma_semaphore, #tpu.memory_space<semaphore_mem>>) src(%dma_wait3A_116 : memref<128xi32, #tpu.memory_space<hbm>>) dst(%arg8 : memref<128xi32, #tpu.memory_space<vmem>>)
      tpu.yield
    }) : () -> ()
    %dma_wait3A_59 = arith.constant 0 : i32
    %dma_wait3A_60 = arith.constant 0 : i32
    %dma_wait3A_61 = arith.constant 0 : i32
    %dma_wait3A_62 = tpu.memref_slice %arg9[%dma_wait3A_59, %dma_wait3A_60, %dma_wait3A_61] : memref<80x1x128xi32, #tpu.memory_space<vmem>> -> memref<1x1x128xi32, #tpu.memory_space<vmem>>
    %dma_wait3A_63 = tpu.memref_squeeze %dma_wait3A_62 : memref<1x1x128xi32, #tpu.memory_space<vmem>> -> memref<128xi32, #tpu.memory_space<vmem>>
    %dma_wait3A_64 = arith.constant 0 : i32
    %dma_wait3A_65 = arith.constant 0 : i32
    %dma_wait3A_66 = tpu.memref_slice %arg12[%dma_wait3A_64, %dma_wait3A_65] : memref<10240x128xf32, #tpu.memory_space<vmem_shared>> -> memref<10240x128xf32, #tpu.memory_space<vmem_shared>>
    tpu.wait_indirect_dma semaphore(%arg18 : memref<!tpu.dma_semaphore, #tpu.memory_space<semaphore_mem>>) src(%arg11 : memref<128x128xf32, #tpu.memory_space<vmem>>) dst(%dma_wait3A_66 : memref<10240x128xf32, #tpu.memory_space<vmem_shared>>)
    %dma_start3A_67 = arith.constant 0 : i32
    %dma_start3A_68 = arith.constant 0 : i32
    %dma_start3A_69 = tpu.memref_slice %arg2[%dma_start3A_67, %dma_start3A_68] : memref<10240x128xf32, #tpu.memory_space<hbm>> -> memref<10240x128xf32, #tpu.memory_space<hbm>>
    tpu.enqueue_indirect_dma source(%dma_start3A_69 : memref<10240x128xf32, #tpu.memory_space<hbm>>) target(%arg11 : memref<128x128xf32, #tpu.memory_space<vmem>>) offsets(%arg8 : memref<128xi32, #tpu.memory_space<vmem>>) semaphore(%arg16 : memref<!tpu.dma_semaphore, #tpu.memory_space<semaphore_mem>>)
    %dma_wait3A_70 = arith.constant 0 : i32
    %dma_wait3A_71 = arith.constant 0 : i32
    %dma_wait3A_72 = tpu.memref_slice %arg2[%dma_wait3A_70, %dma_wait3A_71] : memref<10240x128xf32, #tpu.memory_space<hbm>> -> memref<10240x128xf32, #tpu.memory_space<hbm>>
    tpu.wait_indirect_dma semaphore(%arg15 : memref<!tpu.dma_semaphore, #tpu.memory_space<semaphore_mem>>) src(%dma_wait3A_72 : memref<10240x128xf32, #tpu.memory_space<hbm>>) dst(%arg10 : memref<128x128xf32, #tpu.memory_space<vmem>>)
    %dma_start3A_73 = arith.constant 78 : i32
    %dma_start3A_74 = arith.constant 0 : i32
    %dma_start3A_75 = arith.constant 0 : i32
    %dma_start3A_76 = tpu.memref_slice %arg9[%dma_start3A_73, %dma_start3A_74, %dma_start3A_75] : memref<80x1x128xi32, #tpu.memory_space<vmem>> -> memref<1x1x128xi32, #tpu.memory_space<vmem>>
    %dma_start3A_77 = tpu.memref_squeeze %dma_start3A_76 : memref<1x1x128xi32, #tpu.memory_space<vmem>> -> memref<128xi32, #tpu.memory_space<vmem>>
    %dma_start3A_78 = arith.constant 0 : i32
    %dma_start3A_79 = arith.constant 0 : i32
    %dma_start3A_80 = tpu.memref_slice %arg12[%dma_start3A_78, %dma_start3A_79] : memref<10240x128xf32, #tpu.memory_space<vmem_shared>> -> memref<10240x128xf32, #tpu.memory_space<vmem_shared>>
    tpu.enqueue_indirect_dma source(%arg10 : memref<128x128xf32, #tpu.memory_space<vmem>>) target(%dma_start3A_80 : memref<10240x128xf32, #tpu.memory_space<vmem_shared>>) offsets(%dma_start3A_77 : memref<128xi32, #tpu.memory_space<vmem>>) semaphore(%arg17 : memref<!tpu.dma_semaphore, #tpu.memory_space<semaphore_mem>>) {add = true}
    %dma_wait3A_81 = arith.constant 0 : i32
    %dma_wait3A_82 = arith.constant 0 : i32
    %dma_wait3A_83 = tpu.memref_slice %arg2[%dma_wait3A_81, %dma_wait3A_82] : memref<10240x128xf32, #tpu.memory_space<hbm>> -> memref<10240x128xf32, #tpu.memory_space<hbm>>
    tpu.wait_indirect_dma semaphore(%arg16 : memref<!tpu.dma_semaphore, #tpu.memory_space<semaphore_mem>>) src(%dma_wait3A_83 : memref<10240x128xf32, #tpu.memory_space<hbm>>) dst(%arg11 : memref<128x128xf32, #tpu.memory_space<vmem>>)
    %dma_start3A_84 = arith.constant 79 : i32
    %dma_start3A_85 = arith.constant 0 : i32
    %dma_start3A_86 = arith.constant 0 : i32
    %dma_start3A_87 = tpu.memref_slice %arg9[%dma_start3A_84, %dma_start3A_85, %dma_start3A_86] : memref<80x1x128xi32, #tpu.memory_space<vmem>> -> memref<1x1x128xi32, #tpu.memory_space<vmem>>
    %dma_start3A_88 = tpu.memref_squeeze %dma_start3A_87 : memref<1x1x128xi32, #tpu.memory_space<vmem>> -> memref<128xi32, #tpu.memory_space<vmem>>
    %dma_start3A_89 = arith.constant 0 : i32
    %dma_start3A_90 = arith.constant 0 : i32
    %dma_start3A_91 = tpu.memref_slice %arg12[%dma_start3A_89, %dma_start3A_90] : memref<10240x128xf32, #tpu.memory_space<vmem_shared>> -> memref<10240x128xf32, #tpu.memory_space<vmem_shared>>
    tpu.enqueue_indirect_dma source(%arg11 : memref<128x128xf32, #tpu.memory_space<vmem>>) target(%dma_start3A_91 : memref<10240x128xf32, #tpu.memory_space<vmem_shared>>) offsets(%dma_start3A_88 : memref<128xi32, #tpu.memory_space<vmem>>) semaphore(%arg18 : memref<!tpu.dma_semaphore, #tpu.memory_space<semaphore_mem>>) {add = true}
    %dma_wait3A_92 = arith.constant 0 : i32
    %dma_wait3A_93 = arith.constant 0 : i32
    %dma_wait3A_94 = arith.constant 0 : i32
    %dma_wait3A_95 = tpu.memref_slice %arg9[%dma_wait3A_92, %dma_wait3A_93, %dma_wait3A_94] : memref<80x1x128xi32, #tpu.memory_space<vmem>> -> memref<1x1x128xi32, #tpu.memory_space<vmem>>
    %dma_wait3A_96 = tpu.memref_squeeze %dma_wait3A_95 : memref<1x1x128xi32, #tpu.memory_space<vmem>> -> memref<128xi32, #tpu.memory_space<vmem>>
    %dma_wait3A_97 = arith.constant 0 : i32
    %dma_wait3A_98 = arith.constant 0 : i32
    %dma_wait3A_99 = tpu.memref_slice %arg12[%dma_wait3A_97, %dma_wait3A_98] : memref<10240x128xf32, #tpu.memory_space<vmem_shared>> -> memref<10240x128xf32, #tpu.memory_space<vmem_shared>>
    tpu.wait_indirect_dma semaphore(%arg17 : memref<!tpu.dma_semaphore, #tpu.memory_space<semaphore_mem>>) src(%arg10 : memref<128x128xf32, #tpu.memory_space<vmem>>) dst(%dma_wait3A_99 : memref<10240x128xf32, #tpu.memory_space<vmem_shared>>)
    %dma_wait3A_100 = arith.constant 0 : i32
    %dma_wait3A_101 = arith.constant 0 : i32
    %dma_wait3A_102 = arith.constant 0 : i32
    %dma_wait3A_103 = tpu.memref_slice %arg9[%dma_wait3A_100, %dma_wait3A_101, %dma_wait3A_102] : memref<80x1x128xi32, #tpu.memory_space<vmem>> -> memref<1x1x128xi32, #tpu.memory_space<vmem>>
    %dma_wait3A_104 = tpu.memref_squeeze %dma_wait3A_103 : memref<1x1x128xi32, #tpu.memory_space<vmem>> -> memref<128xi32, #tpu.memory_space<vmem>>
    %dma_wait3A_105 = arith.constant 0 : i32
    %dma_wait3A_106 = arith.constant 0 : i32
    %dma_wait3A_107 = tpu.memref_slice %arg12[%dma_wait3A_105, %dma_wait3A_106] : memref<10240x128xf32, #tpu.memory_space<vmem_shared>> -> memref<10240x128xf32, #tpu.memory_space<vmem_shared>>
    tpu.wait_indirect_dma semaphore(%arg18 : memref<!tpu.dma_semaphore, #tpu.memory_space<semaphore_mem>>) src(%arg11 : memref<128x128xf32, #tpu.memory_space<vmem>>) dst(%dma_wait3A_107 : memref<10240x128xf32, #tpu.memory_space<vmem_shared>>)
    %barrier3A_108 = arith.constant 0 : index
    tpu.barrier barrier_id(%barrier3A_108)
    %mul3A_109 = arith.constant 640 : i32
    %mul3A_110 = arith.muli %arg1, %mul3A_109 : i32
    %mul3A_111 = arith.constant 640 : i32
    %mul3A_112 = arith.muli %arg1, %mul3A_111 : i32
    "tpu.region"() ({
      %run_scoped3A = tpu.sem_alloc : memref<!tpu.dma_semaphore, #tpu.memory_space<semaphore_mem>>
      %dma_start3A_113 = arith.constant 0 : i32
      %dma_start3A_114 = tpu.memref_slice %arg6[%arg0, %mul3A_112, %dma_start3A_113] : memref<2x10240x128xf32, #tpu.memory_space<hbm>> -> memref<1x640x128xf32, #tpu.memory_space<hbm>>
      %dma_start3A_115 = tpu.memref_squeeze %dma_start3A_114 : memref<1x640x128xf32, #tpu.memory_space<hbm>> -> memref<640x128xf32, #tpu.memory_space<hbm>>
      %dma_start3A_116 = arith.constant 0 : i32
      %dma_start3A_117 = tpu.memref_slice %arg12[%mul3A_110, %dma_start3A_116] : memref<10240x128xf32, #tpu.memory_space<vmem_shared>> -> memref<640x128xf32, #tpu.memory_space<vmem_shared>>
      tpu.enqueue_dma source(%dma_start3A_117 : memref<640x128xf32, #tpu.memory_space<vmem_shared>>) target(%dma_start3A_115 : memref<640x128xf32, #tpu.memory_space<hbm>>) target_semaphore(%run_scoped3A : memref<!tpu.dma_semaphore, #tpu.memory_space<semaphore_mem>>)
      %dma_wait3A_118 = arith.constant 0 : i32
      %dma_wait3A_119 = tpu.memref_slice %arg6[%arg0, %mul3A_112, %dma_wait3A_118] : memref<2x10240x128xf32, #tpu.memory_space<hbm>> -> memref<1x640x128xf32, #tpu.memory_space<hbm>>
      %dma_wait3A_120 = tpu.memref_squeeze %dma_wait3A_119 : memref<1x640x128xf32, #tpu.memory_space<hbm>> -> memref<640x128xf32, #tpu.memory_space<hbm>>
      %dma_wait3A_121 = arith.constant 0 : i32
      %dma_wait3A_122 = tpu.memref_slice %arg12[%mul3A_110, %dma_wait3A_121] : memref<10240x128xf32, #tpu.memory_space<vmem_shared>> -> memref<640x128xf32, #tpu.memory_space<vmem_shared>>
      tpu.wait_dma2 semaphore(%run_scoped3A : memref<!tpu.dma_semaphore, #tpu.memory_space<semaphore_mem>>) src(%dma_wait3A_122 : memref<640x128xf32, #tpu.memory_space<vmem_shared>>) dst(%dma_wait3A_120 : memref<640x128xf32, #tpu.memory_space<hbm>>)
      tpu.yield
    }) : () -> ()
    return
  }
}

module attributes {stable_mosaic.version = 14 : i64} {
  func.func @_layer_body(%arg0: i32, %arg1: i32, %arg2: memref<1024x128xf32, #tpu.memory_space<vmem>>, %arg3: memref<1024x128xf32, #tpu.memory_space<vmem>>, %arg4: memref<1024x128xf32, #tpu.memory_space<vmem>>, %arg5: memref<128x128xf32, #tpu.memory_space<vmem>>, %arg6: memref<128x128xf32, #tpu.memory_space<vmem>>, %arg7: memref<1x128xf32, #tpu.memory_space<vmem>>, %arg8: memref<1x128xf32, #tpu.memory_space<vmem>>, %arg9: memref<1x128xf32, #tpu.memory_space<vmem>>, %arg10: memref<1x1x1024xi32, #tpu.memory_space<vmem>>, %arg11: memref<1024x128xf32, #tpu.memory_space<vmem>>, %arg12: memref<64x128xf32, #tpu.memory_space<vmem>>, %arg13: memref<10240x128xf32, #tpu.memory_space<vmem>>, %arg14: memref<1x128xf32, #tpu.memory_space<vmem>>, %arg15: memref<1x128xf32, #tpu.memory_space<vmem>>) attributes {dimension_semantics = [#tpu.dimension_semantics<arbitrary>, #tpu.dimension_semantics<arbitrary>], iteration_bounds = array<i64: 2, 10>, scalar_prefetch = 0 : i64, scratch_operands = 3 : i64, tpu.core_type = #tpu.core_type<tc>, window_params = [{transform_indices = @transform_0, window_bounds = array<i64: 1024, 128>}, {transform_indices = @transform_1, window_bounds = array<i64: 1024, 128>}, {transform_indices = @transform_2, window_bounds = array<i64: 1024, 128>}, {pipeline_mode = #tpu.pipeline_mode<synchronous>, transform_indices = @transform_3, window_bounds = array<i64: 128, 128>}, {pipeline_mode = #tpu.pipeline_mode<synchronous>, transform_indices = @transform_4, window_bounds = array<i64: 128, 128>}, {pipeline_mode = #tpu.pipeline_mode<synchronous>, transform_indices = @transform_5, window_bounds = array<i64: 1, 128>}, {pipeline_mode = #tpu.pipeline_mode<synchronous>, transform_indices = @transform_6, window_bounds = array<i64: 1, 128>}, {pipeline_mode = #tpu.pipeline_mode<synchronous>, transform_indices = @transform_7, window_bounds = array<i64: 1, 128>}, {transform_indices = @transform_8, window_bounds = array<i64: 1, 1, 1024>}, {transform_indices = @transform_9, window_bounds = array<i64: 1024, 128>}, {pipeline_mode = #tpu.pipeline_mode<synchronous>, transform_indices = @transform_10, window_bounds = array<i64: 64, 128>}]} {
    %eq3A = arith.constant 0 : i32
    %eq3A_0 = arith.cmpi eq, %arg0, %eq3A : i32
    %eq3A_1 = arith.constant 0 : i32
    %eq3A_2 = arith.cmpi eq, %arg1, %eq3A_1 : i32
    %and3A = arith.andi %eq3A_0, %eq3A_2 : i1
    %convert_element_type3A = arith.extui %and3A : i1 to i32
    %cond3A = arith.constant 0 : i32
    %cond3A_3 = arith.cmpi ne, %convert_element_type3A, %cond3A : i32
    scf.if %cond3A_3 {
      %broadcast_in_dim3A = arith.constant 0.000000e+00 : f32
      %broadcast_in_dim3A_14 = vector.broadcast %broadcast_in_dim3A : f32 to vector<1x128xf32>
      %swap3A = arith.constant 0 : index
      %swap3A_15 = arith.constant 0 : index
      %swap3A_16 = vector.load %arg14[%swap3A, %swap3A_15] : memref<1x128xf32, #tpu.memory_space<vmem>>, vector<1x128xf32>
      tpu.vector_store %arg14[%swap3A, %swap3A_15], %broadcast_in_dim3A_14 {strides = array<i32>} : memref<1x128xf32, #tpu.memory_space<vmem>>, vector<1x128xf32>,
      %broadcast_in_dim3A_17 = arith.constant 0.000000e+00 : f32
      %broadcast_in_dim3A_18 = vector.broadcast %broadcast_in_dim3A_17 : f32 to vector<1x128xf32>
      %swap3A_19 = arith.constant 0 : index
      %swap3A_20 = arith.constant 0 : index
      %swap3A_21 = vector.load %arg15[%swap3A_19, %swap3A_20] : memref<1x128xf32, #tpu.memory_space<vmem>>, vector<1x128xf32>
      tpu.vector_store %arg15[%swap3A_19, %swap3A_20], %broadcast_in_dim3A_18 {strides = array<i32>} : memref<1x128xf32, #tpu.memory_space<vmem>>, vector<1x128xf32>,
    } else {
    }
    %eq3A_4 = arith.constant 0 : i32
    %eq3A_5 = arith.cmpi eq, %arg0, %eq3A_4 : i32
    %convert_element_type3A_6 = arith.extui %eq3A_5 : i1 to i32
    %cond3A_7 = arith.constant 0 : i32
    %cond3A_8 = arith.cmpi ne, %convert_element_type3A_6, %cond3A_7 : i32
    scf.if %cond3A_8 {
      %get3A = arith.constant 0 : index
      %get3A_14 = arith.constant 0 : index
      %get3A_15 = vector.load %arg2[%get3A, %get3A_14] : memref<1024x128xf32, #tpu.memory_space<vmem>>, vector<1024x128xf32>
      %get3A_16 = arith.constant 0 : index
      %get3A_17 = arith.constant 0 : index
      %get3A_18 = vector.load %arg3[%get3A_16, %get3A_17] : memref<1024x128xf32, #tpu.memory_space<vmem>>, vector<1024x128xf32>
      %add3A = arith.addf %get3A_15, %get3A_18 : vector<1024x128xf32>
      %get3A_19 = arith.constant 0 : index
      %get3A_20 = arith.constant 0 : index
      %get3A_21 = vector.load %arg4[%get3A_19, %get3A_20] : memref<1024x128xf32, #tpu.memory_space<vmem>>, vector<1024x128xf32>
      %add3A_22 = arith.addf %add3A, %get3A_21 : vector<1024x128xf32>
      %get3A_23 = arith.constant 0 : index
      %get3A_24 = arith.constant 0 : index
      %get3A_25 = vector.load %arg5[%get3A_23, %get3A_24] : memref<128x128xf32, #tpu.memory_space<vmem>>, vector<128x128xf32>
      %dot_general3A = arith.constant dense<0.000000e+00> : vector<1024x128xf32>
      %dot_general3A_26 = tpu.matmul %add3A_22, %get3A_25, %dot_general3A {dimension_numbers = #tpu.dot_dimension_numbers<[1], [0], [0], [1], [0, 0, 1, 1], [], []>, transpose_lhs_hint = false} : vector<1024x128xf32>, vector<128x128xf32>, vector<1024x128xf32> -> vector<1024x128xf32>
      %iota3A = tpu.iota {dimensions = array<i32: 0>} : vector<1024x128xi32>
      %mul3A = arith.constant 1024 : i32
      %mul3A_27 = arith.muli %arg1, %mul3A : i32
      %add3A_28 = vector.broadcast %mul3A_27 : i32 to vector<1024x128xi32>
      %add3A_29 = arith.addi %iota3A, %add3A_28 : vector<1024x128xi32>
      %lt3A = arith.constant 10000 : i32
      %lt3A_30 = vector.broadcast %lt3A : i32 to vector<1024x128xi32>
      %lt3A_31 = arith.cmpi slt, %add3A_29, %lt3A_30 : vector<1024x128xi32>
      %jit3A = arith.constant 0.000000e+00 : f32
      %broadcast_in_dim3A = vector.broadcast %jit3A : f32 to vector<1024x128xf32>
      %select_n3A = arith.select %lt3A_31, %dot_general3A_26, %broadcast_in_dim3A : vector<1024x128xi1>, vector<1024x128xf32>
      %mul3A_32 = arith.constant 1024 : i32
      %mul3A_33 = arith.muli %arg1, %mul3A_32 : i32
      %multiple_of3A = tpu.assume_multiple %mul3A_33, 1024 : i32
      %swap3A = arith.index_cast %multiple_of3A : i32 to index
      %swap3A_34 = arith.constant 0 : index
      %swap3A_35 = vector.load %arg13[%swap3A, %swap3A_34] : memref<10240x128xf32, #tpu.memory_space<vmem>>, vector<1024x128xf32>
      tpu.vector_store %arg13[%swap3A, %swap3A_34], %select_n3A {strides = array<i32>} : memref<10240x128xf32, #tpu.memory_space<vmem>>, vector<1024x128xf32>,
      %get3A_36 = arith.constant 0 : index
      %get3A_37 = arith.constant 0 : index
      %get3A_38 = vector.load %arg14[%get3A_36, %get3A_37] : memref<1x128xf32, #tpu.memory_space<vmem>>, vector<1x128xf32>
      %reduce_sum3A = arith.constant dense<0.000000e+00> : vector<128xf32>
      %reduce_sum3A_39 = vector.multi_reduction <add>, %select_n3A, %reduce_sum3A [0] : vector<1024x128xf32> to vector<128xf32>
      %broadcast_in_dim3A_40 = vector.shape_cast %reduce_sum3A_39 : vector<128xf32> to vector<1x128xf32>
      %add3A_41 = arith.addf %get3A_38, %broadcast_in_dim3A_40 : vector<1x128xf32>
      %swap3A_42 = arith.constant 0 : index
      %swap3A_43 = arith.constant 0 : index
      %swap3A_44 = vector.load %arg14[%swap3A_42, %swap3A_43] : memref<1x128xf32, #tpu.memory_space<vmem>>, vector<1x128xf32>
      tpu.vector_store %arg14[%swap3A_42, %swap3A_43], %add3A_41 {strides = array<i32>} : memref<1x128xf32, #tpu.memory_space<vmem>>, vector<1x128xf32>,
      %get3A_45 = arith.constant 0 : index
      %get3A_46 = arith.constant 0 : index
      %get3A_47 = vector.load %arg15[%get3A_45, %get3A_46] : memref<1x128xf32, #tpu.memory_space<vmem>>, vector<1x128xf32>
      %mul3A_48 = arith.mulf %select_n3A, %select_n3A : vector<1024x128xf32>
      %reduce_sum3A_49 = arith.constant dense<0.000000e+00> : vector<128xf32>
      %reduce_sum3A_50 = vector.multi_reduction <add>, %mul3A_48, %reduce_sum3A_49 [0] : vector<1024x128xf32> to vector<128xf32>
      %broadcast_in_dim3A_51 = vector.shape_cast %reduce_sum3A_50 : vector<128xf32> to vector<1x128xf32>
      %add3A_52 = arith.addf %get3A_47, %broadcast_in_dim3A_51 : vector<1x128xf32>
      %swap3A_53 = arith.constant 0 : index
      %swap3A_54 = arith.constant 0 : index
      %swap3A_55 = vector.load %arg15[%swap3A_53, %swap3A_54] : memref<1x128xf32, #tpu.memory_space<vmem>>, vector<1x128xf32>
      tpu.vector_store %arg15[%swap3A_53, %swap3A_54], %add3A_52 {strides = array<i32>} : memref<1x128xf32, #tpu.memory_space<vmem>>, vector<1x128xf32>,
    } else {
    }
    %eq3A_9 = arith.constant 1 : i32
    %eq3A_10 = arith.cmpi eq, %arg0, %eq3A_9 : i32
    %convert_element_type3A_11 = arith.extui %eq3A_10 : i1 to i32
    %cond3A_12 = arith.constant 0 : i32
    %cond3A_13 = arith.cmpi ne, %convert_element_type3A_11, %cond3A_12 : i32
    scf.if %cond3A_13 {
      %get3A = arith.constant 0 : index
      %get3A_14 = arith.constant 0 : index
      %get3A_15 = vector.load %arg14[%get3A, %get3A_14] : memref<1x128xf32, #tpu.memory_space<vmem>>, vector<1x128xf32>
      %div3A = arith.constant 1.000000e+04 : f32
      %div3A_16 = vector.broadcast %div3A : f32 to vector<1x128xf32>
      %div3A_17 = arith.divf %get3A_15, %div3A_16 : vector<1x128xf32>
      %get3A_18 = arith.constant 0 : index
      %get3A_19 = arith.constant 0 : index
      %get3A_20 = vector.load %arg15[%get3A_18, %get3A_19] : memref<1x128xf32, #tpu.memory_space<vmem>>, vector<1x128xf32>
      %div3A_21 = arith.constant 1.000000e+04 : f32
      %div3A_22 = vector.broadcast %div3A_21 : f32 to vector<1x128xf32>
      %div3A_23 = arith.divf %get3A_20, %div3A_22 : vector<1x128xf32>
      %mul3A = arith.mulf %div3A_17, %div3A_17 : vector<1x128xf32>
      %sub3A = arith.subf %div3A_23, %mul3A : vector<1x128xf32>
      %add3A = arith.constant 9.99999974E-6 : f32
      %add3A_24 = vector.broadcast %add3A : f32 to vector<1x128xf32>
      %add3A_25 = arith.addf %sub3A, %add3A_24 : vector<1x128xf32>
      %rsqrt3A = math.rsqrt %add3A_25 : vector<1x128xf32>
      %mul3A_26 = arith.constant 1024 : i32
      %mul3A_27 = arith.muli %arg1, %mul3A_26 : i32
      %multiple_of3A = tpu.assume_multiple %mul3A_27, 1024 : i32
      %get3A_28 = arith.index_cast %multiple_of3A : i32 to index
      %get3A_29 = arith.constant 0 : index
      %get3A_30 = vector.load %arg13[%get3A_28, %get3A_29] : memref<10240x128xf32, #tpu.memory_space<vmem>>, vector<1024x128xf32>
      %sub3A_31 = vector.broadcast %div3A_17 : vector<1x128xf32> to vector<1024x128xf32>
      %sub3A_32 = arith.subf %get3A_30, %sub3A_31 : vector<1024x128xf32>
      %get3A_33 = arith.constant 0 : index
      %get3A_34 = arith.constant 0 : index
      %get3A_35 = vector.load %arg8[%get3A_33, %get3A_34] : memref<1x128xf32, #tpu.memory_space<vmem>>, vector<1x128xf32>
      %mul3A_36 = arith.mulf %rsqrt3A, %get3A_35 : vector<1x128xf32>
      %mul3A_37 = vector.broadcast %mul3A_36 : vector<1x128xf32> to vector<1024x128xf32>
      %mul3A_38 = arith.mulf %sub3A_32, %mul3A_37 : vector<1024x128xf32>
      %get3A_39 = arith.constant 0 : index
      %get3A_40 = arith.constant 0 : index
      %get3A_41 = vector.load %arg9[%get3A_39, %get3A_40] : memref<1x128xf32, #tpu.memory_space<vmem>>, vector<1x128xf32>
      %add3A_42 = vector.broadcast %get3A_41 : vector<1x128xf32> to vector<1024x128xf32>
      %add3A_43 = arith.addf %mul3A_38, %add3A_42 : vector<1024x128xf32>
      %max3A = arith.constant 0.000000e+00 : f32
      %max3A_44 = vector.broadcast %max3A : f32 to vector<1024x128xf32>
      %max3A_45 = arith.maximumf %add3A_43, %max3A_44 : vector<1024x128xf32>
      %get3A_46 = arith.constant 0 : index
      %get3A_47 = arith.constant 0 : index
      %get3A_48 = vector.load %arg6[%get3A_46, %get3A_47] : memref<128x128xf32, #tpu.memory_space<vmem>>, vector<128x128xf32>
      %dot_general3A = arith.constant dense<0.000000e+00> : vector<1024x128xf32>
      %dot_general3A_49 = tpu.matmul %max3A_45, %get3A_48, %dot_general3A {dimension_numbers = #tpu.dot_dimension_numbers<[1], [0], [0], [1], [0, 0, 1, 1], [], []>, transpose_lhs_hint = false} : vector<1024x128xf32>, vector<128x128xf32>, vector<1024x128xf32> -> vector<1024x128xf32>
      %get3A_50 = arith.constant 0 : index
      %get3A_51 = arith.constant 0 : index
      %get3A_52 = vector.load %arg7[%get3A_50, %get3A_51] : memref<1x128xf32, #tpu.memory_space<vmem>>, vector<1x128xf32>
      %add3A_53 = vector.broadcast %get3A_52 : vector<1x128xf32> to vector<1024x128xf32>
      %add3A_54 = arith.addf %dot_general3A_49, %add3A_53 : vector<1024x128xf32>
      %max3A_55 = arith.constant 0.000000e+00 : f32
      %max3A_56 = vector.broadcast %max3A_55 : f32 to vector<1024x128xf32>
      %max3A_57 = arith.maximumf %add3A_54, %max3A_56 : vector<1024x128xf32>
      %iota3A = tpu.iota {dimensions = array<i32: 0>} : vector<1024x128xi32>
      %mul3A_58 = arith.constant 1024 : i32
      %mul3A_59 = arith.muli %arg1, %mul3A_58 : i32
      %add3A_60 = vector.broadcast %mul3A_59 : i32 to vector<1024x128xi32>
      %add3A_61 = arith.addi %iota3A, %add3A_60 : vector<1024x128xi32>
      %lt3A = arith.constant 10000 : i32
      %lt3A_62 = vector.broadcast %lt3A : i32 to vector<1024x128xi32>
      %lt3A_63 = arith.cmpi slt, %add3A_61, %lt3A_62 : vector<1024x128xi32>
      %jit3A = arith.constant 0.000000e+00 : f32
      %broadcast_in_dim3A = vector.broadcast %jit3A : f32 to vector<1024x128xf32>
      %select_n3A = arith.select %lt3A_63, %max3A_57, %broadcast_in_dim3A : vector<1024x128xi1>, vector<1024x128xf32>
      %swap3A = arith.constant 0 : index
      %swap3A_64 = arith.constant 0 : index
      %swap3A_65 = vector.load %arg11[%swap3A, %swap3A_64] : memref<1024x128xf32, #tpu.memory_space<vmem>>, vector<1024x128xf32>
      tpu.vector_store %arg11[%swap3A, %swap3A_64], %select_n3A {strides = array<i32>} : memref<1024x128xf32, #tpu.memory_space<vmem>>, vector<1024x128xf32>,
      %get3A_66 = arith.constant 0 : index
      %get3A_67 = arith.constant 0 : index
      %get3A_68 = arith.constant 0 : index
      %get3A_69 = vector.load %arg10[%get3A_66, %get3A_67, %get3A_68] : memref<1x1x1024xi32, #tpu.memory_space<vmem>>, vector<1x1x1024xi32>
      %get3A_70 = vector.shape_cast %get3A_69 : vector<1x1x1024xi32> to vector<1024xi32>
      %iota3A_71 = tpu.iota {dimensions = array<i32: 0>} : vector<64x1024xi32>
      %broadcast_in_dim3A_72 = vector.shape_cast %get3A_70 : vector<1024xi32> to vector<1x1024xi32>
      %eq3A_73 = vector.broadcast %broadcast_in_dim3A_72 : vector<1x1024xi32> to vector<64x1024xi32>
      %eq3A_74 = arith.cmpi eq, %iota3A_71, %eq3A_73 : vector<64x1024xi32>
      %convert_element_type3A_75 = arith.extui %eq3A_74 : vector<64x1024xi1> to vector<64x1024xi32>
      %convert_element_type3A_76 = arith.sitofp %convert_element_type3A_75 : vector<64x1024xi32> to vector<64x1024xf32>
      %dot_general3A_77 = arith.constant dense<0.000000e+00> : vector<64x128xf32>
      %dot_general3A_78 = tpu.matmul %convert_element_type3A_76, %select_n3A, %dot_general3A_77 {dimension_numbers = #tpu.dot_dimension_numbers<[1], [0], [0], [1], [0, 0, 1, 1], [], []>, transpose_lhs_hint = false} : vector<64x1024xf32>, vector<1024x128xf32>, vector<64x128xf32> -> vector<64x128xf32>
      %eq3A_79 = arith.constant 0 : i32
      %eq3A_80 = arith.cmpi eq, %arg1, %eq3A_79 : i32
      %convert_element_type3A_81 = arith.extui %eq3A_80 : i1 to i32
      %cond3A_82 = arith.constant 0 : i32
      %cond3A_83 = arith.cmpi ne, %convert_element_type3A_81, %cond3A_82 : i32
      scf.if %cond3A_83 {
        %swap3A_88 = arith.constant 0 : index
        %swap3A_89 = arith.constant 0 : index
        %swap3A_90 = vector.load %arg12[%swap3A_88, %swap3A_89] : memref<64x128xf32, #tpu.memory_space<vmem>>, vector<64x128xf32>
        tpu.vector_store %arg12[%swap3A_88, %swap3A_89], %dot_general3A_78 {strides = array<i32>} : memref<64x128xf32, #tpu.memory_space<vmem>>, vector<64x128xf32>,
      } else {
      }
      %gt3A = arith.constant 0 : i32
      %gt3A_84 = arith.cmpi sgt, %arg1, %gt3A : i32
      %convert_element_type3A_85 = arith.extui %gt3A_84 : i1 to i32
      %cond3A_86 = arith.constant 0 : i32
      %cond3A_87 = arith.cmpi ne, %convert_element_type3A_85, %cond3A_86 : i32
      scf.if %cond3A_87 {
        %get3A_88 = arith.constant 0 : index
        %get3A_89 = arith.constant 0 : index
        %get3A_90 = vector.load %arg12[%get3A_88, %get3A_89] : memref<64x128xf32, #tpu.memory_space<vmem>>, vector<64x128xf32>
        %add3A_91 = arith.addf %get3A_90, %dot_general3A_78 : vector<64x128xf32>
        %swap3A_92 = arith.constant 0 : index
        %swap3A_93 = arith.constant 0 : index
        %swap3A_94 = vector.load %arg12[%swap3A_92, %swap3A_93] : memref<64x128xf32, #tpu.memory_space<vmem>>, vector<64x128xf32>
        tpu.vector_store %arg12[%swap3A_92, %swap3A_93], %add3A_91 {strides = array<i32>} : memref<64x128xf32, #tpu.memory_space<vmem>>, vector<64x128xf32>,
      } else {
      }
    } else {
    }
    return
  }
  func.func @transform_0(%arg0: i32, %arg1: i32) -> (i32, i32) {
    %sub3A = arith.constant 1 : i32
    %sub3A_0 = arith.subi %sub3A, %arg0 : i32
    %mul3A = arith.muli %sub3A_0, %arg1 : i32
    %c0_i32 = arith.constant 0 : i32
    %c0_i32_1 = arith.constant 0 : i32
    return %mul3A, %c0_i32 : i32, i32
  }
  func.func @transform_1(%arg0: i32, %arg1: i32) -> (i32, i32) {
    %sub3A = arith.constant 1 : i32
    %sub3A_0 = arith.subi %sub3A, %arg0 : i32
    %mul3A = arith.muli %sub3A_0, %arg1 : i32
    %c0_i32 = arith.constant 0 : i32
    %c0_i32_1 = arith.constant 0 : i32
    return %mul3A, %c0_i32 : i32, i32
  }
  func.func @transform_2(%arg0: i32, %arg1: i32) -> (i32, i32) {
    %sub3A = arith.constant 1 : i32
    %sub3A_0 = arith.subi %sub3A, %arg0 : i32
    %mul3A = arith.muli %sub3A_0, %arg1 : i32
    %c0_i32 = arith.constant 0 : i32
    %c0_i32_1 = arith.constant 0 : i32
    return %mul3A, %c0_i32 : i32, i32
  }
  func.func @transform_3(%arg0: i32, %arg1: i32) -> (i32, i32) {
    %c0_i32 = arith.constant 0 : i32
    %c0_i32_0 = arith.constant 0 : i32
    %c0_i32_1 = arith.constant 0 : i32
    return %c0_i32, %c0_i32_0 : i32, i32
  }
  func.func @transform_4(%arg0: i32, %arg1: i32) -> (i32, i32) {
    %c0_i32 = arith.constant 0 : i32
    %c0_i32_0 = arith.constant 0 : i32
    %c0_i32_1 = arith.constant 0 : i32
    return %c0_i32, %c0_i32_0 : i32, i32
  }
  func.func @transform_5(%arg0: i32, %arg1: i32) -> (i32, i32) {
    %c0_i32 = arith.constant 0 : i32
    %c0_i32_0 = arith.constant 0 : i32
    %c0_i32_1 = arith.constant 0 : i32
    return %c0_i32, %c0_i32_0 : i32, i32
  }
  func.func @transform_6(%arg0: i32, %arg1: i32) -> (i32, i32) {
    %c0_i32 = arith.constant 0 : i32
    %c0_i32_0 = arith.constant 0 : i32
    %c0_i32_1 = arith.constant 0 : i32
    return %c0_i32, %c0_i32_0 : i32, i32
  }
  func.func @transform_7(%arg0: i32, %arg1: i32) -> (i32, i32) {
    %c0_i32 = arith.constant 0 : i32
    %c0_i32_0 = arith.constant 0 : i32
    %c0_i32_1 = arith.constant 0 : i32
    return %c0_i32, %c0_i32_0 : i32, i32
  }
  func.func @transform_8(%arg0: i32, %arg1: i32) -> (i32, i32, i32) {
    %c0_i32 = arith.constant 0 : i32
    %c0_i32_0 = arith.constant 0 : i32
    %c0_i32_1 = arith.constant 0 : i32
    return %arg1, %c0_i32, %c0_i32_0 : i32, i32, i32
  }
  func.func @transform_9(%arg0: i32, %arg1: i32) -> (i32, i32) {
    %mul3A = arith.muli %arg0, %arg1 : i32
    %c0_i32 = arith.constant 0 : i32
    %c0_i32_0 = arith.constant 0 : i32
    return %mul3A, %c0_i32 : i32, i32
  }
  func.func @transform_10(%arg0: i32, %arg1: i32) -> (i32, i32) {
    %c0_i32 = arith.constant 0 : i32
    %c0_i32_0 = arith.constant 0 : i32
    %c0_i32_1 = arith.constant 0 : i32
    return %c0_i32, %c0_i32_0 : i32, i32
  }
}

module attributes {stable_mosaic.version = 14 : i64} {
  func.func @_layer_body(%arg0: i32, %arg1: i32, %arg2: memref<1024x128xf32, #tpu.memory_space<vmem>>, %arg3: memref<1024x128xf32, #tpu.memory_space<vmem>>, %arg4: memref<1024x128xf32, #tpu.memory_space<vmem>>, %arg5: memref<128x128xf32, #tpu.memory_space<vmem>>, %arg6: memref<128x128xf32, #tpu.memory_space<vmem>>, %arg7: memref<1x128xf32, #tpu.memory_space<vmem>>, %arg8: memref<1x128xf32, #tpu.memory_space<vmem>>, %arg9: memref<1x128xf32, #tpu.memory_space<vmem>>, %arg10: memref<1x1x1024xi32, #tpu.memory_space<vmem>>, %arg11: memref<1024x128xf32, #tpu.memory_space<vmem>>, %arg12: memref<64x128xf32, #tpu.memory_space<vmem>>, %arg13: memref<10240x128xf32, #tpu.memory_space<vmem>>, %arg14: memref<1x128xf32, #tpu.memory_space<vmem>>, %arg15: memref<1x128xf32, #tpu.memory_space<vmem>>) attributes {dimension_semantics = [#tpu.dimension_semantics<arbitrary>, #tpu.dimension_semantics<arbitrary>], iteration_bounds = array<i64: 2, 10>, scalar_prefetch = 0 : i64, scratch_operands = 3 : i64, tpu.core_type = #tpu.core_type<tc>, window_params = [{transform_indices = @transform_0, window_bounds = array<i64: 1024, 128>}, {transform_indices = @transform_1, window_bounds = array<i64: 1024, 128>}, {transform_indices = @transform_2, window_bounds = array<i64: 1024, 128>}, {pipeline_mode = #tpu.pipeline_mode<synchronous>, transform_indices = @transform_3, window_bounds = array<i64: 128, 128>}, {pipeline_mode = #tpu.pipeline_mode<synchronous>, transform_indices = @transform_4, window_bounds = array<i64: 128, 128>}, {pipeline_mode = #tpu.pipeline_mode<synchronous>, transform_indices = @transform_5, window_bounds = array<i64: 1, 128>}, {pipeline_mode = #tpu.pipeline_mode<synchronous>, transform_indices = @transform_6, window_bounds = array<i64: 1, 128>}, {pipeline_mode = #tpu.pipeline_mode<synchronous>, transform_indices = @transform_7, window_bounds = array<i64: 1, 128>}, {transform_indices = @transform_8, window_bounds = array<i64: 1, 1, 1024>}, {transform_indices = @transform_9, window_bounds = array<i64: 1024, 128>}, {pipeline_mode = #tpu.pipeline_mode<synchronous>, transform_indices = @transform_10, window_bounds = array<i64: 64, 128>}]} {
    %eq3A = arith.constant 0 : i32
    %eq3A_0 = arith.cmpi eq, %arg0, %eq3A : i32
    %eq3A_1 = arith.constant 0 : i32
    %eq3A_2 = arith.cmpi eq, %arg1, %eq3A_1 : i32
    %and3A = arith.andi %eq3A_0, %eq3A_2 : i1
    %convert_element_type3A = arith.extui %and3A : i1 to i32
    %cond3A = arith.constant 0 : i32
    %cond3A_3 = arith.cmpi ne, %convert_element_type3A, %cond3A : i32
    scf.if %cond3A_3 {
      %broadcast_in_dim3A = arith.constant 0.000000e+00 : f32
      %broadcast_in_dim3A_14 = vector.broadcast %broadcast_in_dim3A : f32 to vector<1x128xf32>
      %swap3A = arith.constant 0 : index
      %swap3A_15 = arith.constant 0 : index
      %swap3A_16 = vector.load %arg14[%swap3A, %swap3A_15] : memref<1x128xf32, #tpu.memory_space<vmem>>, vector<1x128xf32>
      tpu.vector_store %arg14[%swap3A, %swap3A_15], %broadcast_in_dim3A_14 {strides = array<i32>} : memref<1x128xf32, #tpu.memory_space<vmem>>, vector<1x128xf32>,
      %broadcast_in_dim3A_17 = arith.constant 0.000000e+00 : f32
      %broadcast_in_dim3A_18 = vector.broadcast %broadcast_in_dim3A_17 : f32 to vector<1x128xf32>
      %swap3A_19 = arith.constant 0 : index
      %swap3A_20 = arith.constant 0 : index
      %swap3A_21 = vector.load %arg15[%swap3A_19, %swap3A_20] : memref<1x128xf32, #tpu.memory_space<vmem>>, vector<1x128xf32>
      tpu.vector_store %arg15[%swap3A_19, %swap3A_20], %broadcast_in_dim3A_18 {strides = array<i32>} : memref<1x128xf32, #tpu.memory_space<vmem>>, vector<1x128xf32>,
    } else {
    }
    %eq3A_4 = arith.constant 0 : i32
    %eq3A_5 = arith.cmpi eq, %arg0, %eq3A_4 : i32
    %convert_element_type3A_6 = arith.extui %eq3A_5 : i1 to i32
    %cond3A_7 = arith.constant 0 : i32
    %cond3A_8 = arith.cmpi ne, %convert_element_type3A_6, %cond3A_7 : i32
    scf.if %cond3A_8 {
      %get3A = arith.constant 0 : index
      %get3A_14 = arith.constant 0 : index
      %get3A_15 = vector.load %arg2[%get3A, %get3A_14] : memref<1024x128xf32, #tpu.memory_space<vmem>>, vector<1024x128xf32>
      %get3A_16 = arith.constant 0 : index
      %get3A_17 = arith.constant 0 : index
      %get3A_18 = vector.load %arg3[%get3A_16, %get3A_17] : memref<1024x128xf32, #tpu.memory_space<vmem>>, vector<1024x128xf32>
      %add3A = arith.addf %get3A_15, %get3A_18 : vector<1024x128xf32>
      %get3A_19 = arith.constant 0 : index
      %get3A_20 = arith.constant 0 : index
      %get3A_21 = vector.load %arg4[%get3A_19, %get3A_20] : memref<1024x128xf32, #tpu.memory_space<vmem>>, vector<1024x128xf32>
      %add3A_22 = arith.addf %add3A, %get3A_21 : vector<1024x128xf32>
      %get3A_23 = arith.constant 0 : index
      %get3A_24 = arith.constant 0 : index
      %get3A_25 = vector.load %arg5[%get3A_23, %get3A_24] : memref<128x128xf32, #tpu.memory_space<vmem>>, vector<128x128xf32>
      %dot_general3A = arith.constant dense<0.000000e+00> : vector<1024x128xf32>
      %dot_general3A_26 = tpu.matmul %add3A_22, %get3A_25, %dot_general3A {dimension_numbers = #tpu.dot_dimension_numbers<[1], [0], [0], [1], [0, 0, 1, 1], [], []>, transpose_lhs_hint = false} : vector<1024x128xf32>, vector<128x128xf32>, vector<1024x128xf32> -> vector<1024x128xf32>
      %iota3A = tpu.iota {dimensions = array<i32: 0>} : vector<1024x128xi32>
      %mul3A = arith.constant 1024 : i32
      %mul3A_27 = arith.muli %arg1, %mul3A : i32
      %add3A_28 = vector.broadcast %mul3A_27 : i32 to vector<1024x128xi32>
      %add3A_29 = arith.addi %iota3A, %add3A_28 : vector<1024x128xi32>
      %lt3A = arith.constant 10000 : i32
      %lt3A_30 = vector.broadcast %lt3A : i32 to vector<1024x128xi32>
      %lt3A_31 = arith.cmpi slt, %add3A_29, %lt3A_30 : vector<1024x128xi32>
      %jit3A = arith.constant 0.000000e+00 : f32
      %broadcast_in_dim3A = vector.broadcast %jit3A : f32 to vector<1024x128xf32>
      %select_n3A = arith.select %lt3A_31, %dot_general3A_26, %broadcast_in_dim3A : vector<1024x128xi1>, vector<1024x128xf32>
      %mul3A_32 = arith.constant 1024 : i32
      %mul3A_33 = arith.muli %arg1, %mul3A_32 : i32
      %multiple_of3A = tpu.assume_multiple %mul3A_33, 1024 : i32
      %swap3A = arith.index_cast %multiple_of3A : i32 to index
      %swap3A_34 = arith.constant 0 : index
      %swap3A_35 = vector.load %arg13[%swap3A, %swap3A_34] : memref<10240x128xf32, #tpu.memory_space<vmem>>, vector<1024x128xf32>
      tpu.vector_store %arg13[%swap3A, %swap3A_34], %select_n3A {strides = array<i32>} : memref<10240x128xf32, #tpu.memory_space<vmem>>, vector<1024x128xf32>,
      %get3A_36 = arith.constant 0 : index
      %get3A_37 = arith.constant 0 : index
      %get3A_38 = vector.load %arg14[%get3A_36, %get3A_37] : memref<1x128xf32, #tpu.memory_space<vmem>>, vector<1x128xf32>
      %reduce_sum3A = arith.constant dense<0.000000e+00> : vector<128xf32>
      %reduce_sum3A_39 = vector.multi_reduction <add>, %select_n3A, %reduce_sum3A [0] : vector<1024x128xf32> to vector<128xf32>
      %broadcast_in_dim3A_40 = vector.shape_cast %reduce_sum3A_39 : vector<128xf32> to vector<1x128xf32>
      %add3A_41 = arith.addf %get3A_38, %broadcast_in_dim3A_40 : vector<1x128xf32>
      %swap3A_42 = arith.constant 0 : index
      %swap3A_43 = arith.constant 0 : index
      %swap3A_44 = vector.load %arg14[%swap3A_42, %swap3A_43] : memref<1x128xf32, #tpu.memory_space<vmem>>, vector<1x128xf32>
      tpu.vector_store %arg14[%swap3A_42, %swap3A_43], %add3A_41 {strides = array<i32>} : memref<1x128xf32, #tpu.memory_space<vmem>>, vector<1x128xf32>,
      %get3A_45 = arith.constant 0 : index
      %get3A_46 = arith.constant 0 : index
      %get3A_47 = vector.load %arg15[%get3A_45, %get3A_46] : memref<1x128xf32, #tpu.memory_space<vmem>>, vector<1x128xf32>
      %mul3A_48 = arith.mulf %select_n3A, %select_n3A : vector<1024x128xf32>
      %reduce_sum3A_49 = arith.constant dense<0.000000e+00> : vector<128xf32>
      %reduce_sum3A_50 = vector.multi_reduction <add>, %mul3A_48, %reduce_sum3A_49 [0] : vector<1024x128xf32> to vector<128xf32>
      %broadcast_in_dim3A_51 = vector.shape_cast %reduce_sum3A_50 : vector<128xf32> to vector<1x128xf32>
      %add3A_52 = arith.addf %get3A_47, %broadcast_in_dim3A_51 : vector<1x128xf32>
      %swap3A_53 = arith.constant 0 : index
      %swap3A_54 = arith.constant 0 : index
      %swap3A_55 = vector.load %arg15[%swap3A_53, %swap3A_54] : memref<1x128xf32, #tpu.memory_space<vmem>>, vector<1x128xf32>
      tpu.vector_store %arg15[%swap3A_53, %swap3A_54], %add3A_52 {strides = array<i32>} : memref<1x128xf32, #tpu.memory_space<vmem>>, vector<1x128xf32>,
    } else {
    }
    %eq3A_9 = arith.constant 1 : i32
    %eq3A_10 = arith.cmpi eq, %arg0, %eq3A_9 : i32
    %convert_element_type3A_11 = arith.extui %eq3A_10 : i1 to i32
    %cond3A_12 = arith.constant 0 : i32
    %cond3A_13 = arith.cmpi ne, %convert_element_type3A_11, %cond3A_12 : i32
    scf.if %cond3A_13 {
      %get3A = arith.constant 0 : index
      %get3A_14 = arith.constant 0 : index
      %get3A_15 = vector.load %arg14[%get3A, %get3A_14] : memref<1x128xf32, #tpu.memory_space<vmem>>, vector<1x128xf32>
      %div3A = arith.constant 1.000000e+04 : f32
      %div3A_16 = vector.broadcast %div3A : f32 to vector<1x128xf32>
      %div3A_17 = arith.divf %get3A_15, %div3A_16 : vector<1x128xf32>
      %get3A_18 = arith.constant 0 : index
      %get3A_19 = arith.constant 0 : index
      %get3A_20 = vector.load %arg15[%get3A_18, %get3A_19] : memref<1x128xf32, #tpu.memory_space<vmem>>, vector<1x128xf32>
      %div3A_21 = arith.constant 1.000000e+04 : f32
      %div3A_22 = vector.broadcast %div3A_21 : f32 to vector<1x128xf32>
      %div3A_23 = arith.divf %get3A_20, %div3A_22 : vector<1x128xf32>
      %mul3A = arith.mulf %div3A_17, %div3A_17 : vector<1x128xf32>
      %sub3A = arith.subf %div3A_23, %mul3A : vector<1x128xf32>
      %add3A = arith.constant 9.99999974E-6 : f32
      %add3A_24 = vector.broadcast %add3A : f32 to vector<1x128xf32>
      %add3A_25 = arith.addf %sub3A, %add3A_24 : vector<1x128xf32>
      %rsqrt3A = math.rsqrt %add3A_25 : vector<1x128xf32>
      %mul3A_26 = arith.constant 1024 : i32
      %mul3A_27 = arith.muli %arg1, %mul3A_26 : i32
      %multiple_of3A = tpu.assume_multiple %mul3A_27, 1024 : i32
      %get3A_28 = arith.index_cast %multiple_of3A : i32 to index
      %get3A_29 = arith.constant 0 : index
      %get3A_30 = vector.load %arg13[%get3A_28, %get3A_29] : memref<10240x128xf32, #tpu.memory_space<vmem>>, vector<1024x128xf32>
      %sub3A_31 = vector.broadcast %div3A_17 : vector<1x128xf32> to vector<1024x128xf32>
      %sub3A_32 = arith.subf %get3A_30, %sub3A_31 : vector<1024x128xf32>
      %get3A_33 = arith.constant 0 : index
      %get3A_34 = arith.constant 0 : index
      %get3A_35 = vector.load %arg8[%get3A_33, %get3A_34] : memref<1x128xf32, #tpu.memory_space<vmem>>, vector<1x128xf32>
      %mul3A_36 = arith.mulf %rsqrt3A, %get3A_35 : vector<1x128xf32>
      %mul3A_37 = vector.broadcast %mul3A_36 : vector<1x128xf32> to vector<1024x128xf32>
      %mul3A_38 = arith.mulf %sub3A_32, %mul3A_37 : vector<1024x128xf32>
      %get3A_39 = arith.constant 0 : index
      %get3A_40 = arith.constant 0 : index
      %get3A_41 = vector.load %arg9[%get3A_39, %get3A_40] : memref<1x128xf32, #tpu.memory_space<vmem>>, vector<1x128xf32>
      %add3A_42 = vector.broadcast %get3A_41 : vector<1x128xf32> to vector<1024x128xf32>
      %add3A_43 = arith.addf %mul3A_38, %add3A_42 : vector<1024x128xf32>
      %max3A = arith.constant 0.000000e+00 : f32
      %max3A_44 = vector.broadcast %max3A : f32 to vector<1024x128xf32>
      %max3A_45 = arith.maximumf %add3A_43, %max3A_44 : vector<1024x128xf32>
      %get3A_46 = arith.constant 0 : index
      %get3A_47 = arith.constant 0 : index
      %get3A_48 = vector.load %arg6[%get3A_46, %get3A_47] : memref<128x128xf32, #tpu.memory_space<vmem>>, vector<128x128xf32>
      %dot_general3A = arith.constant dense<0.000000e+00> : vector<1024x128xf32>
      %dot_general3A_49 = tpu.matmul %max3A_45, %get3A_48, %dot_general3A {dimension_numbers = #tpu.dot_dimension_numbers<[1], [0], [0], [1], [0, 0, 1, 1], [], []>, transpose_lhs_hint = false} : vector<1024x128xf32>, vector<128x128xf32>, vector<1024x128xf32> -> vector<1024x128xf32>
      %get3A_50 = arith.constant 0 : index
      %get3A_51 = arith.constant 0 : index
      %get3A_52 = vector.load %arg7[%get3A_50, %get3A_51] : memref<1x128xf32, #tpu.memory_space<vmem>>, vector<1x128xf32>
      %add3A_53 = vector.broadcast %get3A_52 : vector<1x128xf32> to vector<1024x128xf32>
      %add3A_54 = arith.addf %dot_general3A_49, %add3A_53 : vector<1024x128xf32>
      %max3A_55 = arith.constant 0.000000e+00 : f32
      %max3A_56 = vector.broadcast %max3A_55 : f32 to vector<1024x128xf32>
      %max3A_57 = arith.maximumf %add3A_54, %max3A_56 : vector<1024x128xf32>
      %iota3A = tpu.iota {dimensions = array<i32: 0>} : vector<1024x128xi32>
      %mul3A_58 = arith.constant 1024 : i32
      %mul3A_59 = arith.muli %arg1, %mul3A_58 : i32
      %add3A_60 = vector.broadcast %mul3A_59 : i32 to vector<1024x128xi32>
      %add3A_61 = arith.addi %iota3A, %add3A_60 : vector<1024x128xi32>
      %lt3A = arith.constant 10000 : i32
      %lt3A_62 = vector.broadcast %lt3A : i32 to vector<1024x128xi32>
      %lt3A_63 = arith.cmpi slt, %add3A_61, %lt3A_62 : vector<1024x128xi32>
      %jit3A = arith.constant 0.000000e+00 : f32
      %broadcast_in_dim3A = vector.broadcast %jit3A : f32 to vector<1024x128xf32>
      %select_n3A = arith.select %lt3A_63, %max3A_57, %broadcast_in_dim3A : vector<1024x128xi1>, vector<1024x128xf32>
      %swap3A = arith.constant 0 : index
      %swap3A_64 = arith.constant 0 : index
      %swap3A_65 = vector.load %arg11[%swap3A, %swap3A_64] : memref<1024x128xf32, #tpu.memory_space<vmem>>, vector<1024x128xf32>
      tpu.vector_store %arg11[%swap3A, %swap3A_64], %select_n3A {strides = array<i32>} : memref<1024x128xf32, #tpu.memory_space<vmem>>, vector<1024x128xf32>,
      %get3A_66 = arith.constant 0 : index
      %get3A_67 = arith.constant 0 : index
      %get3A_68 = arith.constant 0 : index
      %get3A_69 = vector.load %arg10[%get3A_66, %get3A_67, %get3A_68] : memref<1x1x1024xi32, #tpu.memory_space<vmem>>, vector<1x1x1024xi32>
      %get3A_70 = vector.shape_cast %get3A_69 : vector<1x1x1024xi32> to vector<1024xi32>
      %iota3A_71 = tpu.iota {dimensions = array<i32: 0>} : vector<64x1024xi32>
      %broadcast_in_dim3A_72 = vector.shape_cast %get3A_70 : vector<1024xi32> to vector<1x1024xi32>
      %eq3A_73 = vector.broadcast %broadcast_in_dim3A_72 : vector<1x1024xi32> to vector<64x1024xi32>
      %eq3A_74 = arith.cmpi eq, %iota3A_71, %eq3A_73 : vector<64x1024xi32>
      %convert_element_type3A_75 = arith.extui %eq3A_74 : vector<64x1024xi1> to vector<64x1024xi32>
      %convert_element_type3A_76 = arith.sitofp %convert_element_type3A_75 : vector<64x1024xi32> to vector<64x1024xf32>
      %dot_general3A_77 = arith.constant dense<0.000000e+00> : vector<64x128xf32>
      %dot_general3A_78 = tpu.matmul %convert_element_type3A_76, %select_n3A, %dot_general3A_77 {dimension_numbers = #tpu.dot_dimension_numbers<[1], [0], [0], [1], [0, 0, 1, 1], [], []>, transpose_lhs_hint = false} : vector<64x1024xf32>, vector<1024x128xf32>, vector<64x128xf32> -> vector<64x128xf32>
      %eq3A_79 = arith.constant 0 : i32
      %eq3A_80 = arith.cmpi eq, %arg1, %eq3A_79 : i32
      %convert_element_type3A_81 = arith.extui %eq3A_80 : i1 to i32
      %cond3A_82 = arith.constant 0 : i32
      %cond3A_83 = arith.cmpi ne, %convert_element_type3A_81, %cond3A_82 : i32
      scf.if %cond3A_83 {
        %swap3A_88 = arith.constant 0 : index
        %swap3A_89 = arith.constant 0 : index
        %swap3A_90 = vector.load %arg12[%swap3A_88, %swap3A_89] : memref<64x128xf32, #tpu.memory_space<vmem>>, vector<64x128xf32>
        tpu.vector_store %arg12[%swap3A_88, %swap3A_89], %dot_general3A_78 {strides = array<i32>} : memref<64x128xf32, #tpu.memory_space<vmem>>, vector<64x128xf32>,
      } else {
      }
      %gt3A = arith.constant 0 : i32
      %gt3A_84 = arith.cmpi sgt, %arg1, %gt3A : i32
      %convert_element_type3A_85 = arith.extui %gt3A_84 : i1 to i32
      %cond3A_86 = arith.constant 0 : i32
      %cond3A_87 = arith.cmpi ne, %convert_element_type3A_85, %cond3A_86 : i32
      scf.if %cond3A_87 {
        %get3A_88 = arith.constant 0 : index
        %get3A_89 = arith.constant 0 : index
        %get3A_90 = vector.load %arg12[%get3A_88, %get3A_89] : memref<64x128xf32, #tpu.memory_space<vmem>>, vector<64x128xf32>
        %add3A_91 = arith.addf %get3A_90, %dot_general3A_78 : vector<64x128xf32>
        %swap3A_92 = arith.constant 0 : index
        %swap3A_93 = arith.constant 0 : index
        %swap3A_94 = vector.load %arg12[%swap3A_92, %swap3A_93] : memref<64x128xf32, #tpu.memory_space<vmem>>, vector<64x128xf32>
        tpu.vector_store %arg12[%swap3A_92, %swap3A_93], %add3A_91 {strides = array<i32>} : memref<64x128xf32, #tpu.memory_space<vmem>>, vector<64x128xf32>,
      } else {
      }
    } else {
    }
    return
  }
  func.func @transform_0(%arg0: i32, %arg1: i32) -> (i32, i32) {
    %sub3A = arith.constant 1 : i32
    %sub3A_0 = arith.subi %sub3A, %arg0 : i32
    %mul3A = arith.muli %sub3A_0, %arg1 : i32
    %c0_i32 = arith.constant 0 : i32
    %c0_i32_1 = arith.constant 0 : i32
    return %mul3A, %c0_i32 : i32, i32
  }
  func.func @transform_1(%arg0: i32, %arg1: i32) -> (i32, i32) {
    %sub3A = arith.constant 1 : i32
    %sub3A_0 = arith.subi %sub3A, %arg0 : i32
    %mul3A = arith.muli %sub3A_0, %arg1 : i32
    %c0_i32 = arith.constant 0 : i32
    %c0_i32_1 = arith.constant 0 : i32
    return %mul3A, %c0_i32 : i32, i32
  }
  func.func @transform_2(%arg0: i32, %arg1: i32) -> (i32, i32) {
    %sub3A = arith.constant 1 : i32
    %sub3A_0 = arith.subi %sub3A, %arg0 : i32
    %mul3A = arith.muli %sub3A_0, %arg1 : i32
    %c0_i32 = arith.constant 0 : i32
    %c0_i32_1 = arith.constant 0 : i32
    return %mul3A, %c0_i32 : i32, i32
  }
  func.func @transform_3(%arg0: i32, %arg1: i32) -> (i32, i32) {
    %c0_i32 = arith.constant 0 : i32
    %c0_i32_0 = arith.constant 0 : i32
    %c0_i32_1 = arith.constant 0 : i32
    return %c0_i32, %c0_i32_0 : i32, i32
  }
  func.func @transform_4(%arg0: i32, %arg1: i32) -> (i32, i32) {
    %c0_i32 = arith.constant 0 : i32
    %c0_i32_0 = arith.constant 0 : i32
    %c0_i32_1 = arith.constant 0 : i32
    return %c0_i32, %c0_i32_0 : i32, i32
  }
  func.func @transform_5(%arg0: i32, %arg1: i32) -> (i32, i32) {
    %c0_i32 = arith.constant 0 : i32
    %c0_i32_0 = arith.constant 0 : i32
    %c0_i32_1 = arith.constant 0 : i32
    return %c0_i32, %c0_i32_0 : i32, i32
  }
  func.func @transform_6(%arg0: i32, %arg1: i32) -> (i32, i32) {
    %c0_i32 = arith.constant 0 : i32
    %c0_i32_0 = arith.constant 0 : i32
    %c0_i32_1 = arith.constant 0 : i32
    return %c0_i32, %c0_i32_0 : i32, i32
  }
  func.func @transform_7(%arg0: i32, %arg1: i32) -> (i32, i32) {
    %c0_i32 = arith.constant 0 : i32
    %c0_i32_0 = arith.constant 0 : i32
    %c0_i32_1 = arith.constant 0 : i32
    return %c0_i32, %c0_i32_0 : i32, i32
  }
  func.func @transform_8(%arg0: i32, %arg1: i32) -> (i32, i32, i32) {
    %c0_i32 = arith.constant 0 : i32
    %c0_i32_0 = arith.constant 0 : i32
    %c0_i32_1 = arith.constant 0 : i32
    return %arg1, %c0_i32, %c0_i32_0 : i32, i32, i32
  }
  func.func @transform_9(%arg0: i32, %arg1: i32) -> (i32, i32) {
    %mul3A = arith.muli %arg0, %arg1 : i32
    %c0_i32 = arith.constant 0 : i32
    %c0_i32_0 = arith.constant 0 : i32
    return %mul3A, %c0_i32 : i32, i32
  }
  func.func @transform_10(%arg0: i32, %arg1: i32) -> (i32, i32) {
    %c0_i32 = arith.constant 0 : i32
    %c0_i32_0 = arith.constant 0 : i32
    %c0_i32_1 = arith.constant 0 : i32
    return %c0_i32, %c0_i32_0 : i32, i32
  }
}

module attributes {stable_mosaic.version = 14 : i64} {
  func.func @_cls_body(%arg0: memref<64x128xf32, #tpu.memory_space<vmem>>, %arg1: memref<64x128xf32, #tpu.memory_space<vmem>>, %arg2: memref<64x128xf32, #tpu.memory_space<vmem>>, %arg3: memref<128x128xf32, #tpu.memory_space<vmem>>, %arg4: memref<128x128xf32, #tpu.memory_space<vmem>>, %arg5: memref<128x128xf32, #tpu.memory_space<vmem>>, %arg6: memref<1x128xf32, #tpu.memory_space<vmem>>, %arg7: memref<128x128xf32, #tpu.memory_space<vmem>>, %arg8: memref<1x128xf32, #tpu.memory_space<vmem>>, %arg9: memref<128x128xf32, #tpu.memory_space<vmem>>, %arg10: memref<1x128xf32, #tpu.memory_space<vmem>>, %arg11: memref<64x128xf32, #tpu.memory_space<vmem>>) attributes {dimension_semantics = [], scalar_prefetch = 0 : i64, scratch_operands = 0 : i64, tpu.core_type = #tpu.core_type<tc>} {
    %get3A = arith.constant 0 : index
    %get3A_0 = arith.constant 0 : index
    %get3A_1 = vector.load %arg0[%get3A, %get3A_0] : memref<64x128xf32, #tpu.memory_space<vmem>>, vector<64x128xf32>
    %get3A_2 = arith.constant 0 : index
    %get3A_3 = arith.constant 0 : index
    %get3A_4 = vector.load %arg3[%get3A_2, %get3A_3] : memref<128x128xf32, #tpu.memory_space<vmem>>, vector<128x128xf32>
    %dot_general3A = arith.constant dense<0.000000e+00> : vector<64x128xf32>
    %dot_general3A_5 = tpu.matmul %get3A_1, %get3A_4, %dot_general3A {dimension_numbers = #tpu.dot_dimension_numbers<[1], [0], [0], [1], [0, 0, 1, 1], [], []>, transpose_lhs_hint = false} : vector<64x128xf32>, vector<128x128xf32>, vector<64x128xf32> -> vector<64x128xf32>
    %get3A_6 = arith.constant 0 : index
    %get3A_7 = arith.constant 0 : index
    %get3A_8 = vector.load %arg1[%get3A_6, %get3A_7] : memref<64x128xf32, #tpu.memory_space<vmem>>, vector<64x128xf32>
    %get3A_9 = arith.constant 0 : index
    %get3A_10 = arith.constant 0 : index
    %get3A_11 = vector.load %arg4[%get3A_9, %get3A_10] : memref<128x128xf32, #tpu.memory_space<vmem>>, vector<128x128xf32>
    %dot_general3A_12 = arith.constant dense<0.000000e+00> : vector<64x128xf32>
    %dot_general3A_13 = tpu.matmul %get3A_8, %get3A_11, %dot_general3A_12 {dimension_numbers = #tpu.dot_dimension_numbers<[1], [0], [0], [1], [0, 0, 1, 1], [], []>, transpose_lhs_hint = false} : vector<64x128xf32>, vector<128x128xf32>, vector<64x128xf32> -> vector<64x128xf32>
    %add3A = arith.addf %dot_general3A_5, %dot_general3A_13 : vector<64x128xf32>
    %get3A_14 = arith.constant 0 : index
    %get3A_15 = arith.constant 0 : index
    %get3A_16 = vector.load %arg2[%get3A_14, %get3A_15] : memref<64x128xf32, #tpu.memory_space<vmem>>, vector<64x128xf32>
    %get3A_17 = arith.constant 0 : index
    %get3A_18 = arith.constant 0 : index
    %get3A_19 = vector.load %arg5[%get3A_17, %get3A_18] : memref<128x128xf32, #tpu.memory_space<vmem>>, vector<128x128xf32>
    %dot_general3A_20 = arith.constant dense<0.000000e+00> : vector<64x128xf32>
    %dot_general3A_21 = tpu.matmul %get3A_16, %get3A_19, %dot_general3A_20 {dimension_numbers = #tpu.dot_dimension_numbers<[1], [0], [0], [1], [0, 0, 1, 1], [], []>, transpose_lhs_hint = false} : vector<64x128xf32>, vector<128x128xf32>, vector<64x128xf32> -> vector<64x128xf32>
    %add3A_22 = arith.addf %add3A, %dot_general3A_21 : vector<64x128xf32>
    %get3A_23 = arith.constant 0 : index
    %get3A_24 = arith.constant 0 : index
    %get3A_25 = vector.load %arg6[%get3A_23, %get3A_24] : memref<1x128xf32, #tpu.memory_space<vmem>>, vector<1x128xf32>
    %add3A_26 = vector.broadcast %get3A_25 : vector<1x128xf32> to vector<64x128xf32>
    %add3A_27 = arith.addf %add3A_22, %add3A_26 : vector<64x128xf32>
    %max3A = arith.constant 0.000000e+00 : f32
    %max3A_28 = vector.broadcast %max3A : f32 to vector<64x128xf32>
    %max3A_29 = arith.maximumf %add3A_27, %max3A_28 : vector<64x128xf32>
    %get3A_30 = arith.constant 0 : index
    %get3A_31 = arith.constant 0 : index
    %get3A_32 = vector.load %arg7[%get3A_30, %get3A_31] : memref<128x128xf32, #tpu.memory_space<vmem>>, vector<128x128xf32>
    %dot_general3A_33 = arith.constant dense<0.000000e+00> : vector<64x128xf32>
    %dot_general3A_34 = tpu.matmul %max3A_29, %get3A_32, %dot_general3A_33 {dimension_numbers = #tpu.dot_dimension_numbers<[1], [0], [0], [1], [0, 0, 1, 1], [], []>, transpose_lhs_hint = false} : vector<64x128xf32>, vector<128x128xf32>, vector<64x128xf32> -> vector<64x128xf32>
    %get3A_35 = arith.constant 0 : index
    %get3A_36 = arith.constant 0 : index
    %get3A_37 = vector.load %arg8[%get3A_35, %get3A_36] : memref<1x128xf32, #tpu.memory_space<vmem>>, vector<1x128xf32>
    %add3A_38 = vector.broadcast %get3A_37 : vector<1x128xf32> to vector<64x128xf32>
    %add3A_39 = arith.addf %dot_general3A_34, %add3A_38 : vector<64x128xf32>
    %max3A_40 = arith.constant 0.000000e+00 : f32
    %max3A_41 = vector.broadcast %max3A_40 : f32 to vector<64x128xf32>
    %max3A_42 = arith.maximumf %add3A_39, %max3A_41 : vector<64x128xf32>
    %get3A_43 = arith.constant 0 : index
    %get3A_44 = arith.constant 0 : index
    %get3A_45 = vector.load %arg9[%get3A_43, %get3A_44] : memref<128x128xf32, #tpu.memory_space<vmem>>, vector<128x128xf32>
    %dot_general3A_46 = arith.constant dense<0.000000e+00> : vector<64x128xf32>
    %dot_general3A_47 = tpu.matmul %max3A_42, %get3A_45, %dot_general3A_46 {dimension_numbers = #tpu.dot_dimension_numbers<[1], [0], [0], [1], [0, 0, 1, 1], [], []>, transpose_lhs_hint = false} : vector<64x128xf32>, vector<128x128xf32>, vector<64x128xf32> -> vector<64x128xf32>
    %get3A_48 = arith.constant 0 : index
    %get3A_49 = arith.constant 0 : index
    %get3A_50 = vector.load %arg10[%get3A_48, %get3A_49] : memref<1x128xf32, #tpu.memory_space<vmem>>, vector<1x128xf32>
    %add3A_51 = vector.broadcast %get3A_50 : vector<1x128xf32> to vector<64x128xf32>
    %add3A_52 = arith.addf %dot_general3A_47, %add3A_51 : vector<64x128xf32>
    %swap3A = arith.constant 0 : index
    %swap3A_53 = arith.constant 0 : index
    %swap3A_54 = vector.load %arg11[%swap3A, %swap3A_53] : memref<64x128xf32, #tpu.memory_space<vmem>>, vector<64x128xf32>
    tpu.vector_store %arg11[%swap3A, %swap3A_53], %add3A_52 {strides = array<i32>} : memref<64x128xf32, #tpu.memory_space<vmem>>, vector<64x128xf32>,
    return
  }
}

</mosaic_0001>

<sc_bundles>
// kernel: kernel.12.cloned.1.call-start
scs
__scs_entry_jumppad:
0x0: {  	(pc) =	sbr.rel $0x88, $3  }
0x1: {  	(tag) =	ssettag $0x0;
	lr =	simm.s32 $0x1  }
0x2: {  	[smem:$0x3F89] =	sst lr;
	_ =	strace $0xD0000000  }
0x3: {  	_ = 	snop  }
0x4: {  	_ = 	snop  }
0x5: {  	_ = 	snop  }
0x6: {  	_ = 	snop  }
0x7: {  	_ = 	snop  }
__scs_overlays_trampoline_lowered:
0x8: {  	[smem:$0x3F98] =	sst s0  }
0x9: {  	[smem:$0x3F99] =	sst s1  }
0xa: {  	[smem:$0x3F9A] =	sst s2  }
0xb: {  	[smem:$0x3F9B] =	sst s3  }
0xc: {  	[smem:$0x3F9C] =	sst s4  }
0xd: {  	[smem:$0x3F9D] =	sst s5  }
0xe: {  	[smem:$0x3F9E] =	sst s6  }
0xf: {  	[smem:$0x3F9F] =	sst s7  }
0x10: {  	[smem:$0x3FA0] =	sst s8  }
0x11: {  	[smem:$0x3FA1] =	sst s9;
	s0 =	simm.s32 @!p0 $0x0  }
0x12: {  	s1 =	sld [smem:$0x3F87];
	s0 =	simm.s32 @p0 $0x1  }
0x13: {  	[smem:$0x3FA2] =	sst s0;
	s0 =	simm.s32 @!p1 $0x0  }
0x14: {  	s2 =	sld [smem:$0x3F86];
	s0 =	simm.s32 @p1 $0x1  }
0x15: {  	[smem:$0x3FA3] =	sst s0;
	s0 =	simm.s32 @!p2 $0x0  }
0x16: {  	s3 =	sld [smem:$0x3FDB];
	s0 =	simm.s32 @p2 $0x1  }
0x17: {  	s4 =	simm.s32 $0x1BF5;
	[smem:$0x3FA5] =	sst s0  }
0x18: {  	s0 =	sld [smem:$0x3F88];
	_ =	swait.ge [sflag:s4], $0x0  }
0x19: {  	s7 =	sld [smem:$0x3F89]  }
0x1a: {  	s8 =	sadd.s32 $0xFFFFE003, lr  }
0x1b: {  	s9 =	sadd.s32 $0xFFFFFEF7, lr;
	s5 =	simm.s32 $0xFFFFFFFF;
	p2 =	slt.u32 s8, $0xFFFFF086  }
0x1c: {  	p1 =	slt.u32 s9, $0xF7A;
	s5 =	simm.s32 @!p2 $0x0  }
0x1d: {  	s5 =	simm.s32 @p1 $0x1;
	p0 =	seq.s32 s7, s2  }
0x1e: {  	s7 =	smul.u32 @!p0 $0xF7A, s2;
	p2 =	seq.s32 @!p0 s5, $0x0  }
0x1f: {  	s9 =	smul.u32 $0xF7A, s1;
	s8 =	simm.s32 @!p0 $0x1BF5;
	p2 =	por !p2, p0  }
0x20: {  	[sflag:s8] =	ssyncset.s32 @!p0 $0xFFFFF086;
	s6 =	sadd.s32 @!p0 s3, s7;
	s7 =	simm.s32 @!p0 $0x108  }
0x21: {  	s3 =	sadd.s32 s3, s9;
	s6 =	sadd.s32 @!p0 $0x88, s6;
	s7 =	simm.s32 @p2 $0x1082  }
0x22: {  	[simem:s7], [sflag:s8] =	dma.local @!p0 [hbm:s6], $0xF7A  }
0x23: {  	s9 =	sor.u32 $0xD0000000, s2;
	s6 =	simm.s32 $0x108;
	_ =	swait.ge @!p0 [sflag:s8], $0x0  }
0x24: {  	s3 =	sadd.s32 $0x88, s3;
	s6 =	simm.s32 @!p1 $0x1082;
	[sflag:s4] =	ssyncset.s32 $0xFFFFF086  }
0x25: {  	[simem:s6], [sflag:s4] =	dma.local [hbm:s3], $0xF7A  }
0x26: {  	[smem:$0x3F89] =	sst s1;
	(tag) =	ssettag s2;
	_ =	strace s9  }
0x27: {  	s1 =	sld [smem:$0x3F99]  }
0x28: {  	s2 =	sld [smem:$0x3F9A]  }
0x29: {  	s4 =	sld [smem:$0x3F9C]  }
0x2a: {  	p0 =	seq.s32 s5, $0x0;
	s5 =	sld [smem:$0x3F9D]  }
0x2b: {  	s6 =	sld [smem:$0x3F9E]  }
0x2c: {  	s7 =	sld [smem:$0x3F9F]  }
0x2d: {  	s3 =	simm.s32 $0x108;
	s8 =	sld [smem:$0x3FA0]  }
0x2e: {  	s3 =	simm.s32 @!p0 $0x1082;
	s9 =	sld [smem:$0x3FA1]  }
0x2f: {  	lr =	sadd.s32 s0, s3;
	s0 =	sld [smem:$0x3F98]  }
0x30: {  	s3 =	sld [smem:$0x3F9B]  }
0x31: {  	[smem:$0x3FA4] =	sst s10  }
0x32: {  	s10 =	sld [smem:$0x3FA2];
	_ =	sdelay $0x3  }
0x33: {  	p0 =	seq.s32 s10, $0x1;
	s10 =	sld [smem:$0x3FA4];
	_ =	sdelay $0x3  }
0x34: {  	[smem:$0x3FA4] =	sst s10  }
0x35: {  	s10 =	sld [smem:$0x3FA3];
	_ =	sdelay $0x3  }
0x36: {  	p1 =	seq.s32 s10, $0x1;
	s10 =	sld [smem:$0x3FA4];
	_ =	sdelay $0x3  }
0x37: {  	[smem:$0x3FA4] =	sst s10  }
0x38: {  	s10 =	sld [smem:$0x3FA5]  }
0x39: {  	_ = 	snop;
	(pc) =	sbr.ind lr, $3  }
0x3a: {  	_ = 	snop  }
0x3b: {  	_ = 	snop  }
0x3c: {  	p2 =	seq.s32 s10, $0x1;
	s10 =	sld [smem:$0x3FA4]  }
0x3d: {  	_ =	shalt  }
0x3e: {  	_ =	shalt  }
0x3f: {  	_ =	shalt  }
0x40: {  	_ =	shalt  }
0x41: {  	_ =	shalt  }
0x42: {  	_ =	shalt  }
0x43: {  	_ =	shalt  }
0x44: {  	_ =	shalt  }
0x45: {  	_ =	shalt  }
0x46: {  	_ =	shalt  }
0x47: {  	_ =	shalt  }
0x48: {  	_ =	shalt  }
0x49: {  	_ =	shalt  }
0x4a: {  	_ =	shalt  }
0x4b: {  	_ =	shalt  }
0x4c: {  	_ =	shalt  }
0x4d: {  	_ =	shalt  }
0x4e: {  	_ =	shalt  }
0x4f: {  	_ =	shalt  }
0x50: {  	_ =	shalt  }
0x51: {  	_ =	shalt  }
0x52: {  	_ =	shalt  }
0x53: {  	_ =	shalt  }
0x54: {  	_ =	shalt  }
0x55: {  	_ =	shalt  }
0x56: {  	_ =	shalt  }
0x57: {  	_ =	shalt  }
0x58: {  	_ =	shalt  }
0x59: {  	_ =	shalt  }
0x5a: {  	_ =	shalt  }
0x5b: {  	_ =	shalt  }
0x5c: {  	_ =	shalt  }
0x5d: {  	_ =	shalt  }
0x5e: {  	_ =	shalt  }
0x5f: {  	_ =	shalt  }
0x60: {  	_ =	shalt  }
0x61: {  	_ =	shalt  }
0x62: {  	_ =	shalt  }
0x63: {  	_ =	shalt  }
0x64: {  	_ =	shalt  }
0x65: {  	_ =	shalt  }
0x66: {  	_ =	shalt  }
0x67: {  	_ =	shalt  }
0x68: {  	_ =	shalt  }
0x69: {  	_ =	shalt  }
0x6a: {  	_ =	shalt  }
0x6b: {  	_ =	shalt  }
0x6c: {  	_ =	shalt  }
0x6d: {  	_ =	shalt  }
0x6e: {  	_ =	shalt  }
0x6f: {  	_ =	shalt  }
0x70: {  	_ =	shalt  }
0x71: {  	_ =	shalt  }
0x72: {  	_ =	shalt  }
0x73: {  	_ =	shalt  }
0x74: {  	_ =	shalt  }
0x75: {  	_ =	shalt  }
0x76: {  	_ =	shalt  }
0x77: {  	_ =	shalt  }
0x78: {  	_ =	shalt  }
0x79: {  	_ =	shalt  }
0x7a: {  	_ =	shalt  }
0x7b: {  	_ =	shalt  }
0x7c: {  	_ =	shalt  }
0x7d: {  	_ =	shalt  }
0x7e: {  	_ =	shalt  }
0x7f: {  	_ =	shalt  }
0x80: {  	_ =	shalt  }
0x81: {  	_ =	shalt  }
0x82: {  	_ =	shalt  }
0x83: {  	_ =	shalt  }
0x84: {  	_ =	shalt  }
0x85: {  	_ =	shalt  }
0x86: {  	_ =	shalt  }
0x87: {  	_ =	shalt  }
.Lfunc_end0:
.L_simem_size_0:
called_computation.1_lowered:
.L_overlay_start_0:
0x88: {  	s2 =	sld [smem:$0x3FD9]  }
0x89: {  	s3 =	sld [smem:$0x3FFE];
	_ =	sdelay $0x1  }
0x8a: {  	s1 =	srdreg.scid  }
0x8b: {  	s0 =	sand.u32 $0x1, s1  }
0x8c: {  	s16 =	sshll.u32 s0, $0xA;
	s2 =	sadd.s32 s3, s2  }
0x8d: {  	s2 =	sadd.s32 s2, s16  }
0x8e: {  	[smem:$0x3FB0] =	sst s2  }
0x8f: {  	_ = 	snop  }
0x90: {  	(tm) =	ssettm $0x1  }
0x91: {  	s17 =	sld [smem:$0x3FFB];
	_ =	sdelay $0x3  }
0x92: {  	_ =	strace s17  }
0x93: {  	s2 =	sld [smem:$0x3FFC];
	_ =	sdelay $0x3  }
0x94: {  	_ =	strace s2  }
0x95: {  	s2 =	sld [smem:$0x3FFD];
	_ =	sdelay $0x3  }
0x96: {  	_ =	strace s2  }
0x97: {  	_ =	strace $0x8FFFFFFF  }
0x98: {  	s18 =	sld [smem:$0x3FDB];
	_ =	sdelay $0x1  }
0x99: {  	s19 =	simm.s32 $_scs_section_size  }
0x9a: {  	s4 =	simm.s32 $_size__tile_overlayer_lowered;
	s5 =	simm.s32 $_tile_overlayer_lowered  }
0x9b: {  	s22 =	simm.s32 $0x1BFF;
	s21 =	sshll.u32 s5, $0x1;
	s2 =	sadd.s32 s19, s18  }
0x9c: {  	s6 =	simm.s32 $0x0;
	s20 =	sshll.u32 s4, $0x1;
	s4 =	sadd.s32 s21, s2  }
0x9d: {  	[timem:s6], [sflag:s22] =	dma.local [hbm:s4], s20  }
0x9e: {  	_ =	swait.ge [sflag:s22], s20  }
0x9f: {  	s3 =	ssub.s32 $0x0, s20;
	[sflag:s22] =	ssyncset.done $0x0  }
0xa0: {  	[sflag:s22] =	ssyncadd.s32 s3;
	_ =	sdelay $0x1  }
0xa1: {  	s23 =	simm.s32 $0x1B8B  }
0xa2: {  	_ =	swait.ge [sflag:s23], $0x1  }
0xa3: {  	[sflag:s23] =	ssyncset.done $0x0  }
0xa4: {  	s25 =	simm.s32 $0x1B8E;
	s24 =	sld [smem:$0x3FFE];
	[sflag:s23] =	ssyncadd.s32 $0xFFFFFFFF  }
0xa5: {  	s26 =	simm.s32 $execute0_lowered;
	[smem:$0x3FD2] =	sst s25  }
0xa6: {  	s4 =	sshll.u32 s26, $0x1;
	_ =	strace $0x80000049;
	[dreg:$0x1] =	wrdreg $0xFFFFFFFF  }
0xa7: {  	s28 =	simm.s32 $_size_execute0_lowered;
	s2 =	sadd.s32 s2, s4;
	[dreg:$0x0] =	wrdreg $0x0  }
0xa8: {  	s4 =	sshll.u32 s28, $0x1;
	[dreg:$0x2] =	wrdreg s2  }
0xa9: {  	[dreg:$0x3] =	wrdreg s4  }
0xaa: {  	[dreg:$0x4] =	wrdreg $0xC0  }
0xab: {  	_ =	task [dreg:s6], $0x5FFFF  }
0xac: {  	[dreg:$0x1] =	wrdreg $0xFFFFFFFF  }
0xad: {  	[dreg:$0x0] =	wrdreg $0x60  }
0xae: {  	[dreg:$0x2] =	wrdreg s24  }
0xaf: {  	[dreg:$0x3] =	wrdreg $0xA9000  }
0xb0: {  	[dreg:$0x4] =	wrdreg $0x9  }
0xb1: {  	_ =	task.clear_ibuf [dreg:s6], $0x5FFFF;
	_ =	strace $0x90000049  }
0xb2: {  	s29 =	simm.s32 $0x9;
	_ =	strace $0x8000004B  }
0xb3: {  	_ =	swait.ge [sflag:s29], $0x1  }
0xb4: {  	[sflag:s29] =	ssyncadd.s32 $0xFFFFFFFF  }
0xb5: {  	_ =	strace $0x9000004B  }
0xb6: {  	_ =	sfence  }
0xb7: {  	s30 =	sld [smem:$0x0];
	_ =	sdelay $0x2  }
0xb8: {  	s31 =	sshll.u32 s1, $0xD;
	s1 =	sshrl.u32 s1, $0x2  }
0xb9: {  	s3 =	sand.u32 $0x4000, s31;
	s1 =	sadd.s32 s1, s30  }
0xba: {  	s0 =	sor.u32 s3, s0;
	s1 =	sshll.u32 s1, $0x11  }
0xbb: {  	s0 =	sor.u32 s1, s0  }
0xbc: {  	s0 =	sadd.s32 $0x8F2B, s0  }
0xbd: {  	[sflag:s0] =	ssyncadd.remote.s32 $0x1  }
0xbe: {  	_ =	sfence.sel $0xFFFF  }
0xbf: {  	[dreg:$0x0] =	wrdreg $0xFFFFFFFF;
	(pc) =	sbr.abs _section_cstart, $3  }
0xc0: {  	[dreg:$0x1] =	wrdreg $0xFFFFFFFF  }
0xc1: {  	_ =	task.clear_ibuf [dreg:s6], $0x2FFFF;
	_ =	strace $0x9FFFFFFF  }
0xc2: {  	(tm) =	ssettm $0x7FFFFFFF  }
0xc3: {  	_ =	shalt  }
tec
execute0_lowered:
.L_overlay_start_1:
0x0: {  	(tag) =	ssettag $0x1  }
0x1: {  	s0 =	srdreg.scid;
	s1 =	rddreg [dreg:$0x0]  }
0x2: {  	s15 =	stileid.u32;
	s2 =	rddreg [dreg:$0x1]  }
0x3: {  	s16 =	simm.s32 $0x5;
	s19 =	simm.s32 $0x80;
	s20 =	simm.s32 $0x2900  }
0x4: {  	s21 =	simm.s32 $0x6900;
	s28 =	simm.s32 $0x2800;
	s29 =	simm.s32 $0x2880  }
0x5: {  	s30 =	simm.s32 $0x0;
	s0 =	sand.u32 $0x1, s0;
	s7 =	smul.u32 $0x14000, s15  }
0x6: {  	s3 =	sshll.u32 s15, $0x1;
	s4 =	sadd.s32 $0x6000, s1;
	s23 =	smul.u32 $0x50000, s15  }
0x7: {  	s14 =	sadd.s32 $0x2E000, s1;
	s25 =	smul.u32 $0x5000, s15;
	s31 =	sshll.u32 s15, $0x6  }
0x8: {  	s15 =	simm.s32 $0x100;
	s5 =	sor.u32 s0, s3;
	s8 =	smul.u32 $0x140000, s0  }
0x9: {  	s3 =	simm.s32 $0x0;
	s22 =	ssub.s32 $0x2, s0;
	s0 =	smul.u32 $0x2800, s0  }
0xa: {  	s17 =	sor.u32 $0x1C05, s31;
	s6 =	smul.u32 $0x500, s5;
	[smem:$0x7FF] =	sst s3  }
0xb: {  	s9 =	sshrl.u32 s7, $0x3;
	s10 =	sshrl.u32 s22, $0x1;
	s11 =	smul.u32 $0x2800, s5  }
0xc: {  	_ =	strace $0x8000004A;
	s9 =	sadd.s32 s9, s1;
	s7 =	sadd.s32 s7, s8  }
0xd: {  	s12 =	ssub.s32 s22, s10;
	s0 =	sadd.s32 s0, s25;
	s22 =	simm.s32 $0x1  }
0xe: {  	s6 =	sadd.s32 s6, s1;
	s7 =	sshrl.u32 s7, $0x3;
	s24 =	sshrl.u32 s11, $0x3  }
0xf: {  	s26 =	sor.u32 $0x200, s0;
	s0 =	sor.u32 $0x180, s0;
	s12 =	smax.u32 s12, $0x1  }
0x10: {  	s1 =	sadd.s32 s7, s1;
	s5 =	sadd.s32 $0x38000, s6;
	s7 =	sshrl.u32 s23, $0x2  }
0x11: {  	s6 =	sadd.s32 s14, s24;
	s0 =	sshrl.u32 s0, $0x3;
	s23 =	simm.s32 $0x3  }
0x12: {  	s24 =	simm.s32 $0x2;
	s18 =	sadd.s32 s7, s2;
	s7 =	sadd.s32 $0x42000, s9  }
0x13: {  	s8 =	sadd.s32 $0x10, s6;
	s9 =	sadd.s32 $0x20, s6;
	s10 =	sadd.s32 $0x4F0, s6  }
0x14: {  	s11 =	sadd.s32 $0x6A000, s1;
	s1 =	sshrl.u32 s26, $0x3;
	s26 =	simm.s32 $0x4  }
0x15: {  	s13 =	sadd.s32 s1, s14;
	s14 =	sadd.s32 s0, s14;
	s18 =	sshrl.u32 s18, $0x3  }
.LBB2_1:
0x16: {  	[tilespmem:s15], [sflag:$0x5] =	stream.linear.gather [hbm4b:s5+s3], $0x2800, $0x38;
	[tilespmem:$0x1E900] =	vst v63  }
0x17: {  	_ =	swait.ge [sflag:s16], $0x2800  }
0x18: {  	[sflag:s16] =	ssyncset.done $0x0  }
0x19: {  	[sflag:s16] =	ssyncadd.s32 $0xFFFFD800  }
0x1a: {  	[spmem:s18], [sflag:s17] =	dma.local [hbm:s7], $0x2800  }
0x1b: {  	_ =	swait.ge [sflag:s16], $0x2800  }
0x1c: {  	[sflag:s16] =	ssyncset.done $0x0  }
0x1d: {  	[sflag:s16] =	ssyncadd.s32 $0xFFFFD800  }
0x1e: {  	[tilespmem:s3], [sflag:$0x5] =	stream.linear.gather [hbm4b:s6+s3], $0x80, $0x38;
	[tilespmem:$0x1E900] =	vst v63  }
0x1f: {  	_ =	swait.ge [sflag:s16], $0x80  }
0x20: {  	[sflag:s16] =	ssyncset.done $0x0  }
0x21: {  	[sflag:s16] =	ssyncadd.s32 $0xFFFFFF80  }
0x22: {  	[tilespmem:s20], [sflag:$0x1] =	stream.indirect.gather [hbm4b:s4+s19], $0x80, s3, s19, $0xb8;
	[tilespmem:$0x1E900] =	vst v63  }
0x23: {  	[bflag:$0x0] =	sbarrier.arrive $0xFFFF  }
0x24: {  	[tilespmem:s19], [sflag:$0x5] =	stream.linear.gather [hbm4b:s8+s3], $0x80, $0x38;
	[tilespmem:$0x1E900] =	vst v63  }
0x25: {  	_ =	swait.ge [sflag:s16], $0x80  }
0x26: {  	[sflag:s16] =	ssyncset.done $0x0  }
0x27: {  	[sflag:s16] =	ssyncadd.s32 $0xFFFFFF80  }
0x28: {  	[tilespmem:s21], [sflag:$0x2] =	stream.indirect.gather [hbm4b:s4+s19], $0x80, s19, s19, $0xb8;
	[tilespmem:$0x1E900] =	vst v63  }
0x29: {  	_ =	swait.ge [sflag:s22], $0x4000  }
0x2a: {  	[sflag:s22] =	ssyncset.done $0x0  }
0x2b: {  	[sflag:s22] =	ssyncadd.s32 $0xFFFFC000  }
0x2c: {  	[spmem:s2] =	stream.indirect.scatter.add.f32 [tilespmem:s20], [sflag:$0x3], $0x80, s15, s19, $0xb8;
	[tilespmem:$0x1E900] =	vst v63  }
0x2d: {  	_ = 	snop  }
0x2e: {  	[tilespmem:s3], [sflag:$0x5] =	stream.linear.gather [hbm4b:s9+s3], $0x80, $0x38;
	[tilespmem:$0x1E900] =	vst v63  }
0x2f: {  	_ =	swait.ge [sflag:s16], $0x80  }
0x30: {  	[sflag:s16] =	ssyncset.done $0x0  }
0x31: {  	[sflag:s16] =	ssyncadd.s32 $0xFFFFFF80  }
0x32: {  	_ =	swait.ge [sflag:s23], $0x4000  }
0x33: {  	[sflag:s23] =	ssyncset.done $0x0  }
0x34: {  	[sflag:s23] =	ssyncadd.s32 $0xFFFFC000  }
0x35: {  	[tilespmem:s20], [sflag:$0x1] =	stream.indirect.gather [hbm4b:s4+s19], $0x80, s3, s19, $0xb8;
	[tilespmem:$0x1E900] =	vst v63  }
0x36: {  	_ =	swait.ge [sflag:s24], $0x4000  }
0x37: {  	[sflag:s24] =	ssyncset.done $0x0  }
0x38: {  	s0 =	simm.s32 $0x180;
	[sflag:s24] =	ssyncadd.s32 $0xFFFFC000  }
0x39: {  	[spmem:s2] =	stream.indirect.scatter.add.f32 [tilespmem:s21], [sflag:$0x4], $0x80, s0, s19, $0xb8;
	[tilespmem:$0x1E900] =	vst v63  }
0x3a: {  	s25 =	sadd.s32 $0x0, s14  }
0x3b: {  	[tilespmem:s19], [sflag:$0x5] =	stream.linear.gather [hbm4b:s25+s3], $0x80, $0x38;
	[tilespmem:$0x1E900] =	vst v63  }
0x3c: {  	_ =	swait.ge [sflag:s16], $0x80  }
0x3d: {  	[sflag:s16] =	ssyncset.done $0x0  }
0x3e: {  	[sflag:s16] =	ssyncadd.s32 $0xFFFFFF80  }
0x3f: {  	_ =	swait.ge [sflag:s26], $0x4000  }
0x40: {  	[sflag:s26] =	ssyncset.done $0x0  }
0x41: {  	[sflag:s26] =	ssyncadd.s32 $0xFFFFC000  }
0x42: {  	[tilespmem:s21], [sflag:$0x2] =	stream.indirect.gather [hbm4b:s4+s19], $0x80, s19, s19, $0xb8;
	[tilespmem:$0x1E900] =	vst v63  }
0x43: {  	_ =	swait.ge [sflag:s22], $0x4000  }
0x44: {  	[sflag:s22] =	ssyncset.done $0x0  }
0x45: {  	s1 =	simm.s32 $0x200;
	[sflag:s22] =	ssyncadd.s32 $0xFFFFC000  }
0x46: {  	[spmem:s2] =	stream.indirect.scatter.add.f32 [tilespmem:s20], [sflag:$0x3], $0x80, s1, s19, $0xb8;
	[tilespmem:$0x1E900] =	vst v63  }
0x47: {  	s25 =	sadd.s32 $0x0, s13  }
0x48: {  	[tilespmem:s3], [sflag:$0x5] =	stream.linear.gather [hbm4b:s25+s3], $0x80, $0x38;
	[tilespmem:$0x1E900] =	vst v63  }
0x49: {  	_ =	swait.ge [sflag:s16], $0x80  }
0x4a: {  	[sflag:s16] =	ssyncset.done $0x0  }
0x4b: {  	[sflag:s16] =	ssyncadd.s32 $0xFFFFFF80  }
0x4c: {  	_ =	swait.ge [sflag:s23], $0x4000  }
0x4d: {  	[sflag:s23] =	ssyncset.done $0x0  }
0x4e: {  	[sflag:s23] =	ssyncadd.s32 $0xFFFFC000  }
0x4f: {  	[tilespmem:s20], [sflag:$0x1] =	stream.indirect.gather [hbm4b:s4+s19], $0x80, s3, s19, $0xb8;
	[tilespmem:$0x1E900] =	vst v63  }
0x50: {  	_ =	swait.ge [sflag:s24], $0x4000  }
0x51: {  	s31 =	simm.s32 $0x20;
	[sflag:s24] =	ssyncset.done $0x0  }
0x52: {  	s0 =	simm.s32 $0x280;
	s1 =	simm.s32 $0x300;
	[sflag:s24] =	ssyncadd.s32 $0xFFFFC000  }
.LBB2_2:
0x53: {  	[spmem:s2] =	stream.indirect.scatter.add.f32 [tilespmem:s21], [sflag:$0x4], $0x80, s0, s19, $0xb8;
	[tilespmem:$0x1E900] =	vst v63  }
0x54: {  	s0 =	smov.u32 s31  }
0x55: {  	p0 =	sne.s32 s31, $0x4A0;
	s31 =	sadd.s32 $0x20, s31;
	s25 =	sadd.s32 s0, s14  }
0x56: {  	[tilespmem:s19], [sflag:$0x5] =	stream.linear.gather [hbm4b:s25+s3], $0x80, $0x38;
	[tilespmem:$0x1E900] =	vst v63  }
0x57: {  	_ =	swait.ge [sflag:s16], $0x80  }
0x58: {  	[sflag:s16] =	ssyncset.done $0x0  }
0x59: {  	[sflag:s16] =	ssyncadd.s32 $0xFFFFFF80  }
0x5a: {  	_ =	swait.ge [sflag:s26], $0x4000  }
0x5b: {  	[sflag:s26] =	ssyncset.done $0x0  }
0x5c: {  	[sflag:s26] =	ssyncadd.s32 $0xFFFFC000  }
0x5d: {  	[tilespmem:s21], [sflag:$0x2] =	stream.indirect.gather [hbm4b:s4+s19], $0x80, s19, s19, $0xb8;
	[tilespmem:$0x1E900] =	vst v63  }
0x5e: {  	_ =	swait.ge [sflag:s22], $0x4000  }
0x5f: {  	[sflag:s22] =	ssyncset.done $0x0  }
0x60: {  	[sflag:s22] =	ssyncadd.s32 $0xFFFFC000  }
0x61: {  	[spmem:s2] =	stream.indirect.scatter.add.f32 [tilespmem:s20], [sflag:$0x3], $0x80, s1, s19, $0xb8;
	[tilespmem:$0x1E900] =	vst v63  }
0x62: {  	s0 =	sadd.s32 s0, s13  }
0x63: {  	[tilespmem:s3], [sflag:$0x5] =	stream.linear.gather [hbm4b:s0+s3], $0x80, $0x38;
	[tilespmem:$0x1E900] =	vst v63  }
0x64: {  	_ =	swait.ge [sflag:s16], $0x80  }
0x65: {  	[sflag:s16] =	ssyncset.done $0x0  }
0x66: {  	[sflag:s16] =	ssyncadd.s32 $0xFFFFFF80  }
0x67: {  	_ =	swait.ge [sflag:s23], $0x4000  }
0x68: {  	[sflag:s23] =	ssyncset.done $0x0  }
.Ltmp0:
0x69: {  	[sflag:s23] =	ssyncadd.s32 $0xFFFFC000;
	(pc) =	sbr.rel @p0 .LBB2_2-.Ltmp0, $4  }
0x6a: {  	[tilespmem:s20], [sflag:$0x1] =	stream.indirect.gather [hbm4b:s4+s19], $0x80, s3, s19, $0xb8;
	[tilespmem:$0x1E900] =	vst v63  }
0x6b: {  	_ =	swait.ge [sflag:s24], $0x4000  }
0x6c: {  	[sflag:s24] =	ssyncset.done $0x0  }
0x6d: {  	s0 =	sadd.s32 $0x80, s1;
	s1 =	sadd.s32 $0x100, s1;
	[sflag:s24] =	ssyncadd.s32 $0xFFFFC000  }
0x6e: {  	[spmem:s2] =	stream.indirect.scatter.add.f32 [tilespmem:s21], [sflag:$0x4], $0x80, s0, s19, $0xb8;
	[tilespmem:$0x1E900] =	vst v63  }
0x6f: {  	_ = 	snop  }
0x70: {  	[tilespmem:s19], [sflag:$0x5] =	stream.linear.gather [hbm4b:s10+s3], $0x80, $0x38;
	[tilespmem:$0x1E900] =	vst v63  }
0x71: {  	_ =	swait.ge [sflag:s16], $0x80  }
0x72: {  	[sflag:s16] =	ssyncset.done $0x0  }
0x73: {  	[sflag:s16] =	ssyncadd.s32 $0xFFFFFF80  }
0x74: {  	_ =	swait.ge [sflag:s26], $0x4000  }
0x75: {  	[sflag:s26] =	ssyncset.done $0x0  }
0x76: {  	[sflag:s26] =	ssyncadd.s32 $0xFFFFC000  }
0x77: {  	[tilespmem:s21], [sflag:$0x2] =	stream.indirect.gather [hbm4b:s4+s19], $0x80, s19, s19, $0xb8;
	[tilespmem:$0x1E900] =	vst v63  }
0x78: {  	_ =	swait.ge [sflag:s22], $0x4000  }
0x79: {  	[sflag:s22] =	ssyncset.done $0x0  }
0x7a: {  	[sflag:s22] =	ssyncadd.s32 $0xFFFFC000  }
0x7b: {  	[spmem:s2] =	stream.indirect.scatter.add.f32 [tilespmem:s20], [sflag:$0x3], $0x80, s28, s19, $0xb8;
	[tilespmem:$0x1E900] =	vst v63  }
0x7c: {  	_ =	swait.ge [sflag:s24], $0x4000  }
0x7d: {  	[sflag:s24] =	ssyncset.done $0x0  }
0x7e: {  	[sflag:s24] =	ssyncadd.s32 $0xFFFFC000  }
0x7f: {  	[spmem:s2] =	stream.indirect.scatter.add.f32 [tilespmem:s21], [sflag:$0x4], $0x80, s29, s19, $0xb8;
	[tilespmem:$0x1E900] =	vst v63  }
0x80: {  	_ =	swait.ge [sflag:s23], $0x4000  }
0x81: {  	[sflag:s23] =	ssyncset.done $0x0  }
0x82: {  	[sflag:s23] =	ssyncadd.s32 $0xFFFFC000  }
0x83: {  	_ =	swait.ge [sflag:s26], $0x4000  }
0x84: {  	s30 =	sadd.s32 $0x1, s30;
	[sflag:s26] =	ssyncset.done $0x0  }
0x85: {  	p0 =	sne.s32 s30, s12;
	[sflag:s26] =	ssyncadd.s32 $0xFFFFC000  }
.Ltmp1:
0x86: {  	[bflag:$0x0] =	sbarrier.arrive $0xFFFF;
	(pc) =	sbr.rel @p0 .LBB2_1-.Ltmp1, $4  }
0x87: {  	[hbm:s11], [sflag:s17] =	dma.local [spmem:s18], $0x2800  }
0x88: {  	_ =	swait.ge [sflag:s16], $0x2800  }
0x89: {  	[sflag:s16] =	ssyncset.done $0x0  }
0x8a: {  	[sflag:s16] =	ssyncadd.s32 $0xFFFFD800  }
0x8b: {  	_ =	sfence.sel $0x180000  }
0x8c: {  	[bflag:$0x0] =	sbarrier.arrive $0xFFFF  }
0x8d: {  	_ =	strace $0x9000004A  }
0x8e: {  	s0 =	stileid.u32;
	[bflag:$0x2] =	sbarrier.arrive $0xFFFF  }
0x8f: {  	p0 =	sne.s32 s0, $0x0;
	s0 =	rddreg [dreg:$0x2]  }
0x90: {  	s0 =	sadd.s32 @!p0 $0x100000, s0  }
0x91: {  	[sflag:s0] =	ssyncadd.tile.s32 @!p0 $0x1;
	_ =	shalt  }
.Lfunc_end2:
_tile_overlayer_lowered:
.L_overlay_start_2:
0x92: {  	(tag) =	ssettag $0x2  }
0x93: {  	s0 =	rddreg [dreg:$0x0];
	s2 =	stileid.u32  }
0x94: {  	s1 =	rddreg [dreg:$0x1];
	p0 =	sne.s32 s2, $0x0  }
0x95: {  	s3 =	rddreg [dreg:$0x2];
	[bflag:$0x3] =	sbarrier.arrive $0xFFFF;
	s2 =	simm.s32 @!p0 $0x1C05  }
0x96: {  	[timem:s3], [sflag:s2] =	dma.local @!p0 [hbm:s0], s1  }
0x97: {  	s0 =	simm.s32 @!p0 $0x5  }
0x98: {  	_ =	swait.ge @!p0 [sflag:s0], s1  }
0x99: {  	s1 =	ssub.s32 @!p0 $0x0, s1;
	[sflag:s0] =	ssyncset.done @!p0 $0x0  }
0x9a: {  	[sflag:s0] =	ssyncadd.s32 @!p0 s1  }
0x9b: {  	[bflag:$0x3] =	sbarrier.arrive $0xFFFF  }
0x9c: {  	_ =	shalt  }

// kernel: kernel.15.cloned.1.call-start
scs
__scs_entry_jumppad:
0x0: {  	(pc) =	sbr.rel $0x88, $3  }
0x1: {  	(tag) =	ssettag $0x0;
	lr =	simm.s32 $0x1  }
0x2: {  	[smem:$0x3F89] =	sst lr;
	_ =	strace $0xD0000000  }
0x3: {  	_ = 	snop  }
0x4: {  	_ = 	snop  }
0x5: {  	_ = 	snop  }
0x6: {  	_ = 	snop  }
0x7: {  	_ = 	snop  }
__scs_overlays_trampoline_lowered:
0x8: {  	[smem:$0x3F98] =	sst s0  }
0x9: {  	[smem:$0x3F99] =	sst s1  }
0xa: {  	[smem:$0x3F9A] =	sst s2  }
0xb: {  	[smem:$0x3F9B] =	sst s3  }
0xc: {  	[smem:$0x3F9C] =	sst s4  }
0xd: {  	[smem:$0x3F9D] =	sst s5  }
0xe: {  	[smem:$0x3F9E] =	sst s6  }
0xf: {  	[smem:$0x3F9F] =	sst s7  }
0x10: {  	[smem:$0x3FA0] =	sst s8  }
0x11: {  	[smem:$0x3FA1] =	sst s9;
	s0 =	simm.s32 @!p0 $0x0  }
0x12: {  	s1 =	sld [smem:$0x3F87];
	s0 =	simm.s32 @p0 $0x1  }
0x13: {  	[smem:$0x3FA2] =	sst s0;
	s0 =	simm.s32 @!p1 $0x0  }
0x14: {  	s2 =	sld [smem:$0x3F86];
	s0 =	simm.s32 @p1 $0x1  }
0x15: {  	[smem:$0x3FA3] =	sst s0;
	s0 =	simm.s32 @!p2 $0x0  }
0x16: {  	s3 =	sld [smem:$0x3FDB];
	s0 =	simm.s32 @p2 $0x1  }
0x17: {  	s4 =	simm.s32 $0x1BF5;
	[smem:$0x3FA5] =	sst s0  }
0x18: {  	s0 =	sld [smem:$0x3F88];
	_ =	swait.ge [sflag:s4], $0x0  }
0x19: {  	s7 =	sld [smem:$0x3F89]  }
0x1a: {  	s8 =	sadd.s32 $0xFFFFE003, lr  }
0x1b: {  	s9 =	sadd.s32 $0xFFFFFEF7, lr;
	s5 =	simm.s32 $0xFFFFFFFF;
	p2 =	slt.u32 s8, $0xFFFFF086  }
0x1c: {  	p1 =	slt.u32 s9, $0xF7A;
	s5 =	simm.s32 @!p2 $0x0  }
0x1d: {  	s5 =	simm.s32 @p1 $0x1;
	p0 =	seq.s32 s7, s2  }
0x1e: {  	s7 =	smul.u32 @!p0 $0xF7A, s2;
	p2 =	seq.s32 @!p0 s5, $0x0  }
0x1f: {  	s9 =	smul.u32 $0xF7A, s1;
	s8 =	simm.s32 @!p0 $0x1BF5;
	p2 =	por !p2, p0  }
0x20: {  	[sflag:s8] =	ssyncset.s32 @!p0 $0xFFFFF086;
	s6 =	sadd.s32 @!p0 s3, s7;
	s7 =	simm.s32 @!p0 $0x108  }
0x21: {  	s3 =	sadd.s32 s3, s9;
	s6 =	sadd.s32 @!p0 $0x88, s6;
	s7 =	simm.s32 @p2 $0x1082  }
0x22: {  	[simem:s7], [sflag:s8] =	dma.local @!p0 [hbm:s6], $0xF7A  }
0x23: {  	s9 =	sor.u32 $0xD0000000, s2;
	s6 =	simm.s32 $0x108;
	_ =	swait.ge @!p0 [sflag:s8], $0x0  }
0x24: {  	s3 =	sadd.s32 $0x88, s3;
	s6 =	simm.s32 @!p1 $0x1082;
	[sflag:s4] =	ssyncset.s32 $0xFFFFF086  }
0x25: {  	[simem:s6], [sflag:s4] =	dma.local [hbm:s3], $0xF7A  }
0x26: {  	[smem:$0x3F89] =	sst s1;
	(tag) =	ssettag s2;
	_ =	strace s9  }
0x27: {  	s1 =	sld [smem:$0x3F99]  }
0x28: {  	s2 =	sld [smem:$0x3F9A]  }
0x29: {  	s4 =	sld [smem:$0x3F9C]  }
0x2a: {  	p0 =	seq.s32 s5, $0x0;
	s5 =	sld [smem:$0x3F9D]  }
0x2b: {  	s6 =	sld [smem:$0x3F9E]  }
0x2c: {  	s7 =	sld [smem:$0x3F9F]  }
0x2d: {  	s3 =	simm.s32 $0x108;
	s8 =	sld [smem:$0x3FA0]  }
0x2e: {  	s3 =	simm.s32 @!p0 $0x1082;
	s9 =	sld [smem:$0x3FA1]  }
0x2f: {  	lr =	sadd.s32 s0, s3;
	s0 =	sld [smem:$0x3F98]  }
0x30: {  	s3 =	sld [smem:$0x3F9B]  }
0x31: {  	[smem:$0x3FA4] =	sst s10  }
0x32: {  	s10 =	sld [smem:$0x3FA2];
	_ =	sdelay $0x3  }
0x33: {  	p0 =	seq.s32 s10, $0x1;
	s10 =	sld [smem:$0x3FA4];
	_ =	sdelay $0x3  }
0x34: {  	[smem:$0x3FA4] =	sst s10  }
0x35: {  	s10 =	sld [smem:$0x3FA3];
	_ =	sdelay $0x3  }
0x36: {  	p1 =	seq.s32 s10, $0x1;
	s10 =	sld [smem:$0x3FA4];
	_ =	sdelay $0x3  }
0x37: {  	[smem:$0x3FA4] =	sst s10  }
0x38: {  	s10 =	sld [smem:$0x3FA5]  }
0x39: {  	_ = 	snop;
	(pc) =	sbr.ind lr, $3  }
0x3a: {  	_ = 	snop  }
0x3b: {  	_ = 	snop  }
0x3c: {  	p2 =	seq.s32 s10, $0x1;
	s10 =	sld [smem:$0x3FA4]  }
0x3d: {  	_ =	shalt  }
0x3e: {  	_ =	shalt  }
0x3f: {  	_ =	shalt  }
0x40: {  	_ =	shalt  }
0x41: {  	_ =	shalt  }
0x42: {  	_ =	shalt  }
0x43: {  	_ =	shalt  }
0x44: {  	_ =	shalt  }
0x45: {  	_ =	shalt  }
0x46: {  	_ =	shalt  }
0x47: {  	_ =	shalt  }
0x48: {  	_ =	shalt  }
0x49: {  	_ =	shalt  }
0x4a: {  	_ =	shalt  }
0x4b: {  	_ =	shalt  }
0x4c: {  	_ =	shalt  }
0x4d: {  	_ =	shalt  }
0x4e: {  	_ =	shalt  }
0x4f: {  	_ =	shalt  }
0x50: {  	_ =	shalt  }
0x51: {  	_ =	shalt  }
0x52: {  	_ =	shalt  }
0x53: {  	_ =	shalt  }
0x54: {  	_ =	shalt  }
0x55: {  	_ =	shalt  }
0x56: {  	_ =	shalt  }
0x57: {  	_ =	shalt  }
0x58: {  	_ =	shalt  }
0x59: {  	_ =	shalt  }
0x5a: {  	_ =	shalt  }
0x5b: {  	_ =	shalt  }
0x5c: {  	_ =	shalt  }
0x5d: {  	_ =	shalt  }
0x5e: {  	_ =	shalt  }
0x5f: {  	_ =	shalt  }
0x60: {  	_ =	shalt  }
0x61: {  	_ =	shalt  }
0x62: {  	_ =	shalt  }
0x63: {  	_ =	shalt  }
0x64: {  	_ =	shalt  }
0x65: {  	_ =	shalt  }
0x66: {  	_ =	shalt  }
0x67: {  	_ =	shalt  }
0x68: {  	_ =	shalt  }
0x69: {  	_ =	shalt  }
0x6a: {  	_ =	shalt  }
0x6b: {  	_ =	shalt  }
0x6c: {  	_ =	shalt  }
0x6d: {  	_ =	shalt  }
0x6e: {  	_ =	shalt  }
0x6f: {  	_ =	shalt  }
0x70: {  	_ =	shalt  }
0x71: {  	_ =	shalt  }
0x72: {  	_ =	shalt  }
0x73: {  	_ =	shalt  }
0x74: {  	_ =	shalt  }
0x75: {  	_ =	shalt  }
0x76: {  	_ =	shalt  }
0x77: {  	_ =	shalt  }
0x78: {  	_ =	shalt  }
0x79: {  	_ =	shalt  }
0x7a: {  	_ =	shalt  }
0x7b: {  	_ =	shalt  }
0x7c: {  	_ =	shalt  }
0x7d: {  	_ =	shalt  }
0x7e: {  	_ =	shalt  }
0x7f: {  	_ =	shalt  }
0x80: {  	_ =	shalt  }
0x81: {  	_ =	shalt  }
0x82: {  	_ =	shalt  }
0x83: {  	_ =	shalt  }
0x84: {  	_ =	shalt  }
0x85: {  	_ =	shalt  }
0x86: {  	_ =	shalt  }
0x87: {  	_ =	shalt  }
.Lfunc_end0:
.L_simem_size_0:
called_computation.2_lowered:
.L_overlay_start_0:
0x88: {  	s2 =	sld [smem:$0x3FD9]  }
0x89: {  	s3 =	sld [smem:$0x3FFE];
	_ =	sdelay $0x1  }
0x8a: {  	s1 =	srdreg.scid  }
0x8b: {  	s0 =	sand.u32 $0x1, s1  }
0x8c: {  	s16 =	sshll.u32 s0, $0xA;
	s2 =	sadd.s32 s3, s2  }
0x8d: {  	s2 =	sadd.s32 s2, s16  }
0x8e: {  	[smem:$0x3FB0] =	sst s2  }
0x8f: {  	_ = 	snop  }
0x90: {  	(tm) =	ssettm $0x1  }
0x91: {  	s17 =	sld [smem:$0x3FFB];
	_ =	sdelay $0x3  }
0x92: {  	_ =	strace s17  }
0x93: {  	s2 =	sld [smem:$0x3FFC];
	_ =	sdelay $0x3  }
0x94: {  	_ =	strace s2  }
0x95: {  	s2 =	sld [smem:$0x3FFD];
	_ =	sdelay $0x3  }
0x96: {  	_ =	strace s2  }
0x97: {  	_ =	strace $0x8FFFFFFF  }
0x98: {  	s18 =	sld [smem:$0x3FDB];
	_ =	sdelay $0x1  }
0x99: {  	s19 =	simm.s32 $_scs_section_size  }
0x9a: {  	s4 =	simm.s32 $_size__tile_overlayer_lowered;
	s5 =	simm.s32 $_tile_overlayer_lowered  }
0x9b: {  	s22 =	simm.s32 $0x1BFF;
	s21 =	sshll.u32 s5, $0x1;
	s2 =	sadd.s32 s19, s18  }
0x9c: {  	s6 =	simm.s32 $0x0;
	s20 =	sshll.u32 s4, $0x1;
	s4 =	sadd.s32 s21, s2  }
0x9d: {  	[timem:s6], [sflag:s22] =	dma.local [hbm:s4], s20  }
0x9e: {  	_ =	swait.ge [sflag:s22], s20  }
0x9f: {  	s3 =	ssub.s32 $0x0, s20;
	[sflag:s22] =	ssyncset.done $0x0  }
0xa0: {  	[sflag:s22] =	ssyncadd.s32 s3;
	_ =	sdelay $0x1  }
0xa1: {  	s23 =	simm.s32 $0x1B8B  }
0xa2: {  	_ =	swait.ge [sflag:s23], $0x1  }
0xa3: {  	[sflag:s23] =	ssyncset.done $0x0  }
0xa4: {  	s25 =	simm.s32 $0x1B8E;
	s24 =	sld [smem:$0x3FFE];
	[sflag:s23] =	ssyncadd.s32 $0xFFFFFFFF  }
0xa5: {  	s26 =	simm.s32 $execute0_lowered;
	[smem:$0x3FD2] =	sst s25  }
0xa6: {  	s4 =	sshll.u32 s26, $0x1;
	_ =	strace $0x8000004C;
	[dreg:$0x1] =	wrdreg $0xFFFFFFFF  }
0xa7: {  	s28 =	simm.s32 $_size_execute0_lowered;
	s2 =	sadd.s32 s2, s4;
	[dreg:$0x0] =	wrdreg $0x0  }
0xa8: {  	s4 =	sshll.u32 s28, $0x1;
	[dreg:$0x2] =	wrdreg s2  }
0xa9: {  	[dreg:$0x3] =	wrdreg s4  }
0xaa: {  	[dreg:$0x4] =	wrdreg $0xC0  }
0xab: {  	_ =	task [dreg:s6], $0x5FFFF  }
0xac: {  	[dreg:$0x1] =	wrdreg $0xFFFFFFFF  }
0xad: {  	[dreg:$0x0] =	wrdreg $0x60  }
0xae: {  	[dreg:$0x2] =	wrdreg s24  }
0xaf: {  	[dreg:$0x3] =	wrdreg $0xA9000  }
0xb0: {  	[dreg:$0x4] =	wrdreg $0x9  }
0xb1: {  	_ =	task.clear_ibuf [dreg:s6], $0x5FFFF;
	_ =	strace $0x9000004C  }
0xb2: {  	s29 =	simm.s32 $0x9;
	_ =	strace $0x8000004E  }
0xb3: {  	_ =	swait.ge [sflag:s29], $0x1  }
0xb4: {  	[sflag:s29] =	ssyncadd.s32 $0xFFFFFFFF  }
0xb5: {  	_ =	strace $0x9000004E  }
0xb6: {  	_ =	sfence  }
0xb7: {  	s30 =	sld [smem:$0x0];
	_ =	sdelay $0x2  }
0xb8: {  	s31 =	sshll.u32 s1, $0xD;
	s1 =	sshrl.u32 s1, $0x2  }
0xb9: {  	s3 =	sand.u32 $0x4000, s31;
	s1 =	sadd.s32 s1, s30  }
0xba: {  	s0 =	sor.u32 s3, s0;
	s1 =	sshll.u32 s1, $0x11  }
0xbb: {  	s0 =	sor.u32 s1, s0  }
0xbc: {  	s0 =	sadd.s32 $0x8F2B, s0  }
0xbd: {  	[sflag:s0] =	ssyncadd.remote.s32 $0x1  }
0xbe: {  	_ =	sfence.sel $0xFFFF  }
0xbf: {  	[dreg:$0x0] =	wrdreg $0xFFFFFFFF;
	(pc) =	sbr.abs _section_cstart, $3  }
0xc0: {  	[dreg:$0x1] =	wrdreg $0xFFFFFFFF  }
0xc1: {  	_ =	task.clear_ibuf [dreg:s6], $0x2FFFF;
	_ =	strace $0x9FFFFFFF  }
0xc2: {  	(tm) =	ssettm $0x7FFFFFFF  }
0xc3: {  	_ =	shalt  }
tec
execute0_lowered:
.L_overlay_start_1:
0x0: {  	(tag) =	ssettag $0x1  }
0x1: {  	s0 =	srdreg.scid;
	s1 =	rddreg [dreg:$0x0]  }
0x2: {  	s15 =	stileid.u32;
	s2 =	rddreg [dreg:$0x1]  }
0x3: {  	s16 =	simm.s32 $0x5;
	s19 =	simm.s32 $0x80;
	s20 =	simm.s32 $0x2900  }
0x4: {  	s21 =	simm.s32 $0x6900;
	s28 =	simm.s32 $0x2800;
	s29 =	simm.s32 $0x2880  }
0x5: {  	s30 =	simm.s32 $0x0;
	s0 =	sand.u32 $0x1, s0;
	s7 =	smul.u32 $0x14000, s15  }
0x6: {  	s3 =	sshll.u32 s15, $0x1;
	s4 =	sadd.s32 $0x6000, s1;
	s23 =	smul.u32 $0x50000, s15  }
0x7: {  	s14 =	sadd.s32 $0x2E000, s1;
	s25 =	smul.u32 $0x5000, s15;
	s31 =	sshll.u32 s15, $0x6  }
0x8: {  	s15 =	simm.s32 $0x100;
	s5 =	sor.u32 s0, s3;
	s8 =	smul.u32 $0x140000, s0  }
0x9: {  	s3 =	simm.s32 $0x0;
	s22 =	ssub.s32 $0x2, s0;
	s0 =	smul.u32 $0x2800, s0  }
0xa: {  	s17 =	sor.u32 $0x1C05, s31;
	s6 =	smul.u32 $0x500, s5;
	[smem:$0x7FF] =	sst s3  }
0xb: {  	s9 =	sshrl.u32 s7, $0x3;
	s10 =	sshrl.u32 s22, $0x1;
	s11 =	smul.u32 $0x2800, s5  }
0xc: {  	_ =	strace $0x8000004D;
	s9 =	sadd.s32 s9, s1;
	s7 =	sadd.s32 s7, s8  }
0xd: {  	s12 =	ssub.s32 s22, s10;
	s0 =	sadd.s32 s0, s25;
	s22 =	simm.s32 $0x1  }
0xe: {  	s6 =	sadd.s32 s6, s1;
	s7 =	sshrl.u32 s7, $0x3;
	s24 =	sshrl.u32 s11, $0x3  }
0xf: {  	s26 =	sor.u32 $0x200, s0;
	s0 =	sor.u32 $0x180, s0;
	s12 =	smax.u32 s12, $0x1  }
0x10: {  	s1 =	sadd.s32 s7, s1;
	s5 =	sadd.s32 $0x38000, s6;
	s7 =	sshrl.u32 s23, $0x2  }
0x11: {  	s6 =	sadd.s32 s14, s24;
	s0 =	sshrl.u32 s0, $0x3;
	s23 =	simm.s32 $0x3  }
0x12: {  	s24 =	simm.s32 $0x2;
	s18 =	sadd.s32 s7, s2;
	s7 =	sadd.s32 $0x42000, s9  }
0x13: {  	s8 =	sadd.s32 $0x10, s6;
	s9 =	sadd.s32 $0x20, s6;
	s10 =	sadd.s32 $0x4F0, s6  }
0x14: {  	s11 =	sadd.s32 $0x6A000, s1;
	s1 =	sshrl.u32 s26, $0x3;
	s26 =	simm.s32 $0x4  }
0x15: {  	s13 =	sadd.s32 s1, s14;
	s14 =	sadd.s32 s0, s14;
	s18 =	sshrl.u32 s18, $0x3  }
.LBB2_1:
0x16: {  	[tilespmem:s15], [sflag:$0x5] =	stream.linear.gather [hbm4b:s5+s3], $0x2800, $0x38;
	[tilespmem:$0x1E900] =	vst v63  }
0x17: {  	_ =	swait.ge [sflag:s16], $0x2800  }
0x18: {  	[sflag:s16] =	ssyncset.done $0x0  }
0x19: {  	[sflag:s16] =	ssyncadd.s32 $0xFFFFD800  }
0x1a: {  	[spmem:s18], [sflag:s17] =	dma.local [hbm:s7], $0x2800  }
0x1b: {  	_ =	swait.ge [sflag:s16], $0x2800  }
0x1c: {  	[sflag:s16] =	ssyncset.done $0x0  }
0x1d: {  	[sflag:s16] =	ssyncadd.s32 $0xFFFFD800  }
0x1e: {  	[tilespmem:s3], [sflag:$0x5] =	stream.linear.gather [hbm4b:s6+s3], $0x80, $0x38;
	[tilespmem:$0x1E900] =	vst v63  }
0x1f: {  	_ =	swait.ge [sflag:s16], $0x80  }
0x20: {  	[sflag:s16] =	ssyncset.done $0x0  }
0x21: {  	[sflag:s16] =	ssyncadd.s32 $0xFFFFFF80  }
0x22: {  	[tilespmem:s20], [sflag:$0x1] =	stream.indirect.gather [hbm4b:s4+s19], $0x80, s3, s19, $0xb8;
	[tilespmem:$0x1E900] =	vst v63  }
0x23: {  	[bflag:$0x0] =	sbarrier.arrive $0xFFFF  }
0x24: {  	[tilespmem:s19], [sflag:$0x5] =	stream.linear.gather [hbm4b:s8+s3], $0x80, $0x38;
	[tilespmem:$0x1E900] =	vst v63  }
0x25: {  	_ =	swait.ge [sflag:s16], $0x80  }
0x26: {  	[sflag:s16] =	ssyncset.done $0x0  }
0x27: {  	[sflag:s16] =	ssyncadd.s32 $0xFFFFFF80  }
0x28: {  	[tilespmem:s21], [sflag:$0x2] =	stream.indirect.gather [hbm4b:s4+s19], $0x80, s19, s19, $0xb8;
	[tilespmem:$0x1E900] =	vst v63  }
0x29: {  	_ =	swait.ge [sflag:s22], $0x4000  }
0x2a: {  	[sflag:s22] =	ssyncset.done $0x0  }
0x2b: {  	[sflag:s22] =	ssyncadd.s32 $0xFFFFC000  }
0x2c: {  	[spmem:s2] =	stream.indirect.scatter.add.f32 [tilespmem:s20], [sflag:$0x3], $0x80, s15, s19, $0xb8;
	[tilespmem:$0x1E900] =	vst v63  }
0x2d: {  	_ = 	snop  }
0x2e: {  	[tilespmem:s3], [sflag:$0x5] =	stream.linear.gather [hbm4b:s9+s3], $0x80, $0x38;
	[tilespmem:$0x1E900] =	vst v63  }
0x2f: {  	_ =	swait.ge [sflag:s16], $0x80  }
0x30: {  	[sflag:s16] =	ssyncset.done $0x0  }
0x31: {  	[sflag:s16] =	ssyncadd.s32 $0xFFFFFF80  }
0x32: {  	_ =	swait.ge [sflag:s23], $0x4000  }
0x33: {  	[sflag:s23] =	ssyncset.done $0x0  }
0x34: {  	[sflag:s23] =	ssyncadd.s32 $0xFFFFC000  }
0x35: {  	[tilespmem:s20], [sflag:$0x1] =	stream.indirect.gather [hbm4b:s4+s19], $0x80, s3, s19, $0xb8;
	[tilespmem:$0x1E900] =	vst v63  }
0x36: {  	_ =	swait.ge [sflag:s24], $0x4000  }
0x37: {  	[sflag:s24] =	ssyncset.done $0x0  }
0x38: {  	s0 =	simm.s32 $0x180;
	[sflag:s24] =	ssyncadd.s32 $0xFFFFC000  }
0x39: {  	[spmem:s2] =	stream.indirect.scatter.add.f32 [tilespmem:s21], [sflag:$0x4], $0x80, s0, s19, $0xb8;
	[tilespmem:$0x1E900] =	vst v63  }
0x3a: {  	s25 =	sadd.s32 $0x0, s14  }
0x3b: {  	[tilespmem:s19], [sflag:$0x5] =	stream.linear.gather [hbm4b:s25+s3], $0x80, $0x38;
	[tilespmem:$0x1E900] =	vst v63  }
0x3c: {  	_ =	swait.ge [sflag:s16], $0x80  }
0x3d: {  	[sflag:s16] =	ssyncset.done $0x0  }
0x3e: {  	[sflag:s16] =	ssyncadd.s32 $0xFFFFFF80  }
0x3f: {  	_ =	swait.ge [sflag:s26], $0x4000  }
0x40: {  	[sflag:s26] =	ssyncset.done $0x0  }
0x41: {  	[sflag:s26] =	ssyncadd.s32 $0xFFFFC000  }
0x42: {  	[tilespmem:s21], [sflag:$0x2] =	stream.indirect.gather [hbm4b:s4+s19], $0x80, s19, s19, $0xb8;
	[tilespmem:$0x1E900] =	vst v63  }
0x43: {  	_ =	swait.ge [sflag:s22], $0x4000  }
0x44: {  	[sflag:s22] =	ssyncset.done $0x0  }
0x45: {  	s1 =	simm.s32 $0x200;
	[sflag:s22] =	ssyncadd.s32 $0xFFFFC000  }
0x46: {  	[spmem:s2] =	stream.indirect.scatter.add.f32 [tilespmem:s20], [sflag:$0x3], $0x80, s1, s19, $0xb8;
	[tilespmem:$0x1E900] =	vst v63  }
0x47: {  	s25 =	sadd.s32 $0x0, s13  }
0x48: {  	[tilespmem:s3], [sflag:$0x5] =	stream.linear.gather [hbm4b:s25+s3], $0x80, $0x38;
	[tilespmem:$0x1E900] =	vst v63  }
0x49: {  	_ =	swait.ge [sflag:s16], $0x80  }
0x4a: {  	[sflag:s16] =	ssyncset.done $0x0  }
0x4b: {  	[sflag:s16] =	ssyncadd.s32 $0xFFFFFF80  }
0x4c: {  	_ =	swait.ge [sflag:s23], $0x4000  }
0x4d: {  	[sflag:s23] =	ssyncset.done $0x0  }
0x4e: {  	[sflag:s23] =	ssyncadd.s32 $0xFFFFC000  }
0x4f: {  	[tilespmem:s20], [sflag:$0x1] =	stream.indirect.gather [hbm4b:s4+s19], $0x80, s3, s19, $0xb8;
	[tilespmem:$0x1E900] =	vst v63  }
0x50: {  	_ =	swait.ge [sflag:s24], $0x4000  }
0x51: {  	s31 =	simm.s32 $0x20;
	[sflag:s24] =	ssyncset.done $0x0  }
0x52: {  	s0 =	simm.s32 $0x280;
	s1 =	simm.s32 $0x300;
	[sflag:s24] =	ssyncadd.s32 $0xFFFFC000  }
.LBB2_2:
0x53: {  	[spmem:s2] =	stream.indirect.scatter.add.f32 [tilespmem:s21], [sflag:$0x4], $0x80, s0, s19, $0xb8;
	[tilespmem:$0x1E900] =	vst v63  }
0x54: {  	s0 =	smov.u32 s31  }
0x55: {  	p0 =	sne.s32 s31, $0x4A0;
	s31 =	sadd.s32 $0x20, s31;
	s25 =	sadd.s32 s0, s14  }
0x56: {  	[tilespmem:s19], [sflag:$0x5] =	stream.linear.gather [hbm4b:s25+s3], $0x80, $0x38;
	[tilespmem:$0x1E900] =	vst v63  }
0x57: {  	_ =	swait.ge [sflag:s16], $0x80  }
0x58: {  	[sflag:s16] =	ssyncset.done $0x0  }
0x59: {  	[sflag:s16] =	ssyncadd.s32 $0xFFFFFF80  }
0x5a: {  	_ =	swait.ge [sflag:s26], $0x4000  }
0x5b: {  	[sflag:s26] =	ssyncset.done $0x0  }
0x5c: {  	[sflag:s26] =	ssyncadd.s32 $0xFFFFC000  }
0x5d: {  	[tilespmem:s21], [sflag:$0x2] =	stream.indirect.gather [hbm4b:s4+s19], $0x80, s19, s19, $0xb8;
	[tilespmem:$0x1E900] =	vst v63  }
0x5e: {  	_ =	swait.ge [sflag:s22], $0x4000  }
0x5f: {  	[sflag:s22] =	ssyncset.done $0x0  }
0x60: {  	[sflag:s22] =	ssyncadd.s32 $0xFFFFC000  }
0x61: {  	[spmem:s2] =	stream.indirect.scatter.add.f32 [tilespmem:s20], [sflag:$0x3], $0x80, s1, s19, $0xb8;
	[tilespmem:$0x1E900] =	vst v63  }
0x62: {  	s0 =	sadd.s32 s0, s13  }
0x63: {  	[tilespmem:s3], [sflag:$0x5] =	stream.linear.gather [hbm4b:s0+s3], $0x80, $0x38;
	[tilespmem:$0x1E900] =	vst v63  }
0x64: {  	_ =	swait.ge [sflag:s16], $0x80  }
0x65: {  	[sflag:s16] =	ssyncset.done $0x0  }
0x66: {  	[sflag:s16] =	ssyncadd.s32 $0xFFFFFF80  }
0x67: {  	_ =	swait.ge [sflag:s23], $0x4000  }
0x68: {  	[sflag:s23] =	ssyncset.done $0x0  }
.Ltmp0:
0x69: {  	[sflag:s23] =	ssyncadd.s32 $0xFFFFC000;
	(pc) =	sbr.rel @p0 .LBB2_2-.Ltmp0, $4  }
0x6a: {  	[tilespmem:s20], [sflag:$0x1] =	stream.indirect.gather [hbm4b:s4+s19], $0x80, s3, s19, $0xb8;
	[tilespmem:$0x1E900] =	vst v63  }
0x6b: {  	_ =	swait.ge [sflag:s24], $0x4000  }
0x6c: {  	[sflag:s24] =	ssyncset.done $0x0  }
0x6d: {  	s0 =	sadd.s32 $0x80, s1;
	s1 =	sadd.s32 $0x100, s1;
	[sflag:s24] =	ssyncadd.s32 $0xFFFFC000  }
0x6e: {  	[spmem:s2] =	stream.indirect.scatter.add.f32 [tilespmem:s21], [sflag:$0x4], $0x80, s0, s19, $0xb8;
	[tilespmem:$0x1E900] =	vst v63  }
0x6f: {  	_ = 	snop  }
0x70: {  	[tilespmem:s19], [sflag:$0x5] =	stream.linear.gather [hbm4b:s10+s3], $0x80, $0x38;
	[tilespmem:$0x1E900] =	vst v63  }
0x71: {  	_ =	swait.ge [sflag:s16], $0x80  }
0x72: {  	[sflag:s16] =	ssyncset.done $0x0  }
0x73: {  	[sflag:s16] =	ssyncadd.s32 $0xFFFFFF80  }
0x74: {  	_ =	swait.ge [sflag:s26], $0x4000  }
0x75: {  	[sflag:s26] =	ssyncset.done $0x0  }
0x76: {  	[sflag:s26] =	ssyncadd.s32 $0xFFFFC000  }
0x77: {  	[tilespmem:s21], [sflag:$0x2] =	stream.indirect.gather [hbm4b:s4+s19], $0x80, s19, s19, $0xb8;
	[tilespmem:$0x1E900] =	vst v63  }
0x78: {  	_ =	swait.ge [sflag:s22], $0x4000  }
0x79: {  	[sflag:s22] =	ssyncset.done $0x0  }
0x7a: {  	[sflag:s22] =	ssyncadd.s32 $0xFFFFC000  }
0x7b: {  	[spmem:s2] =	stream.indirect.scatter.add.f32 [tilespmem:s20], [sflag:$0x3], $0x80, s28, s19, $0xb8;
	[tilespmem:$0x1E900] =	vst v63  }
0x7c: {  	_ =	swait.ge [sflag:s24], $0x4000  }
0x7d: {  	[sflag:s24] =	ssyncset.done $0x0  }
0x7e: {  	[sflag:s24] =	ssyncadd.s32 $0xFFFFC000  }
0x7f: {  	[spmem:s2] =	stream.indirect.scatter.add.f32 [tilespmem:s21], [sflag:$0x4], $0x80, s29, s19, $0xb8;
	[tilespmem:$0x1E900] =	vst v63  }
0x80: {  	_ =	swait.ge [sflag:s23], $0x4000  }
0x81: {  	[sflag:s23] =	ssyncset.done $0x0  }
0x82: {  	[sflag:s23] =	ssyncadd.s32 $0xFFFFC000  }
0x83: {  	_ =	swait.ge [sflag:s26], $0x4000  }
0x84: {  	s30 =	sadd.s32 $0x1, s30;
	[sflag:s26] =	ssyncset.done $0x0  }
0x85: {  	p0 =	sne.s32 s30, s12;
	[sflag:s26] =	ssyncadd.s32 $0xFFFFC000  }
.Ltmp1:
0x86: {  	[bflag:$0x0] =	sbarrier.arrive $0xFFFF;
	(pc) =	sbr.rel @p0 .LBB2_1-.Ltmp1, $4  }
0x87: {  	[hbm:s11], [sflag:s17] =	dma.local [spmem:s18], $0x2800  }
0x88: {  	_ =	swait.ge [sflag:s16], $0x2800  }
0x89: {  	[sflag:s16] =	ssyncset.done $0x0  }
0x8a: {  	[sflag:s16] =	ssyncadd.s32 $0xFFFFD800  }
0x8b: {  	_ =	sfence.sel $0x180000  }
0x8c: {  	[bflag:$0x0] =	sbarrier.arrive $0xFFFF  }
0x8d: {  	_ =	strace $0x9000004D  }
0x8e: {  	s0 =	stileid.u32;
	[bflag:$0x2] =	sbarrier.arrive $0xFFFF  }
0x8f: {  	p0 =	sne.s32 s0, $0x0;
	s0 =	rddreg [dreg:$0x2]  }
0x90: {  	s0 =	sadd.s32 @!p0 $0x100000, s0  }
0x91: {  	[sflag:s0] =	ssyncadd.tile.s32 @!p0 $0x1;
	_ =	shalt  }
.Lfunc_end2:
_tile_overlayer_lowered:
.L_overlay_start_2:
0x92: {  	(tag) =	ssettag $0x2  }
0x93: {  	s0 =	rddreg [dreg:$0x0];
	s2 =	stileid.u32  }
0x94: {  	s1 =	rddreg [dreg:$0x1];
	p0 =	sne.s32 s2, $0x0  }
0x95: {  	s3 =	rddreg [dreg:$0x2];
	[bflag:$0x3] =	sbarrier.arrive $0xFFFF;
	s2 =	simm.s32 @!p0 $0x1C05  }
0x96: {  	[timem:s3], [sflag:s2] =	dma.local @!p0 [hbm:s0], s1  }
0x97: {  	s0 =	simm.s32 @!p0 $0x5  }
0x98: {  	_ =	swait.ge @!p0 [sflag:s0], s1  }
0x99: {  	s1 =	ssub.s32 @!p0 $0x0, s1;
	[sflag:s0] =	ssyncset.done @!p0 $0x0  }
0x9a: {  	[sflag:s0] =	ssyncadd.s32 @!p0 s1  }
0x9b: {  	[bflag:$0x3] =	sbarrier.arrive $0xFFFF  }
0x9c: {  	_ =	shalt  }

// kernel: kernel.9.cloned.1.call-start
scs
__scs_entry_jumppad:
0x0: {  	(pc) =	sbr.rel $0x88, $3  }
0x1: {  	(tag) =	ssettag $0x0;
	lr =	simm.s32 $0x1  }
0x2: {  	[smem:$0x3F89] =	sst lr;
	_ =	strace $0xD0000000  }
0x3: {  	_ = 	snop  }
0x4: {  	_ = 	snop  }
0x5: {  	_ = 	snop  }
0x6: {  	_ = 	snop  }
0x7: {  	_ = 	snop  }
__scs_overlays_trampoline_lowered:
0x8: {  	[smem:$0x3F98] =	sst s0  }
0x9: {  	[smem:$0x3F99] =	sst s1  }
0xa: {  	[smem:$0x3F9A] =	sst s2  }
0xb: {  	[smem:$0x3F9B] =	sst s3  }
0xc: {  	[smem:$0x3F9C] =	sst s4  }
0xd: {  	[smem:$0x3F9D] =	sst s5  }
0xe: {  	[smem:$0x3F9E] =	sst s6  }
0xf: {  	[smem:$0x3F9F] =	sst s7  }
0x10: {  	[smem:$0x3FA0] =	sst s8  }
0x11: {  	[smem:$0x3FA1] =	sst s9;
	s0 =	simm.s32 @!p0 $0x0  }
0x12: {  	s1 =	sld [smem:$0x3F87];
	s0 =	simm.s32 @p0 $0x1  }
0x13: {  	[smem:$0x3FA2] =	sst s0;
	s0 =	simm.s32 @!p1 $0x0  }
0x14: {  	s2 =	sld [smem:$0x3F86];
	s0 =	simm.s32 @p1 $0x1  }
0x15: {  	[smem:$0x3FA3] =	sst s0;
	s0 =	simm.s32 @!p2 $0x0  }
0x16: {  	s3 =	sld [smem:$0x3FDB];
	s0 =	simm.s32 @p2 $0x1  }
0x17: {  	s4 =	simm.s32 $0x1BF5;
	[smem:$0x3FA5] =	sst s0  }
0x18: {  	s0 =	sld [smem:$0x3F88];
	_ =	swait.ge [sflag:s4], $0x0  }
0x19: {  	s7 =	sld [smem:$0x3F89]  }
0x1a: {  	s8 =	sadd.s32 $0xFFFFE003, lr  }
0x1b: {  	s9 =	sadd.s32 $0xFFFFFEF7, lr;
	s5 =	simm.s32 $0xFFFFFFFF;
	p2 =	slt.u32 s8, $0xFFFFF086  }
0x1c: {  	p1 =	slt.u32 s9, $0xF7A;
	s5 =	simm.s32 @!p2 $0x0  }
0x1d: {  	s5 =	simm.s32 @p1 $0x1;
	p0 =	seq.s32 s7, s2  }
0x1e: {  	s7 =	smul.u32 @!p0 $0xF7A, s2;
	p2 =	seq.s32 @!p0 s5, $0x0  }
0x1f: {  	s9 =	smul.u32 $0xF7A, s1;
	s8 =	simm.s32 @!p0 $0x1BF5;
	p2 =	por !p2, p0  }
0x20: {  	[sflag:s8] =	ssyncset.s32 @!p0 $0xFFFFF086;
	s6 =	sadd.s32 @!p0 s3, s7;
	s7 =	simm.s32 @!p0 $0x108  }
0x21: {  	s3 =	sadd.s32 s3, s9;
	s6 =	sadd.s32 @!p0 $0x88, s6;
	s7 =	simm.s32 @p2 $0x1082  }
0x22: {  	[simem:s7], [sflag:s8] =	dma.local @!p0 [hbm:s6], $0xF7A  }
0x23: {  	s9 =	sor.u32 $0xD0000000, s2;
	s6 =	simm.s32 $0x108;
	_ =	swait.ge @!p0 [sflag:s8], $0x0  }
0x24: {  	s3 =	sadd.s32 $0x88, s3;
	s6 =	simm.s32 @!p1 $0x1082;
	[sflag:s4] =	ssyncset.s32 $0xFFFFF086  }
0x25: {  	[simem:s6], [sflag:s4] =	dma.local [hbm:s3], $0xF7A  }
0x26: {  	[smem:$0x3F89] =	sst s1;
	(tag) =	ssettag s2;
	_ =	strace s9  }
0x27: {  	s1 =	sld [smem:$0x3F99]  }
0x28: {  	s2 =	sld [smem:$0x3F9A]  }
0x29: {  	s4 =	sld [smem:$0x3F9C]  }
0x2a: {  	p0 =	seq.s32 s5, $0x0;
	s5 =	sld [smem:$0x3F9D]  }
0x2b: {  	s6 =	sld [smem:$0x3F9E]  }
0x2c: {  	s7 =	sld [smem:$0x3F9F]  }
0x2d: {  	s3 =	simm.s32 $0x108;
	s8 =	sld [smem:$0x3FA0]  }
0x2e: {  	s3 =	simm.s32 @!p0 $0x1082;
	s9 =	sld [smem:$0x3FA1]  }
0x2f: {  	lr =	sadd.s32 s0, s3;
	s0 =	sld [smem:$0x3F98]  }
0x30: {  	s3 =	sld [smem:$0x3F9B]  }
0x31: {  	[smem:$0x3FA4] =	sst s10  }
0x32: {  	s10 =	sld [smem:$0x3FA2];
	_ =	sdelay $0x3  }
0x33: {  	p0 =	seq.s32 s10, $0x1;
	s10 =	sld [smem:$0x3FA4];
	_ =	sdelay $0x3  }
0x34: {  	[smem:$0x3FA4] =	sst s10  }
0x35: {  	s10 =	sld [smem:$0x3FA3];
	_ =	sdelay $0x3  }
0x36: {  	p1 =	seq.s32 s10, $0x1;
	s10 =	sld [smem:$0x3FA4];
	_ =	sdelay $0x3  }
0x37: {  	[smem:$0x3FA4] =	sst s10  }
0x38: {  	s10 =	sld [smem:$0x3FA5]  }
0x39: {  	_ = 	snop;
	(pc) =	sbr.ind lr, $3  }
0x3a: {  	_ = 	snop  }
0x3b: {  	_ = 	snop  }
0x3c: {  	p2 =	seq.s32 s10, $0x1;
	s10 =	sld [smem:$0x3FA4]  }
0x3d: {  	_ =	shalt  }
0x3e: {  	_ =	shalt  }
0x3f: {  	_ =	shalt  }
0x40: {  	_ =	shalt  }
0x41: {  	_ =	shalt  }
0x42: {  	_ =	shalt  }
0x43: {  	_ =	shalt  }
0x44: {  	_ =	shalt  }
0x45: {  	_ =	shalt  }
0x46: {  	_ =	shalt  }
0x47: {  	_ =	shalt  }
0x48: {  	_ =	shalt  }
0x49: {  	_ =	shalt  }
0x4a: {  	_ =	shalt  }
0x4b: {  	_ =	shalt  }
0x4c: {  	_ =	shalt  }
0x4d: {  	_ =	shalt  }
0x4e: {  	_ =	shalt  }
0x4f: {  	_ =	shalt  }
0x50: {  	_ =	shalt  }
0x51: {  	_ =	shalt  }
0x52: {  	_ =	shalt  }
0x53: {  	_ =	shalt  }
0x54: {  	_ =	shalt  }
0x55: {  	_ =	shalt  }
0x56: {  	_ =	shalt  }
0x57: {  	_ =	shalt  }
0x58: {  	_ =	shalt  }
0x59: {  	_ =	shalt  }
0x5a: {  	_ =	shalt  }
0x5b: {  	_ =	shalt  }
0x5c: {  	_ =	shalt  }
0x5d: {  	_ =	shalt  }
0x5e: {  	_ =	shalt  }
0x5f: {  	_ =	shalt  }
0x60: {  	_ =	shalt  }
0x61: {  	_ =	shalt  }
0x62: {  	_ =	shalt  }
0x63: {  	_ =	shalt  }
0x64: {  	_ =	shalt  }
0x65: {  	_ =	shalt  }
0x66: {  	_ =	shalt  }
0x67: {  	_ =	shalt  }
0x68: {  	_ =	shalt  }
0x69: {  	_ =	shalt  }
0x6a: {  	_ =	shalt  }
0x6b: {  	_ =	shalt  }
0x6c: {  	_ =	shalt  }
0x6d: {  	_ =	shalt  }
0x6e: {  	_ =	shalt  }
0x6f: {  	_ =	shalt  }
0x70: {  	_ =	shalt  }
0x71: {  	_ =	shalt  }
0x72: {  	_ =	shalt  }
0x73: {  	_ =	shalt  }
0x74: {  	_ =	shalt  }
0x75: {  	_ =	shalt  }
0x76: {  	_ =	shalt  }
0x77: {  	_ =	shalt  }
0x78: {  	_ =	shalt  }
0x79: {  	_ =	shalt  }
0x7a: {  	_ =	shalt  }
0x7b: {  	_ =	shalt  }
0x7c: {  	_ =	shalt  }
0x7d: {  	_ =	shalt  }
0x7e: {  	_ =	shalt  }
0x7f: {  	_ =	shalt  }
0x80: {  	_ =	shalt  }
0x81: {  	_ =	shalt  }
0x82: {  	_ =	shalt  }
0x83: {  	_ =	shalt  }
0x84: {  	_ =	shalt  }
0x85: {  	_ =	shalt  }
0x86: {  	_ =	shalt  }
0x87: {  	_ =	shalt  }
.Lfunc_end0:
.L_simem_size_0:
called_computation_lowered:
.L_overlay_start_0:
0x88: {  	s2 =	sld [smem:$0x3FD9]  }
0x89: {  	s3 =	sld [smem:$0x3FFE];
	_ =	sdelay $0x1  }
0x8a: {  	s1 =	srdreg.scid  }
0x8b: {  	s0 =	sand.u32 $0x1, s1  }
0x8c: {  	s16 =	sshll.u32 s0, $0xA;
	s2 =	sadd.s32 s3, s2  }
0x8d: {  	s2 =	sadd.s32 s2, s16  }
0x8e: {  	[smem:$0x3FB0] =	sst s2  }
0x8f: {  	_ = 	snop  }
0x90: {  	(tm) =	ssettm $0x1  }
0x91: {  	s17 =	sld [smem:$0x3FFB];
	_ =	sdelay $0x3  }
0x92: {  	_ =	strace s17  }
0x93: {  	s2 =	sld [smem:$0x3FFC];
	_ =	sdelay $0x3  }
0x94: {  	_ =	strace s2  }
0x95: {  	s2 =	sld [smem:$0x3FFD];
	_ =	sdelay $0x3  }
0x96: {  	_ =	strace s2  }
0x97: {  	_ =	strace $0x8FFFFFFF  }
0x98: {  	s18 =	sld [smem:$0x3FDB];
	_ =	sdelay $0x1  }
0x99: {  	s19 =	simm.s32 $_scs_section_size  }
0x9a: {  	s4 =	simm.s32 $_size__tile_overlayer_lowered;
	s5 =	simm.s32 $_tile_overlayer_lowered  }
0x9b: {  	s22 =	simm.s32 $0x1BFF;
	s21 =	sshll.u32 s5, $0x1;
	s2 =	sadd.s32 s19, s18  }
0x9c: {  	s6 =	simm.s32 $0x0;
	s20 =	sshll.u32 s4, $0x1;
	s4 =	sadd.s32 s21, s2  }
0x9d: {  	[timem:s6], [sflag:s22] =	dma.local [hbm:s4], s20  }
0x9e: {  	_ =	swait.ge [sflag:s22], s20  }
0x9f: {  	s3 =	ssub.s32 $0x0, s20;
	[sflag:s22] =	ssyncset.done $0x0  }
0xa0: {  	[sflag:s22] =	ssyncadd.s32 s3;
	_ =	sdelay $0x1  }
0xa1: {  	s23 =	simm.s32 $0x1B8B  }
0xa2: {  	_ =	swait.ge [sflag:s23], $0x1  }
0xa3: {  	[sflag:s23] =	ssyncset.done $0x0  }
0xa4: {  	s25 =	simm.s32 $0x1B8E;
	s24 =	sld [smem:$0x3FFE];
	[sflag:s23] =	ssyncadd.s32 $0xFFFFFFFF  }
0xa5: {  	s26 =	simm.s32 $execute0_lowered;
	[smem:$0x3FD2] =	sst s25  }
0xa6: {  	s4 =	sshll.u32 s26, $0x1;
	_ =	strace $0x80000046;
	[dreg:$0x1] =	wrdreg $0xFFFFFFFF  }
0xa7: {  	s28 =	simm.s32 $_size_execute0_lowered;
	s2 =	sadd.s32 s2, s4;
	[dreg:$0x0] =	wrdreg $0x0  }
0xa8: {  	s4 =	sshll.u32 s28, $0x1;
	[dreg:$0x2] =	wrdreg s2  }
0xa9: {  	[dreg:$0x3] =	wrdreg s4  }
0xaa: {  	[dreg:$0x4] =	wrdreg $0xC0  }
0xab: {  	_ =	task [dreg:s6], $0x5FFFF  }
0xac: {  	[dreg:$0x1] =	wrdreg $0xFFFFFFFF  }
0xad: {  	[dreg:$0x0] =	wrdreg $0x60  }
0xae: {  	[dreg:$0x2] =	wrdreg s24  }
0xaf: {  	[dreg:$0x3] =	wrdreg $0xA9000  }
0xb0: {  	[dreg:$0x4] =	wrdreg $0x9  }
0xb1: {  	_ =	task.clear_ibuf [dreg:s6], $0x5FFFF;
	_ =	strace $0x90000046  }
0xb2: {  	s29 =	simm.s32 $0x9;
	_ =	strace $0x80000048  }
0xb3: {  	_ =	swait.ge [sflag:s29], $0x1  }
0xb4: {  	[sflag:s29] =	ssyncadd.s32 $0xFFFFFFFF  }
0xb5: {  	_ =	strace $0x90000048  }
0xb6: {  	_ =	sfence  }
0xb7: {  	s30 =	sld [smem:$0x0];
	_ =	sdelay $0x2  }
0xb8: {  	s31 =	sshll.u32 s1, $0xD;
	s1 =	sshrl.u32 s1, $0x2  }
0xb9: {  	s3 =	sand.u32 $0x4000, s31;
	s1 =	sadd.s32 s1, s30  }
0xba: {  	s0 =	sor.u32 s3, s0;
	s1 =	sshll.u32 s1, $0x11  }
0xbb: {  	s0 =	sor.u32 s1, s0  }
0xbc: {  	s0 =	sadd.s32 $0x8F2B, s0  }
0xbd: {  	[sflag:s0] =	ssyncadd.remote.s32 $0x1  }
0xbe: {  	_ =	sfence.sel $0xFFFF  }
0xbf: {  	[dreg:$0x0] =	wrdreg $0xFFFFFFFF;
	(pc) =	sbr.abs _section_cstart, $3  }
0xc0: {  	[dreg:$0x1] =	wrdreg $0xFFFFFFFF  }
0xc1: {  	_ =	task.clear_ibuf [dreg:s6], $0x2FFFF;
	_ =	strace $0x9FFFFFFF  }
0xc2: {  	(tm) =	ssettm $0x7FFFFFFF  }
0xc3: {  	_ =	shalt  }
tec
execute0_lowered:
.L_overlay_start_1:
0x0: {  	(tag) =	ssettag $0x1  }
0x1: {  	s0 =	srdreg.scid;
	s1 =	rddreg [dreg:$0x0]  }
0x2: {  	s15 =	stileid.u32;
	s2 =	rddreg [dreg:$0x1]  }
0x3: {  	s16 =	simm.s32 $0x5;
	s19 =	simm.s32 $0x80;
	s20 =	simm.s32 $0x2900  }
0x4: {  	s21 =	simm.s32 $0x6900;
	s28 =	simm.s32 $0x2800;
	s29 =	simm.s32 $0x2880  }
0x5: {  	s30 =	simm.s32 $0x0;
	s0 =	sand.u32 $0x1, s0;
	s7 =	smul.u32 $0x14000, s15  }
0x6: {  	s3 =	sshll.u32 s15, $0x1;
	s4 =	sadd.s32 $0x6000, s1;
	s23 =	smul.u32 $0x50000, s15  }
0x7: {  	s14 =	sadd.s32 $0x2E000, s1;
	s25 =	smul.u32 $0x5000, s15;
	s31 =	sshll.u32 s15, $0x6  }
0x8: {  	s15 =	simm.s32 $0x100;
	s5 =	sor.u32 s0, s3;
	s8 =	smul.u32 $0x140000, s0  }
0x9: {  	s3 =	simm.s32 $0x0;
	s22 =	ssub.s32 $0x2, s0;
	s0 =	smul.u32 $0x2800, s0  }
0xa: {  	s17 =	sor.u32 $0x1C05, s31;
	s6 =	smul.u32 $0x500, s5;
	[smem:$0x7FF] =	sst s3  }
0xb: {  	s9 =	sshrl.u32 s7, $0x3;
	s10 =	sshrl.u32 s22, $0x1;
	s11 =	smul.u32 $0x2800, s5  }
0xc: {  	_ =	strace $0x80000047;
	s9 =	sadd.s32 s9, s1;
	s7 =	sadd.s32 s7, s8  }
0xd: {  	s12 =	ssub.s32 s22, s10;
	s0 =	sadd.s32 s0, s25;
	s22 =	simm.s32 $0x1  }
0xe: {  	s6 =	sadd.s32 s6, s1;
	s7 =	sshrl.u32 s7, $0x3;
	s24 =	sshrl.u32 s11, $0x3  }
0xf: {  	s26 =	sor.u32 $0x200, s0;
	s0 =	sor.u32 $0x180, s0;
	s12 =	smax.u32 s12, $0x1  }
0x10: {  	s1 =	sadd.s32 s7, s1;
	s5 =	sadd.s32 $0x38000, s6;
	s7 =	sshrl.u32 s23, $0x2  }
0x11: {  	s6 =	sadd.s32 s14, s24;
	s0 =	sshrl.u32 s0, $0x3;
	s23 =	simm.s32 $0x3  }
0x12: {  	s24 =	simm.s32 $0x2;
	s18 =	sadd.s32 s7, s2;
	s7 =	sadd.s32 $0x42000, s9  }
0x13: {  	s8 =	sadd.s32 $0x10, s6;
	s9 =	sadd.s32 $0x20, s6;
	s10 =	sadd.s32 $0x4F0, s6  }
0x14: {  	s11 =	sadd.s32 $0x6A000, s1;
	s1 =	sshrl.u32 s26, $0x3;
	s26 =	simm.s32 $0x4  }
0x15: {  	s13 =	sadd.s32 s1, s14;
	s14 =	sadd.s32 s0, s14;
	s18 =	sshrl.u32 s18, $0x3  }
.LBB2_1:
0x16: {  	[tilespmem:s15], [sflag:$0x5] =	stream.linear.gather [hbm4b:s5+s3], $0x2800, $0x38;
	[tilespmem:$0x1E900] =	vst v63  }
0x17: {  	_ =	swait.ge [sflag:s16], $0x2800  }
0x18: {  	[sflag:s16] =	ssyncset.done $0x0  }
0x19: {  	[sflag:s16] =	ssyncadd.s32 $0xFFFFD800  }
0x1a: {  	[spmem:s18], [sflag:s17] =	dma.local [hbm:s7], $0x2800  }
0x1b: {  	_ =	swait.ge [sflag:s16], $0x2800  }
0x1c: {  	[sflag:s16] =	ssyncset.done $0x0  }
0x1d: {  	[sflag:s16] =	ssyncadd.s32 $0xFFFFD800  }
0x1e: {  	[tilespmem:s3], [sflag:$0x5] =	stream.linear.gather [hbm4b:s6+s3], $0x80, $0x38;
	[tilespmem:$0x1E900] =	vst v63  }
0x1f: {  	_ =	swait.ge [sflag:s16], $0x80  }
0x20: {  	[sflag:s16] =	ssyncset.done $0x0  }
0x21: {  	[sflag:s16] =	ssyncadd.s32 $0xFFFFFF80  }
0x22: {  	[tilespmem:s20], [sflag:$0x1] =	stream.indirect.gather [hbm4b:s4+s19], $0x80, s3, s19, $0xb8;
	[tilespmem:$0x1E900] =	vst v63  }
0x23: {  	[bflag:$0x0] =	sbarrier.arrive $0xFFFF  }
0x24: {  	[tilespmem:s19], [sflag:$0x5] =	stream.linear.gather [hbm4b:s8+s3], $0x80, $0x38;
	[tilespmem:$0x1E900] =	vst v63  }
0x25: {  	_ =	swait.ge [sflag:s16], $0x80  }
0x26: {  	[sflag:s16] =	ssyncset.done $0x0  }
0x27: {  	[sflag:s16] =	ssyncadd.s32 $0xFFFFFF80  }
0x28: {  	[tilespmem:s21], [sflag:$0x2] =	stream.indirect.gather [hbm4b:s4+s19], $0x80, s19, s19, $0xb8;
	[tilespmem:$0x1E900] =	vst v63  }
0x29: {  	_ =	swait.ge [sflag:s22], $0x4000  }
0x2a: {  	[sflag:s22] =	ssyncset.done $0x0  }
0x2b: {  	[sflag:s22] =	ssyncadd.s32 $0xFFFFC000  }
0x2c: {  	[spmem:s2] =	stream.indirect.scatter.add.f32 [tilespmem:s20], [sflag:$0x3], $0x80, s15, s19, $0xb8;
	[tilespmem:$0x1E900] =	vst v63  }
0x2d: {  	_ = 	snop  }
0x2e: {  	[tilespmem:s3], [sflag:$0x5] =	stream.linear.gather [hbm4b:s9+s3], $0x80, $0x38;
	[tilespmem:$0x1E900] =	vst v63  }
0x2f: {  	_ =	swait.ge [sflag:s16], $0x80  }
0x30: {  	[sflag:s16] =	ssyncset.done $0x0  }
0x31: {  	[sflag:s16] =	ssyncadd.s32 $0xFFFFFF80  }
0x32: {  	_ =	swait.ge [sflag:s23], $0x4000  }
0x33: {  	[sflag:s23] =	ssyncset.done $0x0  }
0x34: {  	[sflag:s23] =	ssyncadd.s32 $0xFFFFC000  }
0x35: {  	[tilespmem:s20], [sflag:$0x1] =	stream.indirect.gather [hbm4b:s4+s19], $0x80, s3, s19, $0xb8;
	[tilespmem:$0x1E900] =	vst v63  }
0x36: {  	_ =	swait.ge [sflag:s24], $0x4000  }
0x37: {  	[sflag:s24] =	ssyncset.done $0x0  }
0x38: {  	s0 =	simm.s32 $0x180;
	[sflag:s24] =	ssyncadd.s32 $0xFFFFC000  }
0x39: {  	[spmem:s2] =	stream.indirect.scatter.add.f32 [tilespmem:s21], [sflag:$0x4], $0x80, s0, s19, $0xb8;
	[tilespmem:$0x1E900] =	vst v63  }
0x3a: {  	s25 =	sadd.s32 $0x0, s14  }
0x3b: {  	[tilespmem:s19], [sflag:$0x5] =	stream.linear.gather [hbm4b:s25+s3], $0x80, $0x38;
	[tilespmem:$0x1E900] =	vst v63  }
0x3c: {  	_ =	swait.ge [sflag:s16], $0x80  }
0x3d: {  	[sflag:s16] =	ssyncset.done $0x0  }
0x3e: {  	[sflag:s16] =	ssyncadd.s32 $0xFFFFFF80  }
0x3f: {  	_ =	swait.ge [sflag:s26], $0x4000  }
0x40: {  	[sflag:s26] =	ssyncset.done $0x0  }
0x41: {  	[sflag:s26] =	ssyncadd.s32 $0xFFFFC000  }
0x42: {  	[tilespmem:s21], [sflag:$0x2] =	stream.indirect.gather [hbm4b:s4+s19], $0x80, s19, s19, $0xb8;
	[tilespmem:$0x1E900] =	vst v63  }
0x43: {  	_ =	swait.ge [sflag:s22], $0x4000  }
0x44: {  	[sflag:s22] =	ssyncset.done $0x0  }
0x45: {  	s1 =	simm.s32 $0x200;
	[sflag:s22] =	ssyncadd.s32 $0xFFFFC000  }
0x46: {  	[spmem:s2] =	stream.indirect.scatter.add.f32 [tilespmem:s20], [sflag:$0x3], $0x80, s1, s19, $0xb8;
	[tilespmem:$0x1E900] =	vst v63  }
0x47: {  	s25 =	sadd.s32 $0x0, s13  }
0x48: {  	[tilespmem:s3], [sflag:$0x5] =	stream.linear.gather [hbm4b:s25+s3], $0x80, $0x38;
	[tilespmem:$0x1E900] =	vst v63  }
0x49: {  	_ =	swait.ge [sflag:s16], $0x80  }
0x4a: {  	[sflag:s16] =	ssyncset.done $0x0  }
0x4b: {  	[sflag:s16] =	ssyncadd.s32 $0xFFFFFF80  }
0x4c: {  	_ =	swait.ge [sflag:s23], $0x4000  }
0x4d: {  	[sflag:s23] =	ssyncset.done $0x0  }
0x4e: {  	[sflag:s23] =	ssyncadd.s32 $0xFFFFC000  }
0x4f: {  	[tilespmem:s20], [sflag:$0x1] =	stream.indirect.gather [hbm4b:s4+s19], $0x80, s3, s19, $0xb8;
	[tilespmem:$0x1E900] =	vst v63  }
0x50: {  	_ =	swait.ge [sflag:s24], $0x4000  }
0x51: {  	s31 =	simm.s32 $0x20;
	[sflag:s24] =	ssyncset.done $0x0  }
0x52: {  	s0 =	simm.s32 $0x280;
	s1 =	simm.s32 $0x300;
	[sflag:s24] =	ssyncadd.s32 $0xFFFFC000  }
.LBB2_2:
0x53: {  	[spmem:s2] =	stream.indirect.scatter.add.f32 [tilespmem:s21], [sflag:$0x4], $0x80, s0, s19, $0xb8;
	[tilespmem:$0x1E900] =	vst v63  }
0x54: {  	s0 =	smov.u32 s31  }
0x55: {  	p0 =	sne.s32 s31, $0x4A0;
	s31 =	sadd.s32 $0x20, s31;
	s25 =	sadd.s32 s0, s14  }
0x56: {  	[tilespmem:s19], [sflag:$0x5] =	stream.linear.gather [hbm4b:s25+s3], $0x80, $0x38;
	[tilespmem:$0x1E900] =	vst v63  }
0x57: {  	_ =	swait.ge [sflag:s16], $0x80  }
0x58: {  	[sflag:s16] =	ssyncset.done $0x0  }
0x59: {  	[sflag:s16] =	ssyncadd.s32 $0xFFFFFF80  }
0x5a: {  	_ =	swait.ge [sflag:s26], $0x4000  }
0x5b: {  	[sflag:s26] =	ssyncset.done $0x0  }
0x5c: {  	[sflag:s26] =	ssyncadd.s32 $0xFFFFC000  }
0x5d: {  	[tilespmem:s21], [sflag:$0x2] =	stream.indirect.gather [hbm4b:s4+s19], $0x80, s19, s19, $0xb8;
	[tilespmem:$0x1E900] =	vst v63  }
0x5e: {  	_ =	swait.ge [sflag:s22], $0x4000  }
0x5f: {  	[sflag:s22] =	ssyncset.done $0x0  }
0x60: {  	[sflag:s22] =	ssyncadd.s32 $0xFFFFC000  }
0x61: {  	[spmem:s2] =	stream.indirect.scatter.add.f32 [tilespmem:s20], [sflag:$0x3], $0x80, s1, s19, $0xb8;
	[tilespmem:$0x1E900] =	vst v63  }
0x62: {  	s0 =	sadd.s32 s0, s13  }
0x63: {  	[tilespmem:s3], [sflag:$0x5] =	stream.linear.gather [hbm4b:s0+s3], $0x80, $0x38;
	[tilespmem:$0x1E900] =	vst v63  }
0x64: {  	_ =	swait.ge [sflag:s16], $0x80  }
0x65: {  	[sflag:s16] =	ssyncset.done $0x0  }
0x66: {  	[sflag:s16] =	ssyncadd.s32 $0xFFFFFF80  }
0x67: {  	_ =	swait.ge [sflag:s23], $0x4000  }
0x68: {  	[sflag:s23] =	ssyncset.done $0x0  }
.Ltmp0:
0x69: {  	[sflag:s23] =	ssyncadd.s32 $0xFFFFC000;
	(pc) =	sbr.rel @p0 .LBB2_2-.Ltmp0, $4  }
0x6a: {  	[tilespmem:s20], [sflag:$0x1] =	stream.indirect.gather [hbm4b:s4+s19], $0x80, s3, s19, $0xb8;
	[tilespmem:$0x1E900] =	vst v63  }
0x6b: {  	_ =	swait.ge [sflag:s24], $0x4000  }
0x6c: {  	[sflag:s24] =	ssyncset.done $0x0  }
0x6d: {  	s0 =	sadd.s32 $0x80, s1;
	s1 =	sadd.s32 $0x100, s1;
	[sflag:s24] =	ssyncadd.s32 $0xFFFFC000  }
0x6e: {  	[spmem:s2] =	stream.indirect.scatter.add.f32 [tilespmem:s21], [sflag:$0x4], $0x80, s0, s19, $0xb8;
	[tilespmem:$0x1E900] =	vst v63  }
0x6f: {  	_ = 	snop  }
0x70: {  	[tilespmem:s19], [sflag:$0x5] =	stream.linear.gather [hbm4b:s10+s3], $0x80, $0x38;
	[tilespmem:$0x1E900] =	vst v63  }
0x71: {  	_ =	swait.ge [sflag:s16], $0x80  }
0x72: {  	[sflag:s16] =	ssyncset.done $0x0  }
0x73: {  	[sflag:s16] =	ssyncadd.s32 $0xFFFFFF80  }
0x74: {  	_ =	swait.ge [sflag:s26], $0x4000  }
0x75: {  	[sflag:s26] =	ssyncset.done $0x0  }
0x76: {  	[sflag:s26] =	ssyncadd.s32 $0xFFFFC000  }
0x77: {  	[tilespmem:s21], [sflag:$0x2] =	stream.indirect.gather [hbm4b:s4+s19], $0x80, s19, s19, $0xb8;
	[tilespmem:$0x1E900] =	vst v63  }
0x78: {  	_ =	swait.ge [sflag:s22], $0x4000  }
0x79: {  	[sflag:s22] =	ssyncset.done $0x0  }
0x7a: {  	[sflag:s22] =	ssyncadd.s32 $0xFFFFC000  }
0x7b: {  	[spmem:s2] =	stream.indirect.scatter.add.f32 [tilespmem:s20], [sflag:$0x3], $0x80, s28, s19, $0xb8;
	[tilespmem:$0x1E900] =	vst v63  }
0x7c: {  	_ =	swait.ge [sflag:s24], $0x4000  }
0x7d: {  	[sflag:s24] =	ssyncset.done $0x0  }
0x7e: {  	[sflag:s24] =	ssyncadd.s32 $0xFFFFC000  }
0x7f: {  	[spmem:s2] =	stream.indirect.scatter.add.f32 [tilespmem:s21], [sflag:$0x4], $0x80, s29, s19, $0xb8;
	[tilespmem:$0x1E900] =	vst v63  }
0x80: {  	_ =	swait.ge [sflag:s23], $0x4000  }
0x81: {  	[sflag:s23] =	ssyncset.done $0x0  }
0x82: {  	[sflag:s23] =	ssyncadd.s32 $0xFFFFC000  }
0x83: {  	_ =	swait.ge [sflag:s26], $0x4000  }
0x84: {  	s30 =	sadd.s32 $0x1, s30;
	[sflag:s26] =	ssyncset.done $0x0  }
0x85: {  	p0 =	sne.s32 s30, s12;
	[sflag:s26] =	ssyncadd.s32 $0xFFFFC000  }
.Ltmp1:
0x86: {  	[bflag:$0x0] =	sbarrier.arrive $0xFFFF;
	(pc) =	sbr.rel @p0 .LBB2_1-.Ltmp1, $4  }
0x87: {  	[hbm:s11], [sflag:s17] =	dma.local [spmem:s18], $0x2800  }
0x88: {  	_ =	swait.ge [sflag:s16], $0x2800  }
0x89: {  	[sflag:s16] =	ssyncset.done $0x0  }
0x8a: {  	[sflag:s16] =	ssyncadd.s32 $0xFFFFD800  }
0x8b: {  	_ =	sfence.sel $0x180000  }
0x8c: {  	[bflag:$0x0] =	sbarrier.arrive $0xFFFF  }
0x8d: {  	_ =	strace $0x90000047  }
0x8e: {  	s0 =	stileid.u32;
	[bflag:$0x2] =	sbarrier.arrive $0xFFFF  }
0x8f: {  	p0 =	sne.s32 s0, $0x0;
	s0 =	rddreg [dreg:$0x2]  }
0x90: {  	s0 =	sadd.s32 @!p0 $0x100000, s0  }
0x91: {  	[sflag:s0] =	ssyncadd.tile.s32 @!p0 $0x1;
	_ =	shalt  }
.Lfunc_end2:
_tile_overlayer_lowered:
.L_overlay_start_2:
0x92: {  	(tag) =	ssettag $0x2  }
0x93: {  	s0 =	rddreg [dreg:$0x0];
	s2 =	stileid.u32  }
0x94: {  	s1 =	rddreg [dreg:$0x1];
	p0 =	sne.s32 s2, $0x0  }
0x95: {  	s3 =	rddreg [dreg:$0x2];
	[bflag:$0x3] =	sbarrier.arrive $0xFFFF;
	s2 =	simm.s32 @!p0 $0x1C05  }
0x96: {  	[timem:s3], [sflag:s2] =	dma.local @!p0 [hbm:s0], s1  }
0x97: {  	s0 =	simm.s32 @!p0 $0x5  }
0x98: {  	_ =	swait.ge @!p0 [sflag:s0], s1  }
0x99: {  	s1 =	ssub.s32 @!p0 $0x0, s1;
	[sflag:s0] =	ssyncset.done @!p0 $0x0  }
0x9a: {  	[sflag:s0] =	ssyncadd.s32 @!p0 s1  }
0x9b: {  	[bflag:$0x3] =	sbarrier.arrive $0xFFFF  }
0x9c: {  	_ =	shalt  }

</sc_bundles>
